<compile_context>
chip_gen: v7x
topology: tpu7x:2x2x1
jax: 0.10.2.dev20260603
libtpu: 0.0.44.dev20260713+nightly
codegen_flags: <defaults>
</compile_context>

<pallas_src>
import functools

import jax
import jax.numpy as jnp
from jax import lax
from jax.experimental import pallas as pl
from jax.experimental.pallas import tpu as pltpu
from jax.experimental.pallas import tpu_sc as plsc

_N = 10000
_E = 320000
_C = 64
_DIN = 128

_NCORES = 2
_NSUB = 16
_EPT = _E // _NSUB
_K = 40
_NCH = _EPT // _K
_NPAD = 10240
_RPT = _NPAD // _NSUB

_PCOLS = 544


def _proj_body(x_ref, w_ref, b_ref, stl_o, stg_o, qtl_o, qtg_o, xrl_o, xrg_o):
    r = (
        jnp.dot(x_ref[...], w_ref[...], preferred_element_type=jnp.float32)
        + b_ref[...]
    )
    stl_o[...] = r[:, 0:128]
    stg_o[...] = r[:, 128:256]
    qtl_o[...] = r[:, 256:336]
    qtg_o[...] = r[:, 336:416]
    xrl_o[...] = r[:, 416:480]
    xrg_o[...] = r[:, 480:544]


def _project(x, wcat_t, bcat):
    bn = 1000
    return pl.pallas_call(
        _proj_body,
        grid=(_N // bn,),
        in_specs=[
            pl.BlockSpec((bn, _DIN), lambda i: (i, 0)),
            pl.BlockSpec((_DIN, _PCOLS), lambda i: (0, 0)),
            pl.BlockSpec((1, _PCOLS), lambda i: (0, 0)),
        ],
        out_specs=[
            pl.BlockSpec((bn, 128), lambda i: (i, 0)),
            pl.BlockSpec((bn, 128), lambda i: (i, 0)),
            pl.BlockSpec((bn, 80), lambda i: (i, 0)),
            pl.BlockSpec((bn, 80), lambda i: (i, 0)),
            pl.BlockSpec((bn, 64), lambda i: (i, 0)),
            pl.BlockSpec((bn, 64), lambda i: (i, 0)),
        ],
        out_shape=[
            jax.ShapeDtypeStruct((_N, 128), jnp.float32),
            jax.ShapeDtypeStruct((_N, 128), jnp.float32),
            jax.ShapeDtypeStruct((_N, 80), jnp.float32),
            jax.ShapeDtypeStruct((_N, 80), jnp.float32),
            jax.ShapeDtypeStruct((_N, 64), jnp.float32),
            jax.ShapeDtypeStruct((_N, 64), jnp.float32),
        ],
    )(x, wcat_t, bcat)


def _edge_body(stl_hbm, stg_hbm, qtl_hbm, qtg_hbm, ea_hbm, src_hbm, dst_hbm,
               zv_hbm,
               acc_out,
               idx_s, idx_d, eab0, eab1, st0, st1, qt0, qt1, mb0, mb1,
               es0, es1, ss0, ss1, qs0, qs1, sc0, sc1, acc_sh):
    cid = lax.axis_index("c")
    sid = lax.axis_index("s")
    lane = lax.iota(jnp.int32, 16)
    xidx = [(lane ^ sh)[:, None] for sh in (8, 4, 2, 1)]
    _dn = lax.GatherDimensionNumbers(
        offset_dims=(), collapsed_slice_dims=(0,), start_index_map=(0,))

    def hsum16(v):
        for ix in xidx:
            v = v + lax.gather(v, ix, dimension_numbers=_dn, slice_sizes=(1,),
                               mode=lax.GatherScatterMode.PROMISE_IN_BOUNDS)
        return v

    eabs = (eab0, eab1)
    sts = (st0, st1)
    qts = (qt0, qt1)
    mbs = (mb0, mb1)
    esem = (es0, es1)
    ssem = (ss0, ss1)
    qsem = (qs0, qs1)
    csem = (sc0, sc1)

    r0 = sid * _RPT
    pltpu.sync_copy(zv_hbm, acc_sh.at[pl.ds(r0, _RPT)])
    pltpu.sync_copy(src_hbm.at[sid], idx_s)
    pltpu.sync_copy(dst_hbm.at[sid], idx_d)
    plsc.subcore_barrier()

    base0 = sid * _EPT

    def start_dmas(ci, b):
        eb = base0 + ci * _K
        pltpu.async_copy(ea_hbm.at[pl.ds(eb, _K)], eabs[b], esem[b])

        @pl.when(cid == 0)
        def _():
            pltpu.async_copy(stl_hbm.at[idx_s.at[ci]], sts[b], ssem[b])
            pltpu.async_copy(qtl_hbm.at[idx_d.at[ci]], qts[b], qsem[b])

        @pl.when(cid == 1)
        def _():
            pltpu.async_copy(stg_hbm.at[idx_s.at[ci]], sts[b], ssem[b])
            pltpu.async_copy(qtg_hbm.at[idx_d.at[ci]], qts[b], qsem[b])

    def wait_dmas(b):
        pltpu.make_async_copy(ea_hbm.at[pl.ds(0, _K)], eabs[b], esem[b]).wait()
        pltpu.make_async_copy(stl_hbm.at[pl.ds(0, _K)], sts[b], ssem[b]).wait()
        pltpu.make_async_copy(qtl_hbm.at[pl.ds(0, _K)], qts[b], qsem[b]).wait()

    def wait_scatter(b):
        pltpu.make_async_copy(acc_out.at[pl.ds(0, _K)], mbs[b], csem[b]).wait()

    _UNR = 8
    mlt4 = lane < 4
    mlt8 = lane < 8
    mlt12 = lane < 12
    bidx = [jnp.full((16, 1), 4 * u, jnp.int32) for u in range(4)]

    def gat(v, ix):
        return lax.gather(v, ix, dimension_numbers=_dn, slice_sizes=(1,),
                          mode=lax.GatherScatterMode.PROMISE_IN_BOUNDS)

    def compute_chunk(b):
        eabb, stb, qtb, mbb = eabs[b], sts[b], qts[b], mbs[b]

        def edge_body(ii, c2):
            i0 = ii * _UNR
            avs = []
            svs = []
            als = []
            for u in range(_UNR):
                i = i0 + u
                qv = [qtb[i, pl.ds(16 * j, 16)] for j in range(5)]
                sv = [stb[i, pl.ds(16 * j, 16)] for j in range(8)]
                av = eabb[i, :]
                al = (qv[0] * sv[0] + qv[1] * sv[1]
                      + qv[2] * sv[2] + qv[3] * sv[3] + av * qv[4])
                al = al + gat(al, xidx[0])
                al = al + gat(al, xidx[1])
                avs.append(av)
                svs.append(sv)
                als.append(al)
            ws = []
            for g in range(_UNR // 4):
                a4 = als[4 * g:4 * g + 4]
                w = jnp.where(mlt4, a4[0],
                              jnp.where(mlt8, a4[1],
                                        jnp.where(mlt12, a4[2], a4[3])))
                w = w + gat(w, xidx[2])
                w = w + gat(w, xidx[3])
                ws.append(jnp.exp(w))
            for u in range(_UNR):
                i = i0 + u
                ea = gat(ws[u // 4], bidx[u % 4])
                sv = svs[u]
                mbb[i, pl.ds(0, 16)] = ea * sv[4]
                mbb[i, pl.ds(16, 16)] = ea * sv[5]
                mbb[i, pl.ds(32, 16)] = ea * sv[6]
                mbb[i, pl.ds(48, 16)] = ea * sv[7]
                mbb[i, pl.ds(64, 16)] = ea * avs[u]
            return c2

        lax.fori_loop(0, _K // _UNR, edge_body, 0)

    start_dmas(0, 0)

    def pair_body(t, carry):
        ci0 = 2 * t
        for b in range(2):
            ci = ci0 + b

            @pl.when(ci + 1 < _NCH)
            def _():
                start_dmas(ci + 1, 1 - b)

            @pl.when(ci < _NCH)
            def _():
                wait_dmas(b)

                @pl.when(ci >= 2)
                def _():
                    wait_scatter(b)

                compute_chunk(b)
                pltpu.async_copy(mbs[b], acc_sh.at[idx_d.at[ci]], csem[b],
                                 add=True)

        return carry

    lax.fori_loop(0, (_NCH + 1) // 2, pair_body, 0)
    wait_scatter(0)
    wait_scatter(1)
    plsc.subcore_barrier()

    out0 = cid * _NPAD + r0
    pltpu.sync_copy(acc_sh.at[pl.ds(r0, _RPT)], acc_out.at[pl.ds(out0, _RPT)])


def _edge_phase(stl, stg, qtl, qtg, ea16, srci, dsti, zv):
    mesh = plsc.VectorSubcoreMesh(core_axis_name="c", subcore_axis_name="s")
    f = functools.partial(
        pl.kernel,
        mesh=mesh,
        compiler_params=pltpu.CompilerParams(use_tc_tiling_on_sc=False),
        out_type=jax.ShapeDtypeStruct((_NCORES * _NPAD, 80), jnp.float32),
        scratch_types=[
            pltpu.VMEM((_NCH, _K), jnp.int32),
            pltpu.VMEM((_NCH, _K), jnp.int32),
            pltpu.VMEM((_K, 16), jnp.float32),
            pltpu.VMEM((_K, 16), jnp.float32),
            pltpu.VMEM((_K, 128), jnp.float32),
            pltpu.VMEM((_K, 128), jnp.float32),
            pltpu.VMEM((_K, 80), jnp.float32),
            pltpu.VMEM((_K, 80), jnp.float32),
            pltpu.VMEM((_K, 80), jnp.float32),
            pltpu.VMEM((_K, 80), jnp.float32),
            pltpu.SemaphoreType.DMA,
            pltpu.SemaphoreType.DMA,
            pltpu.SemaphoreType.DMA,
            pltpu.SemaphoreType.DMA,
            pltpu.SemaphoreType.DMA,
            pltpu.SemaphoreType.DMA,
            pltpu.SemaphoreType.DMA,
            pltpu.SemaphoreType.DMA,
            pltpu.VMEM_SHARED((_NPAD, 80), jnp.float32),
        ],
    )(_edge_body)
    return f(stl, stg, qtl, qtg, ea16, srci, dsti, zv)


def _fin_body(al_ref, ag_ref, xrl_ref, xrg_ref,
              wel_ref, weg_ref, ul_ref, vl_ref, ug_ref, vg_ref,
              wf1_ref, wf2_ref, bf_ref, o_ref):
    accl = al_ref[0]
    accg = ag_ref[0]
    avl = accl[:, 0:64]
    avg = accg[:, 0:64]
    tl = accl[:, 64:68]
    tg = accg[:, 64:68]
    dl = accl[:, 68:69]
    dg = accg[:, 68:69]
    outl = (avl + jnp.dot(tl, wel_ref[...],
                          preferred_element_type=jnp.float32)) / (dl + 1e-16)
    outg = (avg + jnp.dot(tg, weg_ref[...],
                          preferred_element_type=jnp.float32)) / (dg + 1e-16)
    xrl = xrl_ref[...]
    xrg = xrg_ref[...]
    bl = jax.nn.sigmoid(
        jnp.dot(outl, ul_ref[...], preferred_element_type=jnp.float32)
        + jnp.dot(xrl, vl_ref[...], preferred_element_type=jnp.float32))
    bg = jax.nn.sigmoid(
        jnp.dot(outg, ug_ref[...], preferred_element_type=jnp.float32)
        + jnp.dot(xrg, vg_ref[...], preferred_element_type=jnp.float32))
    lo = bl * xrl + (1.0 - bl) * outl
    go = bg * xrg + (1.0 - bg) * outg
    o_ref[...] = (
        jnp.dot(lo, wf1_ref[...], preferred_element_type=jnp.float32)
        + jnp.dot(go, wf2_ref[...], preferred_element_type=jnp.float32)
        + bf_ref[...]
    )


def _finalize(acc, xrl, xrg, welt, wegt, ul, vl, ug, vg, wf1, wf2, bf2):
    bn = 1000
    return pl.pallas_call(
        _fin_body,
        grid=(_N // bn,),
        in_specs=[
            pl.BlockSpec((1, bn, 80), lambda i: (0, i, 0)),
            pl.BlockSpec((1, bn, 80), lambda i: (1, i, 0)),
            pl.BlockSpec((bn, 64), lambda i: (i, 0)),
            pl.BlockSpec((bn, 64), lambda i: (i, 0)),
            pl.BlockSpec((4, 64), lambda i: (0, 0)),
            pl.BlockSpec((4, 64), lambda i: (0, 0)),
            pl.BlockSpec((64, 1), lambda i: (0, 0)),
            pl.BlockSpec((64, 1), lambda i: (0, 0)),
            pl.BlockSpec((64, 1), lambda i: (0, 0)),
            pl.BlockSpec((64, 1), lambda i: (0, 0)),
            pl.BlockSpec((64, 128), lambda i: (0, 0)),
            pl.BlockSpec((64, 128), lambda i: (0, 0)),
            pl.BlockSpec((1, 128), lambda i: (0, 0)),
        ],
        out_specs=pl.BlockSpec((bn, 128), lambda i: (i, 0)),
        out_shape=jax.ShapeDtypeStruct((_N, 128), jnp.float32),
    )(acc, acc, xrl, xrg, welt, wegt, ul, vl, ug, vg, wf1, wf2, bf2)


def kernel(x, edge_index, edge_attr,
           Wq_l, bq_l, Wk_l, bk_l, Wv_l, bv_l, We_l, Ws_l, bs_l, Wb_l,
           Wq_g, bq_g, Wk_g, bk_g, Wv_g, bv_g, We_g, Ws_g, bs_g, Wb_g,
           Wf, bf):
    scale = 1.0 / jnp.sqrt(jnp.float32(_C))
    z12 = jnp.zeros((12, _DIN), jnp.float32)

    wcat = jnp.concatenate([
        Wk_l, Wv_l, Wk_g, Wv_g,
        Wq_l * scale, (We_l.T @ Wq_l) * scale, z12,
        Wq_g * scale, (We_g.T @ Wq_g) * scale, z12,
        Ws_l, Ws_g,
    ], axis=0)
    z12b = jnp.zeros((12,), jnp.float32)
    bcat = jnp.concatenate([
        bk_l, bv_l, bk_g, bv_g,
        bq_l * scale, (bq_l * scale) @ We_l, z12b,
        bq_g * scale, (bq_g * scale) @ We_g, z12b,
        bs_l, bs_g,
    ], axis=0)

    stl, stg, qtl, qtg, xrl, xrg = _project(x, wcat.T, bcat[None, :])

    srci = edge_index[0].reshape(_NSUB, _NCH, _K)
    dsti = edge_index[1].reshape(_NSUB, _NCH, _K)
    ones = jnp.ones((_E, 1), jnp.float32)
    ea16 = jnp.concatenate(
        [edge_attr, ones, jnp.zeros((_E, 11), jnp.float32)], axis=1)

    zv = jnp.zeros((_RPT, 80), jnp.float32)
    acc = _edge_phase(stl, stg, qtl, qtg, ea16, srci, dsti, zv)
    acc = acc.reshape(_NCORES, _NPAD, 80)

    wb1_l, wb2_l, wb3_l = Wb_l[0, 0:64], Wb_l[0, 64:128], Wb_l[0, 128:192]
    wb1_g, wb2_g, wb3_g = Wb_g[0, 0:64], Wb_g[0, 64:128], Wb_g[0, 128:192]
    ul = (wb1_l + wb3_l)[:, None]
    vl = (wb2_l - wb3_l)[:, None]
    ug = (wb1_g + wb3_g)[:, None]
    vg = (wb2_g - wb3_g)[:, None]
    wft = Wf.T
    return _finalize(acc, xrl, xrg, We_l.T, We_g.T,
                     ul, vl, ug, vg, wft[0:64, :], wft[64:128, :], bf[None, :])

# --- scband reference (transcript-rebuilt; emitter-appended) ---
"""Pipeline reference for scband-multi-scale-transformer-conv-84207128805741 (READ-ONLY COPY).

The authoritative reference and input builder live on the scoring server;
editing this copy changes nothing except your own understanding.
"""

import jax, jax.numpy as jnp
import numpy as np
import math

N = 10000
E = 320000
D_IN = 128
D_OUT = 128
ED = 4
C = 64

def setup_inputs(seed: int = 0):
    key = jax.random.key(seed)
    ks = jax.random.split(key, 32)
    def w(k, shape):
        return jax.random.normal(k, shape, dtype=jnp.float32) * 0.05
    inp = {}
    inp['x'] = jax.random.normal(ks[0], (N, D_IN), dtype=jnp.float32)
    inp['edge_index'] = jax.random.randint(ks[1], (2, E), 0, N, dtype=jnp.int32)
    inp['edge_attr'] = jax.random.normal(ks[2], (E, ED), dtype=jnp.float32)
    for sfx, off in (('l', 3), ('g', 14)):
        inp['Wq_' + sfx] = w(ks[off + 0], (C, D_IN))
        inp['bq_' + sfx] = jnp.zeros((C,), jnp.float32)
        inp['Wk_' + sfx] = w(ks[off + 1], (C, D_IN))
        inp['bk_' + sfx] = jnp.zeros((C,), jnp.float32)
        inp['Wv_' + sfx] = w(ks[off + 2], (C, D_IN))
        inp['bv_' + sfx] = jnp.zeros((C,), jnp.float32)
        inp['We_' + sfx] = w(ks[off + 3], (C, ED))
        inp['Ws_' + sfx] = w(ks[off + 4], (C, D_IN))
        inp['bs_' + sfx] = jnp.zeros((C,), jnp.float32)
        inp['Wb_' + sfx] = w(ks[off + 5], (1, 3 * C))
    inp['Wf'] = w(ks[26], (D_OUT, D_OUT))
    inp['bf'] = jnp.zeros((D_OUT,), jnp.float32)
    return inp

def _conv(x, src, dst, edge_attr, Wq, bq, Wk, bk, Wv, bv, We, Ws, bs, Wb):
    n = x.shape[0]
    c = Wq.shape[0]
    q = x @ Wq.T + bq
    k = x @ Wk.T + bk
    v = x @ Wv.T + bv
    e = edge_attr @ We.T
    kj = k[src] + e
    alpha = jnp.sum(q[dst] * kj, axis=-1) / math.sqrt(c)
    amax = jax.ops.segment_max(alpha, dst, num_segments=n)
    amax = jnp.where(jnp.isfinite(amax), amax, 0.0)
    amax = jax.lax.stop_gradient(amax)
    ea = jnp.exp(alpha - amax[dst])
    denom = jax.ops.segment_sum(ea, dst, num_segments=n)
    a = ea / (denom[dst] + 1e-16)
    msg = (v[src] + e) * a[:, None]
    out = jax.ops.segment_sum(msg, dst, num_segments=n)
    xr = x @ Ws.T + bs
    beta = jax.nn.sigmoid(jnp.concatenate([out, xr, out - xr], axis=-1) @ Wb.T)
    return beta * xr + (1.0 - beta) * out

def reference(x, edge_index, edge_attr, Wq_l, bq_l, Wk_l, bk_l, Wv_l, bv_l, We_l, Ws_l, bs_l, Wb_l, Wq_g, bq_g, Wk_g, bk_g, Wv_g, bv_g, We_g, Ws_g, bs_g, Wb_g, Wf, bf):
    src = edge_index[0]
    dst = edge_index[1]
    lo = _conv(x, src, dst, edge_attr, Wq_l, bq_l, Wk_l, bk_l, Wv_l, bv_l, We_l, Ws_l, bs_l, Wb_l)
    go = _conv(x, src, dst, edge_attr, Wq_g, bq_g, Wk_g, bk_g, Wv_g, bv_g, We_g, Ws_g, bs_g, Wb_g)
    comb = jnp.concatenate([lo, go], axis=-1)
    return comb @ Wf.T + bf

if __name__ == "__main__":
    import jax
    _d = setup_inputs()
    print(jax.jit(kernel)(*tuple(_d.values())))

</pallas_src>

<mosaic_0001>
#map = affine_map<(d0, d1) -> (0, 0)>
#map1 = affine_map<(d0, d1) -> (0, 0, 0)>
module attributes {stable_mosaic.version = 14 : i64} {
  func.func @_edge_body(%arg0: i32, %arg1: i32, %arg2: memref<10000x128xf32, #tpu.memory_space<hbm>>, %arg3: memref<10000x128xf32, #tpu.memory_space<hbm>>, %arg4: memref<10000x80xf32, #tpu.memory_space<hbm>>, %arg5: memref<10000x80xf32, #tpu.memory_space<hbm>>, %arg6: memref<320000x16xf32, #tpu.memory_space<hbm>>, %arg7: memref<16x500x40xi32, #tpu.memory_space<hbm>>, %arg8: memref<16x500x40xi32, #tpu.memory_space<hbm>>, %arg9: memref<640x80xf32, #tpu.memory_space<hbm>>, %arg10: memref<20480x80xf32, #tpu.memory_space<hbm>>, %arg11: memref<500x40xi32, #tpu.memory_space<vmem>>, %arg12: memref<500x40xi32, #tpu.memory_space<vmem>>, %arg13: memref<40x16xf32, #tpu.memory_space<vmem>>, %arg14: memref<40x16xf32, #tpu.memory_space<vmem>>, %arg15: memref<40x128xf32, #tpu.memory_space<vmem>>, %arg16: memref<40x128xf32, #tpu.memory_space<vmem>>, %arg17: memref<40x80xf32, #tpu.memory_space<vmem>>, %arg18: memref<40x80xf32, #tpu.memory_space<vmem>>, %arg19: memref<40x80xf32, #tpu.memory_space<vmem>>, %arg20: memref<40x80xf32, #tpu.memory_space<vmem>>, %arg21: memref<!tpu.dma_semaphore, #tpu.memory_space<semaphore_mem>>, %arg22: memref<!tpu.dma_semaphore, #tpu.memory_space<semaphore_mem>>, %arg23: memref<!tpu.dma_semaphore, #tpu.memory_space<semaphore_mem>>, %arg24: memref<!tpu.dma_semaphore, #tpu.memory_space<semaphore_mem>>, %arg25: memref<!tpu.dma_semaphore, #tpu.memory_space<semaphore_mem>>, %arg26: memref<!tpu.dma_semaphore, #tpu.memory_space<semaphore_mem>>, %arg27: memref<!tpu.dma_semaphore, #tpu.memory_space<semaphore_mem>>, %arg28: memref<!tpu.dma_semaphore, #tpu.memory_space<semaphore_mem>>, %arg29: memref<10240x80xf32, #tpu.memory_space<vmem_shared>>) attributes {dimension_semantics = [#tpu.dimension_semantics<core_parallel>, #tpu.dimension_semantics<subcore_parallel>], iteration_bounds = array<i64: 2, 16>, scalar_prefetch = 0 : i64, scratch_operands = 19 : i64, tpu.core_type = #tpu.core_type<sc_vector_subcore>, window_params = [{transform_indices = #map}, {transform_indices = #map}, {transform_indices = #map}, {transform_indices = #map}, {transform_indices = #map}, {transform_indices = #map1}, {transform_indices = #map1}, {transform_indices = #map}, {transform_indices = #map}]} {
    %iota3A = tpu.iota {dimensions = array<i32: 0>} : vector<16xi32>
    %xor3A = arith.constant 8 : i32
    %xor3A_0 = vector.broadcast %xor3A : i32 to vector<16xi32>
    %xor3A_1 = arith.xori %iota3A, %xor3A_0 : vector<16xi32>
    %broadcast_in_dim3A = vector.shape_cast %xor3A_1 : vector<16xi32> to vector<16x1xi32>
    %xor3A_2 = arith.constant 4 : i32
    %xor3A_3 = vector.broadcast %xor3A_2 : i32 to vector<16xi32>
    %xor3A_4 = arith.xori %iota3A, %xor3A_3 : vector<16xi32>
    %broadcast_in_dim3A_5 = vector.shape_cast %xor3A_4 : vector<16xi32> to vector<16x1xi32>
    %xor3A_6 = arith.constant 2 : i32
    %xor3A_7 = vector.broadcast %xor3A_6 : i32 to vector<16xi32>
    %xor3A_8 = arith.xori %iota3A, %xor3A_7 : vector<16xi32>
    %broadcast_in_dim3A_9 = vector.shape_cast %xor3A_8 : vector<16xi32> to vector<16x1xi32>
    %xor3A_10 = arith.constant 1 : i32
    %xor3A_11 = vector.broadcast %xor3A_10 : i32 to vector<16xi32>
    %xor3A_12 = arith.xori %iota3A, %xor3A_11 : vector<16xi32>
    %broadcast_in_dim3A_13 = vector.shape_cast %xor3A_12 : vector<16xi32> to vector<16x1xi32>
    %mul3A = arith.constant 640 : i32
    %mul3A_14 = arith.muli %arg1, %mul3A : i32
    "tpu.region"() ({
      %run_scoped3A = tpu.sem_alloc : memref<!tpu.dma_semaphore, #tpu.memory_space<semaphore_mem>>
      %dma_start3A_64 = arith.constant 0 : i32
      %dma_start3A_65 = tpu.memref_slice %arg29[%mul3A_14, %dma_start3A_64] : memref<10240x80xf32, #tpu.memory_space<vmem_shared>> -> memref<640x80xf32, #tpu.memory_space<vmem_shared>>
      tpu.enqueue_dma source(%arg9 : memref<640x80xf32, #tpu.memory_space<hbm>>) target(%dma_start3A_65 : memref<640x80xf32, #tpu.memory_space<vmem_shared>>) target_semaphore(%run_scoped3A : memref<!tpu.dma_semaphore, #tpu.memory_space<semaphore_mem>>)
      %dma_wait3A_66 = arith.constant 0 : i32
      %dma_wait3A_67 = tpu.memref_slice %arg29[%mul3A_14, %dma_wait3A_66] : memref<10240x80xf32, #tpu.memory_space<vmem_shared>> -> memref<640x80xf32, #tpu.memory_space<vmem_shared>>
      tpu.wait_dma2 semaphore(%run_scoped3A : memref<!tpu.dma_semaphore, #tpu.memory_space<semaphore_mem>>) src(%arg9 : memref<640x80xf32, #tpu.memory_space<hbm>>) dst(%dma_wait3A_67 : memref<640x80xf32, #tpu.memory_space<vmem_shared>>)
      tpu.yield
    }) : () -> ()
    "tpu.region"() ({
      %run_scoped3A = tpu.sem_alloc : memref<!tpu.dma_semaphore, #tpu.memory_space<semaphore_mem>>
      %dma_start3A_64 = arith.constant 0 : i32
      %dma_start3A_65 = arith.constant 0 : i32
      %dma_start3A_66 = tpu.memref_slice %arg7[%arg1, %dma_start3A_64, %dma_start3A_65] : memref<16x500x40xi32, #tpu.memory_space<hbm>> -> memref<1x500x40xi32, #tpu.memory_space<hbm>>
      %dma_start3A_67 = tpu.memref_squeeze %dma_start3A_66 : memref<1x500x40xi32, #tpu.memory_space<hbm>> -> memref<500x40xi32, #tpu.memory_space<hbm>>
      %dma_start3A_68 = arith.constant 0 : i32
      %dma_start3A_69 = arith.constant 0 : i32
      %dma_start3A_70 = tpu.memref_slice %arg7[%arg1, %dma_start3A_68, %dma_start3A_69] : memref<16x500x40xi32, #tpu.memory_space<hbm>> -> memref<1x500x40xi32, #tpu.memory_space<hbm>>
      %dma_start3A_71 = tpu.memref_squeeze %dma_start3A_70 : memref<1x500x40xi32, #tpu.memory_space<hbm>> -> memref<500x40xi32, #tpu.memory_space<hbm>>
      tpu.enqueue_dma source(%dma_start3A_71 : memref<500x40xi32, #tpu.memory_space<hbm>>) target(%arg11 : memref<500x40xi32, #tpu.memory_space<vmem>>) target_semaphore(%run_scoped3A : memref<!tpu.dma_semaphore, #tpu.memory_space<semaphore_mem>>)
      %dma_wait3A_72 = arith.constant 0 : i32
      %dma_wait3A_73 = arith.constant 0 : i32
      %dma_wait3A_74 = tpu.memref_slice %arg7[%arg1, %dma_wait3A_72, %dma_wait3A_73] : memref<16x500x40xi32, #tpu.memory_space<hbm>> -> memref<1x500x40xi32, #tpu.memory_space<hbm>>
      %dma_wait3A_75 = tpu.memref_squeeze %dma_wait3A_74 : memref<1x500x40xi32, #tpu.memory_space<hbm>> -> memref<500x40xi32, #tpu.memory_space<hbm>>
      %dma_wait3A_76 = arith.constant 0 : i32
      %dma_wait3A_77 = arith.constant 0 : i32
      %dma_wait3A_78 = tpu.memref_slice %arg7[%arg1, %dma_wait3A_76, %dma_wait3A_77] : memref<16x500x40xi32, #tpu.memory_space<hbm>> -> memref<1x500x40xi32, #tpu.memory_space<hbm>>
      %dma_wait3A_79 = tpu.memref_squeeze %dma_wait3A_78 : memref<1x500x40xi32, #tpu.memory_space<hbm>> -> memref<500x40xi32, #tpu.memory_space<hbm>>
      tpu.wait_dma2 semaphore(%run_scoped3A : memref<!tpu.dma_semaphore, #tpu.memory_space<semaphore_mem>>) src(%dma_wait3A_79 : memref<500x40xi32, #tpu.memory_space<hbm>>) dst(%arg11 : memref<500x40xi32, #tpu.memory_space<vmem>>)
      tpu.yield
    }) : () -> ()
    "tpu.region"() ({
      %run_scoped3A = tpu.sem_alloc : memref<!tpu.dma_semaphore, #tpu.memory_space<semaphore_mem>>
      %dma_start3A_64 = arith.constant 0 : i32
      %dma_start3A_65 = arith.constant 0 : i32
      %dma_start3A_66 = tpu.memref_slice %arg8[%arg1, %dma_start3A_64, %dma_start3A_65] : memref<16x500x40xi32, #tpu.memory_space<hbm>> -> memref<1x500x40xi32, #tpu.memory_space<hbm>>
      %dma_start3A_67 = tpu.memref_squeeze %dma_start3A_66 : memref<1x500x40xi32, #tpu.memory_space<hbm>> -> memref<500x40xi32, #tpu.memory_space<hbm>>
      %dma_start3A_68 = arith.constant 0 : i32
      %dma_start3A_69 = arith.constant 0 : i32
      %dma_start3A_70 = tpu.memref_slice %arg8[%arg1, %dma_start3A_68, %dma_start3A_69] : memref<16x500x40xi32, #tpu.memory_space<hbm>> -> memref<1x500x40xi32, #tpu.memory_space<hbm>>
      %dma_start3A_71 = tpu.memref_squeeze %dma_start3A_70 : memref<1x500x40xi32, #tpu.memory_space<hbm>> -> memref<500x40xi32, #tpu.memory_space<hbm>>
      tpu.enqueue_dma source(%dma_start3A_71 : memref<500x40xi32, #tpu.memory_space<hbm>>) target(%arg12 : memref<500x40xi32, #tpu.memory_space<vmem>>) target_semaphore(%run_scoped3A : memref<!tpu.dma_semaphore, #tpu.memory_space<semaphore_mem>>)
      %dma_wait3A_72 = arith.constant 0 : i32
      %dma_wait3A_73 = arith.constant 0 : i32
      %dma_wait3A_74 = tpu.memref_slice %arg8[%arg1, %dma_wait3A_72, %dma_wait3A_73] : memref<16x500x40xi32, #tpu.memory_space<hbm>> -> memref<1x500x40xi32, #tpu.memory_space<hbm>>
      %dma_wait3A_75 = tpu.memref_squeeze %dma_wait3A_74 : memref<1x500x40xi32, #tpu.memory_space<hbm>> -> memref<500x40xi32, #tpu.memory_space<hbm>>
      %dma_wait3A_76 = arith.constant 0 : i32
      %dma_wait3A_77 = arith.constant 0 : i32
      %dma_wait3A_78 = tpu.memref_slice %arg8[%arg1, %dma_wait3A_76, %dma_wait3A_77] : memref<16x500x40xi32, #tpu.memory_space<hbm>> -> memref<1x500x40xi32, #tpu.memory_space<hbm>>
      %dma_wait3A_79 = tpu.memref_squeeze %dma_wait3A_78 : memref<1x500x40xi32, #tpu.memory_space<hbm>> -> memref<500x40xi32, #tpu.memory_space<hbm>>
      tpu.wait_dma2 semaphore(%run_scoped3A : memref<!tpu.dma_semaphore, #tpu.memory_space<semaphore_mem>>) src(%dma_wait3A_79 : memref<500x40xi32, #tpu.memory_space<hbm>>) dst(%arg12 : memref<500x40xi32, #tpu.memory_space<vmem>>)
      tpu.yield
    }) : () -> ()
    %barrier3A = arith.constant 0 : index
    tpu.barrier barrier_id(%barrier3A)
    %mul3A_15 = arith.constant 20000 : i32
    %mul3A_16 = arith.muli %arg1, %mul3A_15 : i32
    %lt3A = arith.constant 4 : i32
    %lt3A_17 = vector.broadcast %lt3A : i32 to vector<16xi32>
    %lt3A_18 = arith.cmpi slt, %iota3A, %lt3A_17 : vector<16xi32>
    %lt3A_19 = arith.constant 8 : i32
    %lt3A_20 = vector.broadcast %lt3A_19 : i32 to vector<16xi32>
    %lt3A_21 = arith.cmpi slt, %iota3A, %lt3A_20 : vector<16xi32>
    %lt3A_22 = arith.constant 12 : i32
    %lt3A_23 = vector.broadcast %lt3A_22 : i32 to vector<16xi32>
    %lt3A_24 = arith.cmpi slt, %iota3A, %lt3A_23 : vector<16xi32>
    %broadcast_in_dim3A_25 = arith.constant 0 : i32
    %broadcast_in_dim3A_26 = vector.broadcast %broadcast_in_dim3A_25 : i32 to vector<16x1xi32>
    %broadcast_in_dim3A_27 = arith.constant 4 : i32
    %broadcast_in_dim3A_28 = vector.broadcast %broadcast_in_dim3A_27 : i32 to vector<16x1xi32>
    %broadcast_in_dim3A_29 = arith.constant 8 : i32
    %broadcast_in_dim3A_30 = vector.broadcast %broadcast_in_dim3A_29 : i32 to vector<16x1xi32>
    %broadcast_in_dim3A_31 = arith.constant 12 : i32
    %broadcast_in_dim3A_32 = vector.broadcast %broadcast_in_dim3A_31 : i32 to vector<16x1xi32>
    %add3A = arith.constant 0 : i32
    %add3A_33 = arith.addi %mul3A_16, %add3A : i32
    %dma_start3A = arith.constant 0 : i32
    %dma_start3A_34 = tpu.memref_slice %arg6[%add3A_33, %dma_start3A] : memref<320000x16xf32, #tpu.memory_space<hbm>> -> memref<40x16xf32, #tpu.memory_space<hbm>>
    %dma_start3A_35 = arith.constant 0 : i32
    %dma_start3A_36 = tpu.memref_slice %arg6[%add3A_33, %dma_start3A_35] : memref<320000x16xf32, #tpu.memory_space<hbm>> -> memref<40x16xf32, #tpu.memory_space<hbm>>
    tpu.enqueue_dma source(%dma_start3A_36 : memref<40x16xf32, #tpu.memory_space<hbm>>) target(%arg13 : memref<40x16xf32, #tpu.memory_space<vmem>>) target_semaphore(%arg21 : memref<!tpu.dma_semaphore, #tpu.memory_space<semaphore_mem>>)
    %eq3A = arith.constant 0 : i32
    %eq3A_37 = arith.cmpi eq, %arg0, %eq3A : i32
    %convert_element_type3A = arith.extui %eq3A_37 : i1 to i32
    %cond3A = arith.constant 0 : i32
    %cond3A_38 = arith.cmpi ne, %convert_element_type3A, %cond3A : i32
    scf.if %cond3A_38 {
      %dma_start3A_64 = arith.constant 0 : i32
      %dma_start3A_65 = arith.constant 0 : i32
      %dma_start3A_66 = tpu.memref_slice %arg11[%dma_start3A_64, %dma_start3A_65] : memref<500x40xi32, #tpu.memory_space<vmem>> -> memref<1x40xi32, #tpu.memory_space<vmem>>
      %dma_start3A_67 = tpu.memref_squeeze %dma_start3A_66 : memref<1x40xi32, #tpu.memory_space<vmem>> -> memref<40xi32, #tpu.memory_space<vmem>>
      %dma_start3A_68 = arith.constant 0 : i32
      %dma_start3A_69 = arith.constant 0 : i32
      %dma_start3A_70 = tpu.memref_slice %arg2[%dma_start3A_68, %dma_start3A_69] : memref<10000x128xf32, #tpu.memory_space<hbm>> -> memref<10000x128xf32, #tpu.memory_space<hbm>>
      tpu.enqueue_indirect_dma source(%dma_start3A_70 : memref<10000x128xf32, #tpu.memory_space<hbm>>) target(%arg15 : memref<40x128xf32, #tpu.memory_space<vmem>>) offsets(%dma_start3A_67 : memref<40xi32, #tpu.memory_space<vmem>>) semaphore(%arg23 : memref<!tpu.dma_semaphore, #tpu.memory_space<semaphore_mem>>)
      %dma_start3A_71 = arith.constant 0 : i32
      %dma_start3A_72 = arith.constant 0 : i32
      %dma_start3A_73 = tpu.memref_slice %arg12[%dma_start3A_71, %dma_start3A_72] : memref<500x40xi32, #tpu.memory_space<vmem>> -> memref<1x40xi32, #tpu.memory_space<vmem>>
      %dma_start3A_74 = tpu.memref_squeeze %dma_start3A_73 : memref<1x40xi32, #tpu.memory_space<vmem>> -> memref<40xi32, #tpu.memory_space<vmem>>
      %dma_start3A_75 = arith.constant 0 : i32
      %dma_start3A_76 = arith.constant 0 : i32
      %dma_start3A_77 = tpu.memref_slice %arg4[%dma_start3A_75, %dma_start3A_76] : memref<10000x80xf32, #tpu.memory_space<hbm>> -> memref<10000x80xf32, #tpu.memory_space<hbm>>
      tpu.enqueue_indirect_dma source(%dma_start3A_77 : memref<10000x80xf32, #tpu.memory_space<hbm>>) target(%arg17 : memref<40x80xf32, #tpu.memory_space<vmem>>) offsets(%dma_start3A_74 : memref<40xi32, #tpu.memory_space<vmem>>) semaphore(%arg25 : memref<!tpu.dma_semaphore, #tpu.memory_space<semaphore_mem>>)
    } else {
    }
    %eq3A_39 = arith.constant 1 : i32
    %eq3A_40 = arith.cmpi eq, %arg0, %eq3A_39 : i32
    %convert_element_type3A_41 = arith.extui %eq3A_40 : i1 to i32
    %cond3A_42 = arith.constant 0 : i32
    %cond3A_43 = arith.cmpi ne, %convert_element_type3A_41, %cond3A_42 : i32
    scf.if %cond3A_43 {
      %dma_start3A_64 = arith.constant 0 : i32
      %dma_start3A_65 = arith.constant 0 : i32
      %dma_start3A_66 = tpu.memref_slice %arg11[%dma_start3A_64, %dma_start3A_65] : memref<500x40xi32, #tpu.memory_space<vmem>> -> memref<1x40xi32, #tpu.memory_space<vmem>>
      %dma_start3A_67 = tpu.memref_squeeze %dma_start3A_66 : memref<1x40xi32, #tpu.memory_space<vmem>> -> memref<40xi32, #tpu.memory_space<vmem>>
      %dma_start3A_68 = arith.constant 0 : i32
      %dma_start3A_69 = arith.constant 0 : i32
      %dma_start3A_70 = tpu.memref_slice %arg3[%dma_start3A_68, %dma_start3A_69] : memref<10000x128xf32, #tpu.memory_space<hbm>> -> memref<10000x128xf32, #tpu.memory_space<hbm>>
      tpu.enqueue_indirect_dma source(%dma_start3A_70 : memref<10000x128xf32, #tpu.memory_space<hbm>>) target(%arg15 : memref<40x128xf32, #tpu.memory_space<vmem>>) offsets(%dma_start3A_67 : memref<40xi32, #tpu.memory_space<vmem>>) semaphore(%arg23 : memref<!tpu.dma_semaphore, #tpu.memory_space<semaphore_mem>>)
      %dma_start3A_71 = arith.constant 0 : i32
      %dma_start3A_72 = arith.constant 0 : i32
      %dma_start3A_73 = tpu.memref_slice %arg12[%dma_start3A_71, %dma_start3A_72] : memref<500x40xi32, #tpu.memory_space<vmem>> -> memref<1x40xi32, #tpu.memory_space<vmem>>
      %dma_start3A_74 = tpu.memref_squeeze %dma_start3A_73 : memref<1x40xi32, #tpu.memory_space<vmem>> -> memref<40xi32, #tpu.memory_space<vmem>>
      %dma_start3A_75 = arith.constant 0 : i32
      %dma_start3A_76 = arith.constant 0 : i32
      %dma_start3A_77 = tpu.memref_slice %arg5[%dma_start3A_75, %dma_start3A_76] : memref<10000x80xf32, #tpu.memory_space<hbm>> -> memref<10000x80xf32, #tpu.memory_space<hbm>>
      tpu.enqueue_indirect_dma source(%dma_start3A_77 : memref<10000x80xf32, #tpu.memory_space<hbm>>) target(%arg17 : memref<40x80xf32, #tpu.memory_space<vmem>>) offsets(%dma_start3A_74 : memref<40xi32, #tpu.memory_space<vmem>>) semaphore(%arg25 : memref<!tpu.dma_semaphore, #tpu.memory_space<semaphore_mem>>)
    } else {
    }
    %scan3A = arith.constant 0 : i32
    %scan3A_44 = arith.constant 0 : i32
    %scan3A_45 = arith.constant 250 : i32
    %scan3A_46 = arith.addi %scan3A_44, %scan3A_45 : i32
    %scan3A_47 = arith.constant 1 : i32
    scf.for %scan3A_64 = %scan3A_44 to %scan3A_46 step %scan3A_47  : i32 {
      %mul3A_65 = arith.constant 2 : i32
      %mul3A_66 = arith.muli %mul3A_65, %scan3A_64 : i32
      %add3A_67 = arith.constant 0 : i32
      %add3A_68 = arith.addi %mul3A_66, %add3A_67 : i32
      %add3A_69 = arith.constant 1 : i32
      %add3A_70 = arith.addi %add3A_68, %add3A_69 : i32
      %lt3A_71 = arith.constant 500 : i32
      %lt3A_72 = arith.cmpi slt, %add3A_70, %lt3A_71 : i32
      %convert_element_type3A_73 = arith.extui %lt3A_72 : i1 to i32
      %cond3A_74 = arith.constant 0 : i32
      %cond3A_75 = arith.cmpi ne, %convert_element_type3A_73, %cond3A_74 : i32
      scf.if %cond3A_75 {
        %add3A_95 = arith.constant 1 : i32
        %add3A_96 = arith.addi %add3A_68, %add3A_95 : i32
        %mul3A_97 = arith.constant 40 : i32
        %mul3A_98 = arith.muli %add3A_96, %mul3A_97 : i32
        %add3A_99 = arith.addi %mul3A_16, %mul3A_98 : i32
        %dma_start3A_100 = arith.constant 0 : i32
        %dma_start3A_101 = tpu.memref_slice %arg6[%add3A_99, %dma_start3A_100] : memref<320000x16xf32, #tpu.memory_space<hbm>> -> memref<40x16xf32, #tpu.memory_space<hbm>>
        %dma_start3A_102 = arith.constant 0 : i32
        %dma_start3A_103 = tpu.memref_slice %arg6[%add3A_99, %dma_start3A_102] : memref<320000x16xf32, #tpu.memory_space<hbm>> -> memref<40x16xf32, #tpu.memory_space<hbm>>
        tpu.enqueue_dma source(%dma_start3A_103 : memref<40x16xf32, #tpu.memory_space<hbm>>) target(%arg14 : memref<40x16xf32, #tpu.memory_space<vmem>>) target_semaphore(%arg22 : memref<!tpu.dma_semaphore, #tpu.memory_space<semaphore_mem>>)
        %eq3A_104 = arith.constant 0 : i32
        %eq3A_105 = arith.cmpi eq, %arg0, %eq3A_104 : i32
        %convert_element_type3A_106 = arith.extui %eq3A_105 : i1 to i32
        %cond3A_107 = arith.constant 0 : i32
        %cond3A_108 = arith.cmpi ne, %convert_element_type3A_106, %cond3A_107 : i32
        scf.if %cond3A_108 {
          %dma_start3A_114 = arith.constant 0 : i32
          %dma_start3A_115 = tpu.memref_slice %arg11[%add3A_96, %dma_start3A_114] : memref<500x40xi32, #tpu.memory_space<vmem>> -> memref<1x40xi32, #tpu.memory_space<vmem>>
          %dma_start3A_116 = tpu.memref_squeeze %dma_start3A_115 : memref<1x40xi32, #tpu.memory_space<vmem>> -> memref<40xi32, #tpu.memory_space<vmem>>
          %dma_start3A_117 = arith.constant 0 : i32
          %dma_start3A_118 = arith.constant 0 : i32
          %dma_start3A_119 = tpu.memref_slice %arg2[%dma_start3A_117, %dma_start3A_118] : memref<10000x128xf32, #tpu.memory_space<hbm>> -> memref<10000x128xf32, #tpu.memory_space<hbm>>
          tpu.enqueue_indirect_dma source(%dma_start3A_119 : memref<10000x128xf32, #tpu.memory_space<hbm>>) target(%arg16 : memref<40x128xf32, #tpu.memory_space<vmem>>) offsets(%dma_start3A_116 : memref<40xi32, #tpu.memory_space<vmem>>) semaphore(%arg24 : memref<!tpu.dma_semaphore, #tpu.memory_space<semaphore_mem>>)
          %dma_start3A_120 = arith.constant 0 : i32
          %dma_start3A_121 = tpu.memref_slice %arg12[%add3A_96, %dma_start3A_120] : memref<500x40xi32, #tpu.memory_space<vmem>> -> memref<1x40xi32, #tpu.memory_space<vmem>>
          %dma_start3A_122 = tpu.memref_squeeze %dma_start3A_121 : memref<1x40xi32, #tpu.memory_space<vmem>> -> memref<40xi32, #tpu.memory_space<vmem>>
          %dma_start3A_123 = arith.constant 0 : i32
          %dma_start3A_124 = arith.constant 0 : i32
          %dma_start3A_125 = tpu.memref_slice %arg4[%dma_start3A_123, %dma_start3A_124] : memref<10000x80xf32, #tpu.memory_space<hbm>> -> memref<10000x80xf32, #tpu.memory_space<hbm>>
          tpu.enqueue_indirect_dma source(%dma_start3A_125 : memref<10000x80xf32, #tpu.memory_space<hbm>>) target(%arg18 : memref<40x80xf32, #tpu.memory_space<vmem>>) offsets(%dma_start3A_122 : memref<40xi32, #tpu.memory_space<vmem>>) semaphore(%arg26 : memref<!tpu.dma_semaphore, #tpu.memory_space<semaphore_mem>>)
        } else {
        }
        %eq3A_109 = arith.constant 1 : i32
        %eq3A_110 = arith.cmpi eq, %arg0, %eq3A_109 : i32
        %convert_element_type3A_111 = arith.extui %eq3A_110 : i1 to i32
        %cond3A_112 = arith.constant 0 : i32
        %cond3A_113 = arith.cmpi ne, %convert_element_type3A_111, %cond3A_112 : i32
        scf.if %cond3A_113 {
          %dma_start3A_114 = arith.constant 0 : i32
          %dma_start3A_115 = tpu.memref_slice %arg11[%add3A_96, %dma_start3A_114] : memref<500x40xi32, #tpu.memory_space<vmem>> -> memref<1x40xi32, #tpu.memory_space<vmem>>
          %dma_start3A_116 = tpu.memref_squeeze %dma_start3A_115 : memref<1x40xi32, #tpu.memory_space<vmem>> -> memref<40xi32, #tpu.memory_space<vmem>>
          %dma_start3A_117 = arith.constant 0 : i32
          %dma_start3A_118 = arith.constant 0 : i32
          %dma_start3A_119 = tpu.memref_slice %arg3[%dma_start3A_117, %dma_start3A_118] : memref<10000x128xf32, #tpu.memory_space<hbm>> -> memref<10000x128xf32, #tpu.memory_space<hbm>>
          tpu.enqueue_indirect_dma source(%dma_start3A_119 : memref<10000x128xf32, #tpu.memory_space<hbm>>) target(%arg16 : memref<40x128xf32, #tpu.memory_space<vmem>>) offsets(%dma_start3A_116 : memref<40xi32, #tpu.memory_space<vmem>>) semaphore(%arg24 : memref<!tpu.dma_semaphore, #tpu.memory_space<semaphore_mem>>)
          %dma_start3A_120 = arith.constant 0 : i32
          %dma_start3A_121 = tpu.memref_slice %arg12[%add3A_96, %dma_start3A_120] : memref<500x40xi32, #tpu.memory_space<vmem>> -> memref<1x40xi32, #tpu.memory_space<vmem>>
          %dma_start3A_122 = tpu.memref_squeeze %dma_start3A_121 : memref<1x40xi32, #tpu.memory_space<vmem>> -> memref<40xi32, #tpu.memory_space<vmem>>
          %dma_start3A_123 = arith.constant 0 : i32
          %dma_start3A_124 = arith.constant 0 : i32
          %dma_start3A_125 = tpu.memref_slice %arg5[%dma_start3A_123, %dma_start3A_124] : memref<10000x80xf32, #tpu.memory_space<hbm>> -> memref<10000x80xf32, #tpu.memory_space<hbm>>
          tpu.enqueue_indirect_dma source(%dma_start3A_125 : memref<10000x80xf32, #tpu.memory_space<hbm>>) target(%arg18 : memref<40x80xf32, #tpu.memory_space<vmem>>) offsets(%dma_start3A_122 : memref<40xi32, #tpu.memory_space<vmem>>) semaphore(%arg26 : memref<!tpu.dma_semaphore, #tpu.memory_space<semaphore_mem>>)
        } else {
        }
      } else {
      }
      %lt3A_76 = arith.constant 500 : i32
      %lt3A_77 = arith.cmpi slt, %add3A_68, %lt3A_76 : i32
      %convert_element_type3A_78 = arith.extui %lt3A_77 : i1 to i32
      %cond3A_79 = arith.constant 0 : i32
      %cond3A_80 = arith.cmpi ne, %convert_element_type3A_78, %cond3A_79 : i32
      scf.if %cond3A_80 {
        %dma_wait3A_95 = arith.constant 0 : i32
        %dma_wait3A_96 = arith.constant 0 : i32
        %dma_wait3A_97 = tpu.memref_slice %arg6[%dma_wait3A_95, %dma_wait3A_96] : memref<320000x16xf32, #tpu.memory_space<hbm>> -> memref<40x16xf32, #tpu.memory_space<hbm>>
        %dma_wait3A_98 = arith.constant 0 : i32
        %dma_wait3A_99 = arith.constant 0 : i32
        %dma_wait3A_100 = tpu.memref_slice %arg6[%dma_wait3A_98, %dma_wait3A_99] : memref<320000x16xf32, #tpu.memory_space<hbm>> -> memref<40x16xf32, #tpu.memory_space<hbm>>
        tpu.wait_dma2 semaphore(%arg21 : memref<!tpu.dma_semaphore, #tpu.memory_space<semaphore_mem>>) src(%dma_wait3A_100 : memref<40x16xf32, #tpu.memory_space<hbm>>) dst(%arg13 : memref<40x16xf32, #tpu.memory_space<vmem>>)
        %dma_wait3A_101 = arith.constant 0 : i32
        %dma_wait3A_102 = arith.constant 0 : i32
        %dma_wait3A_103 = tpu.memref_slice %arg2[%dma_wait3A_101, %dma_wait3A_102] : memref<10000x128xf32, #tpu.memory_space<hbm>> -> memref<40x128xf32, #tpu.memory_space<hbm>>
        %dma_wait3A_104 = arith.constant 0 : i32
        %dma_wait3A_105 = arith.constant 0 : i32
        %dma_wait3A_106 = tpu.memref_slice %arg2[%dma_wait3A_104, %dma_wait3A_105] : memref<10000x128xf32, #tpu.memory_space<hbm>> -> memref<40x128xf32, #tpu.memory_space<hbm>>
        tpu.wait_dma2 semaphore(%arg23 : memref<!tpu.dma_semaphore, #tpu.memory_space<semaphore_mem>>) src(%dma_wait3A_106 : memref<40x128xf32, #tpu.memory_space<hbm>>) dst(%arg15 : memref<40x128xf32, #tpu.memory_space<vmem>>)
        %dma_wait3A_107 = arith.constant 0 : i32
        %dma_wait3A_108 = arith.constant 0 : i32
        %dma_wait3A_109 = tpu.memref_slice %arg4[%dma_wait3A_107, %dma_wait3A_108] : memref<10000x80xf32, #tpu.memory_space<hbm>> -> memref<40x80xf32, #tpu.memory_space<hbm>>
        %dma_wait3A_110 = arith.constant 0 : i32
        %dma_wait3A_111 = arith.constant 0 : i32
        %dma_wait3A_112 = tpu.memref_slice %arg4[%dma_wait3A_110, %dma_wait3A_111] : memref<10000x80xf32, #tpu.memory_space<hbm>> -> memref<40x80xf32, #tpu.memory_space<hbm>>
        tpu.wait_dma2 semaphore(%arg25 : memref<!tpu.dma_semaphore, #tpu.memory_space<semaphore_mem>>) src(%dma_wait3A_112 : memref<40x80xf32, #tpu.memory_space<hbm>>) dst(%arg17 : memref<40x80xf32, #tpu.memory_space<vmem>>)
        %ge3A = arith.constant 2 : i32
        %ge3A_113 = arith.cmpi sge, %add3A_68, %ge3A : i32
        %convert_element_type3A_114 = arith.extui %ge3A_113 : i1 to i32
        %cond3A_115 = arith.constant 0 : i32
        %cond3A_116 = arith.cmpi ne, %convert_element_type3A_114, %cond3A_115 : i32
        scf.if %cond3A_116 {
          %dma_wait3A_129 = arith.constant 0 : i32
          %dma_wait3A_130 = arith.constant 0 : i32
          %dma_wait3A_131 = tpu.memref_slice %arg10[%dma_wait3A_129, %dma_wait3A_130] : memref<20480x80xf32, #tpu.memory_space<hbm>> -> memref<40x80xf32, #tpu.memory_space<hbm>>
          %dma_wait3A_132 = arith.constant 0 : i32
          %dma_wait3A_133 = arith.constant 0 : i32
          %dma_wait3A_134 = tpu.memref_slice %arg10[%dma_wait3A_132, %dma_wait3A_133] : memref<20480x80xf32, #tpu.memory_space<hbm>> -> memref<40x80xf32, #tpu.memory_space<hbm>>
          tpu.wait_dma2 semaphore(%arg27 : memref<!tpu.dma_semaphore, #tpu.memory_space<semaphore_mem>>) src(%dma_wait3A_134 : memref<40x80xf32, #tpu.memory_space<hbm>>) dst(%arg19 : memref<40x80xf32, #tpu.memory_space<vmem>>)
        } else {
        }
        %scan3A_117 = arith.constant 0 : i32
        %scan3A_118 = arith.constant 0 : i32
        %scan3A_119 = arith.constant 5 : i32
        %scan3A_120 = arith.addi %scan3A_118, %scan3A_119 : i32
        %scan3A_121 = arith.constant 1 : i32
        scf.for %scan3A_129 = %scan3A_118 to %scan3A_120 step %scan3A_121  : i32 {
          %mul3A_130 = arith.constant 8 : i32
          %mul3A_131 = arith.muli %scan3A_129, %mul3A_130 : i32
          %add3A_132 = arith.constant 0 : i32
          %add3A_133 = arith.addi %mul3A_131, %add3A_132 : i32
          %get3A = arith.index_cast %add3A_133 : i32 to index
          %get3A_134 = arith.constant 0 : index
          %get3A_135 = tpu.vector_load %arg17[%get3A, %get3A_134] {strides = array<i32>} : memref<40x80xf32, #tpu.memory_space<vmem>>, vector<1x16xf32>,
          %get3A_136 = vector.shape_cast %get3A_135 : vector<1x16xf32> to vector<16xf32>
          %get3A_137 = arith.index_cast %add3A_133 : i32 to index
          %get3A_138 = arith.constant 16 : index
          %get3A_139 = tpu.vector_load %arg17[%get3A_137, %get3A_138] {strides = array<i32>} : memref<40x80xf32, #tpu.memory_space<vmem>>, vector<1x16xf32>,
          %get3A_140 = vector.shape_cast %get3A_139 : vector<1x16xf32> to vector<16xf32>
          %get3A_141 = arith.index_cast %add3A_133 : i32 to index
          %get3A_142 = arith.constant 32 : index
          %get3A_143 = tpu.vector_load %arg17[%get3A_141, %get3A_142] {strides = array<i32>} : memref<40x80xf32, #tpu.memory_space<vmem>>, vector<1x16xf32>,
          %get3A_144 = vector.shape_cast %get3A_143 : vector<1x16xf32> to vector<16xf32>
          %get3A_145 = arith.index_cast %add3A_133 : i32 to index
          %get3A_146 = arith.constant 48 : index
          %get3A_147 = tpu.vector_load %arg17[%get3A_145, %get3A_146] {strides = array<i32>} : memref<40x80xf32, #tpu.memory_space<vmem>>, vector<1x16xf32>,
          %get3A_148 = vector.shape_cast %get3A_147 : vector<1x16xf32> to vector<16xf32>
          %get3A_149 = arith.index_cast %add3A_133 : i32 to index
          %get3A_150 = arith.constant 64 : index
          %get3A_151 = tpu.vector_load %arg17[%get3A_149, %get3A_150] {strides = array<i32>} : memref<40x80xf32, #tpu.memory_space<vmem>>, vector<1x16xf32>,
          %get3A_152 = vector.shape_cast %get3A_151 : vector<1x16xf32> to vector<16xf32>
          %get3A_153 = arith.index_cast %add3A_133 : i32 to index
          %get3A_154 = arith.constant 0 : index
          %get3A_155 = tpu.vector_load %arg15[%get3A_153, %get3A_154] {strides = array<i32>} : memref<40x128xf32, #tpu.memory_space<vmem>>, vector<1x16xf32>,
          %get3A_156 = vector.shape_cast %get3A_155 : vector<1x16xf32> to vector<16xf32>
          %get3A_157 = arith.index_cast %add3A_133 : i32 to index
          %get3A_158 = arith.constant 16 : index
          %get3A_159 = tpu.vector_load %arg15[%get3A_157, %get3A_158] {strides = array<i32>} : memref<40x128xf32, #tpu.memory_space<vmem>>, vector<1x16xf32>,
          %get3A_160 = vector.shape_cast %get3A_159 : vector<1x16xf32> to vector<16xf32>
          %get3A_161 = arith.index_cast %add3A_133 : i32 to index
          %get3A_162 = arith.constant 32 : index
          %get3A_163 = tpu.vector_load %arg15[%get3A_161, %get3A_162] {strides = array<i32>} : memref<40x128xf32, #tpu.memory_space<vmem>>, vector<1x16xf32>,
          %get3A_164 = vector.shape_cast %get3A_163 : vector<1x16xf32> to vector<16xf32>
          %get3A_165 = arith.index_cast %add3A_133 : i32 to index
          %get3A_166 = arith.constant 48 : index
          %get3A_167 = tpu.vector_load %arg15[%get3A_165, %get3A_166] {strides = array<i32>} : memref<40x128xf32, #tpu.memory_space<vmem>>, vector<1x16xf32>,
          %get3A_168 = vector.shape_cast %get3A_167 : vector<1x16xf32> to vector<16xf32>
          %get3A_169 = arith.index_cast %add3A_133 : i32 to index
          %get3A_170 = arith.constant 64 : index
          %get3A_171 = tpu.vector_load %arg15[%get3A_169, %get3A_170] {strides = array<i32>} : memref<40x128xf32, #tpu.memory_space<vmem>>, vector<1x16xf32>,
          %get3A_172 = vector.shape_cast %get3A_171 : vector<1x16xf32> to vector<16xf32>
          %get3A_173 = arith.index_cast %add3A_133 : i32 to index
          %get3A_174 = arith.constant 80 : index
          %get3A_175 = tpu.vector_load %arg15[%get3A_173, %get3A_174] {strides = array<i32>} : memref<40x128xf32, #tpu.memory_space<vmem>>, vector<1x16xf32>,
          %get3A_176 = vector.shape_cast %get3A_175 : vector<1x16xf32> to vector<16xf32>
          %get3A_177 = arith.index_cast %add3A_133 : i32 to index
          %get3A_178 = arith.constant 96 : index
          %get3A_179 = tpu.vector_load %arg15[%get3A_177, %get3A_178] {strides = array<i32>} : memref<40x128xf32, #tpu.memory_space<vmem>>, vector<1x16xf32>,
          %get3A_180 = vector.shape_cast %get3A_179 : vector<1x16xf32> to vector<16xf32>
          %get3A_181 = arith.index_cast %add3A_133 : i32 to index
          %get3A_182 = arith.constant 112 : index
          %get3A_183 = tpu.vector_load %arg15[%get3A_181, %get3A_182] {strides = array<i32>} : memref<40x128xf32, #tpu.memory_space<vmem>>, vector<1x16xf32>,
          %get3A_184 = vector.shape_cast %get3A_183 : vector<1x16xf32> to vector<16xf32>
          %get3A_185 = arith.index_cast %add3A_133 : i32 to index
          %get3A_186 = arith.constant 0 : index
          %get3A_187 = tpu.vector_load %arg13[%get3A_185, %get3A_186] {strides = array<i32>} : memref<40x16xf32, #tpu.memory_space<vmem>>, vector<1x16xf32>,
          %get3A_188 = vector.shape_cast %get3A_187 : vector<1x16xf32> to vector<16xf32>
          %mul3A_189 = arith.mulf %get3A_136, %get3A_156 : vector<16xf32>
          %mul3A_190 = arith.mulf %get3A_140, %get3A_160 : vector<16xf32>
          %add3A_191 = arith.addf %mul3A_189, %mul3A_190 : vector<16xf32>
          %mul3A_192 = arith.mulf %get3A_144, %get3A_164 : vector<16xf32>
          %add3A_193 = arith.addf %add3A_191, %mul3A_192 : vector<16xf32>
          %mul3A_194 = arith.mulf %get3A_148, %get3A_168 : vector<16xf32>
          %add3A_195 = arith.addf %add3A_193, %mul3A_194 : vector<16xf32>
          %mul3A_196 = arith.mulf %get3A_188, %get3A_152 : vector<16xf32>
          %add3A_197 = arith.addf %add3A_195, %mul3A_196 : vector<16xf32>
          %gather3A = vector.shape_cast %broadcast_in_dim3A : vector<16x1xi32> to vector<16xi32>
          %gather3A_198 = tpu.dynamic_gather %add3A_197[%gather3A] in [0] : vector<16xf32>, vector<16xi32> -> vector<16xf32>
          %add3A_199 = arith.addf %add3A_197, %gather3A_198 : vector<16xf32>
          %gather3A_200 = vector.shape_cast %broadcast_in_dim3A_5 : vector<16x1xi32> to vector<16xi32>
          %gather3A_201 = tpu.dynamic_gather %add3A_199[%gather3A_200] in [0] : vector<16xf32>, vector<16xi32> -> vector<16xf32>
          %add3A_202 = arith.addf %add3A_199, %gather3A_201 : vector<16xf32>
          %add3A_203 = arith.constant 1 : i32
          %add3A_204 = arith.addi %mul3A_131, %add3A_203 : i32
          %get3A_205 = arith.index_cast %add3A_204 : i32 to index
          %get3A_206 = arith.constant 0 : index
          %get3A_207 = tpu.vector_load %arg17[%get3A_205, %get3A_206] {strides = array<i32>} : memref<40x80xf32, #tpu.memory_space<vmem>>, vector<1x16xf32>,
          %get3A_208 = vector.shape_cast %get3A_207 : vector<1x16xf32> to vector<16xf32>
          %get3A_209 = arith.index_cast %add3A_204 : i32 to index
          %get3A_210 = arith.constant 16 : index
          %get3A_211 = tpu.vector_load %arg17[%get3A_209, %get3A_210] {strides = array<i32>} : memref<40x80xf32, #tpu.memory_space<vmem>>, vector<1x16xf32>,
          %get3A_212 = vector.shape_cast %get3A_211 : vector<1x16xf32> to vector<16xf32>
          %get3A_213 = arith.index_cast %add3A_204 : i32 to index
          %get3A_214 = arith.constant 32 : index
          %get3A_215 = tpu.vector_load %arg17[%get3A_213, %get3A_214] {strides = array<i32>} : memref<40x80xf32, #tpu.memory_space<vmem>>, vector<1x16xf32>,
          %get3A_216 = vector.shape_cast %get3A_215 : vector<1x16xf32> to vector<16xf32>
          %get3A_217 = arith.index_cast %add3A_204 : i32 to index
          %get3A_218 = arith.constant 48 : index
          %get3A_219 = tpu.vector_load %arg17[%get3A_217, %get3A_218] {strides = array<i32>} : memref<40x80xf32, #tpu.memory_space<vmem>>, vector<1x16xf32>,
          %get3A_220 = vector.shape_cast %get3A_219 : vector<1x16xf32> to vector<16xf32>
          %get3A_221 = arith.index_cast %add3A_204 : i32 to index
          %get3A_222 = arith.constant 64 : index
          %get3A_223 = tpu.vector_load %arg17[%get3A_221, %get3A_222] {strides = array<i32>} : memref<40x80xf32, #tpu.memory_space<vmem>>, vector<1x16xf32>,
          %get3A_224 = vector.shape_cast %get3A_223 : vector<1x16xf32> to vector<16xf32>
          %get3A_225 = arith.index_cast %add3A_204 : i32 to index
          %get3A_226 = arith.constant 0 : index
          %get3A_227 = tpu.vector_load %arg15[%get3A_225, %get3A_226] {strides = array<i32>} : memref<40x128xf32, #tpu.memory_space<vmem>>, vector<1x16xf32>,
          %get3A_228 = vector.shape_cast %get3A_227 : vector<1x16xf32> to vector<16xf32>
          %get3A_229 = arith.index_cast %add3A_204 : i32 to index
          %get3A_230 = arith.constant 16 : index
          %get3A_231 = tpu.vector_load %arg15[%get3A_229, %get3A_230] {strides = array<i32>} : memref<40x128xf32, #tpu.memory_space<vmem>>, vector<1x16xf32>,
          %get3A_232 = vector.shape_cast %get3A_231 : vector<1x16xf32> to vector<16xf32>
          %get3A_233 = arith.index_cast %add3A_204 : i32 to index
          %get3A_234 = arith.constant 32 : index
          %get3A_235 = tpu.vector_load %arg15[%get3A_233, %get3A_234] {strides = array<i32>} : memref<40x128xf32, #tpu.memory_space<vmem>>, vector<1x16xf32>,
          %get3A_236 = vector.shape_cast %get3A_235 : vector<1x16xf32> to vector<16xf32>
          %get3A_237 = arith.index_cast %add3A_204 : i32 to index
          %get3A_238 = arith.constant 48 : index
          %get3A_239 = tpu.vector_load %arg15[%get3A_237, %get3A_238] {strides = array<i32>} : memref<40x128xf32, #tpu.memory_space<vmem>>, vector<1x16xf32>,
          %get3A_240 = vector.shape_cast %get3A_239 : vector<1x16xf32> to vector<16xf32>
          %get3A_241 = arith.index_cast %add3A_204 : i32 to index
          %get3A_242 = arith.constant 64 : index
          %get3A_243 = tpu.vector_load %arg15[%get3A_241, %get3A_242] {strides = array<i32>} : memref<40x128xf32, #tpu.memory_space<vmem>>, vector<1x16xf32>,
          %get3A_244 = vector.shape_cast %get3A_243 : vector<1x16xf32> to vector<16xf32>
          %get3A_245 = arith.index_cast %add3A_204 : i32 to index
          %get3A_246 = arith.constant 80 : index
          %get3A_247 = tpu.vector_load %arg15[%get3A_245, %get3A_246] {strides = array<i32>} : memref<40x128xf32, #tpu.memory_space<vmem>>, vector<1x16xf32>,
          %get3A_248 = vector.shape_cast %get3A_247 : vector<1x16xf32> to vector<16xf32>
          %get3A_249 = arith.index_cast %add3A_204 : i32 to index
          %get3A_250 = arith.constant 96 : index
          %get3A_251 = tpu.vector_load %arg15[%get3A_249, %get3A_250] {strides = array<i32>} : memref<40x128xf32, #tpu.memory_space<vmem>>, vector<1x16xf32>,
          %get3A_252 = vector.shape_cast %get3A_251 : vector<1x16xf32> to vector<16xf32>
          %get3A_253 = arith.index_cast %add3A_204 : i32 to index
          %get3A_254 = arith.constant 112 : index
          %get3A_255 = tpu.vector_load %arg15[%get3A_253, %get3A_254] {strides = array<i32>} : memref<40x128xf32, #tpu.memory_space<vmem>>, vector<1x16xf32>,
          %get3A_256 = vector.shape_cast %get3A_255 : vector<1x16xf32> to vector<16xf32>
          %get3A_257 = arith.index_cast %add3A_204 : i32 to index
          %get3A_258 = arith.constant 0 : index
          %get3A_259 = tpu.vector_load %arg13[%get3A_257, %get3A_258] {strides = array<i32>} : memref<40x16xf32, #tpu.memory_space<vmem>>, vector<1x16xf32>,
          %get3A_260 = vector.shape_cast %get3A_259 : vector<1x16xf32> to vector<16xf32>
          %mul3A_261 = arith.mulf %get3A_208, %get3A_228 : vector<16xf32>
          %mul3A_262 = arith.mulf %get3A_212, %get3A_232 : vector<16xf32>
          %add3A_263 = arith.addf %mul3A_261, %mul3A_262 : vector<16xf32>
          %mul3A_264 = arith.mulf %get3A_216, %get3A_236 : vector<16xf32>
          %add3A_265 = arith.addf %add3A_263, %mul3A_264 : vector<16xf32>
          %mul3A_266 = arith.mulf %get3A_220, %get3A_240 : vector<16xf32>
          %add3A_267 = arith.addf %add3A_265, %mul3A_266 : vector<16xf32>
          %mul3A_268 = arith.mulf %get3A_260, %get3A_224 : vector<16xf32>
          %add3A_269 = arith.addf %add3A_267, %mul3A_268 : vector<16xf32>
          %gather3A_270 = vector.shape_cast %broadcast_in_dim3A : vector<16x1xi32> to vector<16xi32>
          %gather3A_271 = tpu.dynamic_gather %add3A_269[%gather3A_270] in [0] : vector<16xf32>, vector<16xi32> -> vector<16xf32>
          %add3A_272 = arith.addf %add3A_269, %gather3A_271 : vector<16xf32>
          %gather3A_273 = vector.shape_cast %broadcast_in_dim3A_5 : vector<16x1xi32> to vector<16xi32>
          %gather3A_274 = tpu.dynamic_gather %add3A_272[%gather3A_273] in [0] : vector<16xf32>, vector<16xi32> -> vector<16xf32>
          %add3A_275 = arith.addf %add3A_272, %gather3A_274 : vector<16xf32>
          %add3A_276 = arith.constant 2 : i32
          %add3A_277 = arith.addi %mul3A_131, %add3A_276 : i32
          %get3A_278 = arith.index_cast %add3A_277 : i32 to index
          %get3A_279 = arith.constant 0 : index
          %get3A_280 = tpu.vector_load %arg17[%get3A_278, %get3A_279] {strides = array<i32>} : memref<40x80xf32, #tpu.memory_space<vmem>>, vector<1x16xf32>,
          %get3A_281 = vector.shape_cast %get3A_280 : vector<1x16xf32> to vector<16xf32>
          %get3A_282 = arith.index_cast %add3A_277 : i32 to index
          %get3A_283 = arith.constant 16 : index
          %get3A_284 = tpu.vector_load %arg17[%get3A_282, %get3A_283] {strides = array<i32>} : memref<40x80xf32, #tpu.memory_space<vmem>>, vector<1x16xf32>,
          %get3A_285 = vector.shape_cast %get3A_284 : vector<1x16xf32> to vector<16xf32>
          %get3A_286 = arith.index_cast %add3A_277 : i32 to index
          %get3A_287 = arith.constant 32 : index
          %get3A_288 = tpu.vector_load %arg17[%get3A_286, %get3A_287] {strides = array<i32>} : memref<40x80xf32, #tpu.memory_space<vmem>>, vector<1x16xf32>,
          %get3A_289 = vector.shape_cast %get3A_288 : vector<1x16xf32> to vector<16xf32>
          %get3A_290 = arith.index_cast %add3A_277 : i32 to index
          %get3A_291 = arith.constant 48 : index
          %get3A_292 = tpu.vector_load %arg17[%get3A_290, %get3A_291] {strides = array<i32>} : memref<40x80xf32, #tpu.memory_space<vmem>>, vector<1x16xf32>,
          %get3A_293 = vector.shape_cast %get3A_292 : vector<1x16xf32> to vector<16xf32>
          %get3A_294 = arith.index_cast %add3A_277 : i32 to index
          %get3A_295 = arith.constant 64 : index
          %get3A_296 = tpu.vector_load %arg17[%get3A_294, %get3A_295] {strides = array<i32>} : memref<40x80xf32, #tpu.memory_space<vmem>>, vector<1x16xf32>,
          %get3A_297 = vector.shape_cast %get3A_296 : vector<1x16xf32> to vector<16xf32>
          %get3A_298 = arith.index_cast %add3A_277 : i32 to index
          %get3A_299 = arith.constant 0 : index
          %get3A_300 = tpu.vector_load %arg15[%get3A_298, %get3A_299] {strides = array<i32>} : memref<40x128xf32, #tpu.memory_space<vmem>>, vector<1x16xf32>,
          %get3A_301 = vector.shape_cast %get3A_300 : vector<1x16xf32> to vector<16xf32>
          %get3A_302 = arith.index_cast %add3A_277 : i32 to index
          %get3A_303 = arith.constant 16 : index
          %get3A_304 = tpu.vector_load %arg15[%get3A_302, %get3A_303] {strides = array<i32>} : memref<40x128xf32, #tpu.memory_space<vmem>>, vector<1x16xf32>,
          %get3A_305 = vector.shape_cast %get3A_304 : vector<1x16xf32> to vector<16xf32>
          %get3A_306 = arith.index_cast %add3A_277 : i32 to index
          %get3A_307 = arith.constant 32 : index
          %get3A_308 = tpu.vector_load %arg15[%get3A_306, %get3A_307] {strides = array<i32>} : memref<40x128xf32, #tpu.memory_space<vmem>>, vector<1x16xf32>,
          %get3A_309 = vector.shape_cast %get3A_308 : vector<1x16xf32> to vector<16xf32>
          %get3A_310 = arith.index_cast %add3A_277 : i32 to index
          %get3A_311 = arith.constant 48 : index
          %get3A_312 = tpu.vector_load %arg15[%get3A_310, %get3A_311] {strides = array<i32>} : memref<40x128xf32, #tpu.memory_space<vmem>>, vector<1x16xf32>,
          %get3A_313 = vector.shape_cast %get3A_312 : vector<1x16xf32> to vector<16xf32>
          %get3A_314 = arith.index_cast %add3A_277 : i32 to index
          %get3A_315 = arith.constant 64 : index
          %get3A_316 = tpu.vector_load %arg15[%get3A_314, %get3A_315] {strides = array<i32>} : memref<40x128xf32, #tpu.memory_space<vmem>>, vector<1x16xf32>,
          %get3A_317 = vector.shape_cast %get3A_316 : vector<1x16xf32> to vector<16xf32>
          %get3A_318 = arith.index_cast %add3A_277 : i32 to index
          %get3A_319 = arith.constant 80 : index
          %get3A_320 = tpu.vector_load %arg15[%get3A_318, %get3A_319] {strides = array<i32>} : memref<40x128xf32, #tpu.memory_space<vmem>>, vector<1x16xf32>,
          %get3A_321 = vector.shape_cast %get3A_320 : vector<1x16xf32> to vector<16xf32>
          %get3A_322 = arith.index_cast %add3A_277 : i32 to index
          %get3A_323 = arith.constant 96 : index
          %get3A_324 = tpu.vector_load %arg15[%get3A_322, %get3A_323] {strides = array<i32>} : memref<40x128xf32, #tpu.memory_space<vmem>>, vector<1x16xf32>,
          %get3A_325 = vector.shape_cast %get3A_324 : vector<1x16xf32> to vector<16xf32>
          %get3A_326 = arith.index_cast %add3A_277 : i32 to index
          %get3A_327 = arith.constant 112 : index
          %get3A_328 = tpu.vector_load %arg15[%get3A_326, %get3A_327] {strides = array<i32>} : memref<40x128xf32, #tpu.memory_space<vmem>>, vector<1x16xf32>,
          %get3A_329 = vector.shape_cast %get3A_328 : vector<1x16xf32> to vector<16xf32>
          %get3A_330 = arith.index_cast %add3A_277 : i32 to index
          %get3A_331 = arith.constant 0 : index
          %get3A_332 = tpu.vector_load %arg13[%get3A_330, %get3A_331] {strides = array<i32>} : memref<40x16xf32, #tpu.memory_space<vmem>>, vector<1x16xf32>,
          %get3A_333 = vector.shape_cast %get3A_332 : vector<1x16xf32> to vector<16xf32>
          %mul3A_334 = arith.mulf %get3A_281, %get3A_301 : vector<16xf32>
          %mul3A_335 = arith.mulf %get3A_285, %get3A_305 : vector<16xf32>
          %add3A_336 = arith.addf %mul3A_334, %mul3A_335 : vector<16xf32>
          %mul3A_337 = arith.mulf %get3A_289, %get3A_309 : vector<16xf32>
          %add3A_338 = arith.addf %add3A_336, %mul3A_337 : vector<16xf32>
          %mul3A_339 = arith.mulf %get3A_293, %get3A_313 : vector<16xf32>
          %add3A_340 = arith.addf %add3A_338, %mul3A_339 : vector<16xf32>
          %mul3A_341 = arith.mulf %get3A_333, %get3A_297 : vector<16xf32>
          %add3A_342 = arith.addf %add3A_340, %mul3A_341 : vector<16xf32>
          %gather3A_343 = vector.shape_cast %broadcast_in_dim3A : vector<16x1xi32> to vector<16xi32>
          %gather3A_344 = tpu.dynamic_gather %add3A_342[%gather3A_343] in [0] : vector<16xf32>, vector<16xi32> -> vector<16xf32>
          %add3A_345 = arith.addf %add3A_342, %gather3A_344 : vector<16xf32>
          %gather3A_346 = vector.shape_cast %broadcast_in_dim3A_5 : vector<16x1xi32> to vector<16xi32>
          %gather3A_347 = tpu.dynamic_gather %add3A_345[%gather3A_346] in [0] : vector<16xf32>, vector<16xi32> -> vector<16xf32>
          %add3A_348 = arith.addf %add3A_345, %gather3A_347 : vector<16xf32>
          %add3A_349 = arith.constant 3 : i32
          %add3A_350 = arith.addi %mul3A_131, %add3A_349 : i32
          %get3A_351 = arith.index_cast %add3A_350 : i32 to index
          %get3A_352 = arith.constant 0 : index
          %get3A_353 = tpu.vector_load %arg17[%get3A_351, %get3A_352] {strides = array<i32>} : memref<40x80xf32, #tpu.memory_space<vmem>>, vector<1x16xf32>,
          %get3A_354 = vector.shape_cast %get3A_353 : vector<1x16xf32> to vector<16xf32>
          %get3A_355 = arith.index_cast %add3A_350 : i32 to index
          %get3A_356 = arith.constant 16 : index
          %get3A_357 = tpu.vector_load %arg17[%get3A_355, %get3A_356] {strides = array<i32>} : memref<40x80xf32, #tpu.memory_space<vmem>>, vector<1x16xf32>,
          %get3A_358 = vector.shape_cast %get3A_357 : vector<1x16xf32> to vector<16xf32>
          %get3A_359 = arith.index_cast %add3A_350 : i32 to index
          %get3A_360 = arith.constant 32 : index
          %get3A_361 = tpu.vector_load %arg17[%get3A_359, %get3A_360] {strides = array<i32>} : memref<40x80xf32, #tpu.memory_space<vmem>>, vector<1x16xf32>,
          %get3A_362 = vector.shape_cast %get3A_361 : vector<1x16xf32> to vector<16xf32>
          %get3A_363 = arith.index_cast %add3A_350 : i32 to index
          %get3A_364 = arith.constant 48 : index
          %get3A_365 = tpu.vector_load %arg17[%get3A_363, %get3A_364] {strides = array<i32>} : memref<40x80xf32, #tpu.memory_space<vmem>>, vector<1x16xf32>,
          %get3A_366 = vector.shape_cast %get3A_365 : vector<1x16xf32> to vector<16xf32>
          %get3A_367 = arith.index_cast %add3A_350 : i32 to index
          %get3A_368 = arith.constant 64 : index
          %get3A_369 = tpu.vector_load %arg17[%get3A_367, %get3A_368] {strides = array<i32>} : memref<40x80xf32, #tpu.memory_space<vmem>>, vector<1x16xf32>,
          %get3A_370 = vector.shape_cast %get3A_369 : vector<1x16xf32> to vector<16xf32>
          %get3A_371 = arith.index_cast %add3A_350 : i32 to index
          %get3A_372 = arith.constant 0 : index
          %get3A_373 = tpu.vector_load %arg15[%get3A_371, %get3A_372] {strides = array<i32>} : memref<40x128xf32, #tpu.memory_space<vmem>>, vector<1x16xf32>,
          %get3A_374 = vector.shape_cast %get3A_373 : vector<1x16xf32> to vector<16xf32>
          %get3A_375 = arith.index_cast %add3A_350 : i32 to index
          %get3A_376 = arith.constant 16 : index
          %get3A_377 = tpu.vector_load %arg15[%get3A_375, %get3A_376] {strides = array<i32>} : memref<40x128xf32, #tpu.memory_space<vmem>>, vector<1x16xf32>,
          %get3A_378 = vector.shape_cast %get3A_377 : vector<1x16xf32> to vector<16xf32>
          %get3A_379 = arith.index_cast %add3A_350 : i32 to index
          %get3A_380 = arith.constant 32 : index
          %get3A_381 = tpu.vector_load %arg15[%get3A_379, %get3A_380] {strides = array<i32>} : memref<40x128xf32, #tpu.memory_space<vmem>>, vector<1x16xf32>,
          %get3A_382 = vector.shape_cast %get3A_381 : vector<1x16xf32> to vector<16xf32>
          %get3A_383 = arith.index_cast %add3A_350 : i32 to index
          %get3A_384 = arith.constant 48 : index
          %get3A_385 = tpu.vector_load %arg15[%get3A_383, %get3A_384] {strides = array<i32>} : memref<40x128xf32, #tpu.memory_space<vmem>>, vector<1x16xf32>,
          %get3A_386 = vector.shape_cast %get3A_385 : vector<1x16xf32> to vector<16xf32>
          %get3A_387 = arith.index_cast %add3A_350 : i32 to index
          %get3A_388 = arith.constant 64 : index
          %get3A_389 = tpu.vector_load %arg15[%get3A_387, %get3A_388] {strides = array<i32>} : memref<40x128xf32, #tpu.memory_space<vmem>>, vector<1x16xf32>,
          %get3A_390 = vector.shape_cast %get3A_389 : vector<1x16xf32> to vector<16xf32>
          %get3A_391 = arith.index_cast %add3A_350 : i32 to index
          %get3A_392 = arith.constant 80 : index
          %get3A_393 = tpu.vector_load %arg15[%get3A_391, %get3A_392] {strides = array<i32>} : memref<40x128xf32, #tpu.memory_space<vmem>>, vector<1x16xf32>,
          %get3A_394 = vector.shape_cast %get3A_393 : vector<1x16xf32> to vector<16xf32>
          %get3A_395 = arith.index_cast %add3A_350 : i32 to index
          %get3A_396 = arith.constant 96 : index
          %get3A_397 = tpu.vector_load %arg15[%get3A_395, %get3A_396] {strides = array<i32>} : memref<40x128xf32, #tpu.memory_space<vmem>>, vector<1x16xf32>,
          %get3A_398 = vector.shape_cast %get3A_397 : vector<1x16xf32> to vector<16xf32>
          %get3A_399 = arith.index_cast %add3A_350 : i32 to index
          %get3A_400 = arith.constant 112 : index
          %get3A_401 = tpu.vector_load %arg15[%get3A_399, %get3A_400] {strides = array<i32>} : memref<40x128xf32, #tpu.memory_space<vmem>>, vector<1x16xf32>,
          %get3A_402 = vector.shape_cast %get3A_401 : vector<1x16xf32> to vector<16xf32>
          %get3A_403 = arith.index_cast %add3A_350 : i32 to index
          %get3A_404 = arith.constant 0 : index
          %get3A_405 = tpu.vector_load %arg13[%get3A_403, %get3A_404] {strides = array<i32>} : memref<40x16xf32, #tpu.memory_space<vmem>>, vector<1x16xf32>,
          %get3A_406 = vector.shape_cast %get3A_405 : vector<1x16xf32> to vector<16xf32>
          %mul3A_407 = arith.mulf %get3A_354, %get3A_374 : vector<16xf32>
          %mul3A_408 = arith.mulf %get3A_358, %get3A_378 : vector<16xf32>
          %add3A_409 = arith.addf %mul3A_407, %mul3A_408 : vector<16xf32>
          %mul3A_410 = arith.mulf %get3A_362, %get3A_382 : vector<16xf32>
          %add3A_411 = arith.addf %add3A_409, %mul3A_410 : vector<16xf32>
          %mul3A_412 = arith.mulf %get3A_366, %get3A_386 : vector<16xf32>
          %add3A_413 = arith.addf %add3A_411, %mul3A_412 : vector<16xf32>
          %mul3A_414 = arith.mulf %get3A_406, %get3A_370 : vector<16xf32>
          %add3A_415 = arith.addf %add3A_413, %mul3A_414 : vector<16xf32>
          %gather3A_416 = vector.shape_cast %broadcast_in_dim3A : vector<16x1xi32> to vector<16xi32>
          %gather3A_417 = tpu.dynamic_gather %add3A_415[%gather3A_416] in [0] : vector<16xf32>, vector<16xi32> -> vector<16xf32>
          %add3A_418 = arith.addf %add3A_415, %gather3A_417 : vector<16xf32>
          %gather3A_419 = vector.shape_cast %broadcast_in_dim3A_5 : vector<16x1xi32> to vector<16xi32>
          %gather3A_420 = tpu.dynamic_gather %add3A_418[%gather3A_419] in [0] : vector<16xf32>, vector<16xi32> -> vector<16xf32>
          %add3A_421 = arith.addf %add3A_418, %gather3A_420 : vector<16xf32>
          %add3A_422 = arith.constant 4 : i32
          %add3A_423 = arith.addi %mul3A_131, %add3A_422 : i32
          %get3A_424 = arith.index_cast %add3A_423 : i32 to index
          %get3A_425 = arith.constant 0 : index
          %get3A_426 = tpu.vector_load %arg17[%get3A_424, %get3A_425] {strides = array<i32>} : memref<40x80xf32, #tpu.memory_space<vmem>>, vector<1x16xf32>,
          %get3A_427 = vector.shape_cast %get3A_426 : vector<1x16xf32> to vector<16xf32>
          %get3A_428 = arith.index_cast %add3A_423 : i32 to index
          %get3A_429 = arith.constant 16 : index
          %get3A_430 = tpu.vector_load %arg17[%get3A_428, %get3A_429] {strides = array<i32>} : memref<40x80xf32, #tpu.memory_space<vmem>>, vector<1x16xf32>,
          %get3A_431 = vector.shape_cast %get3A_430 : vector<1x16xf32> to vector<16xf32>
          %get3A_432 = arith.index_cast %add3A_423 : i32 to index
          %get3A_433 = arith.constant 32 : index
          %get3A_434 = tpu.vector_load %arg17[%get3A_432, %get3A_433] {strides = array<i32>} : memref<40x80xf32, #tpu.memory_space<vmem>>, vector<1x16xf32>,
          %get3A_435 = vector.shape_cast %get3A_434 : vector<1x16xf32> to vector<16xf32>
          %get3A_436 = arith.index_cast %add3A_423 : i32 to index
          %get3A_437 = arith.constant 48 : index
          %get3A_438 = tpu.vector_load %arg17[%get3A_436, %get3A_437] {strides = array<i32>} : memref<40x80xf32, #tpu.memory_space<vmem>>, vector<1x16xf32>,
          %get3A_439 = vector.shape_cast %get3A_438 : vector<1x16xf32> to vector<16xf32>
          %get3A_440 = arith.index_cast %add3A_423 : i32 to index
          %get3A_441 = arith.constant 64 : index
          %get3A_442 = tpu.vector_load %arg17[%get3A_440, %get3A_441] {strides = array<i32>} : memref<40x80xf32, #tpu.memory_space<vmem>>, vector<1x16xf32>,
          %get3A_443 = vector.shape_cast %get3A_442 : vector<1x16xf32> to vector<16xf32>
          %get3A_444 = arith.index_cast %add3A_423 : i32 to index
          %get3A_445 = arith.constant 0 : index
          %get3A_446 = tpu.vector_load %arg15[%get3A_444, %get3A_445] {strides = array<i32>} : memref<40x128xf32, #tpu.memory_space<vmem>>, vector<1x16xf32>,
          %get3A_447 = vector.shape_cast %get3A_446 : vector<1x16xf32> to vector<16xf32>
          %get3A_448 = arith.index_cast %add3A_423 : i32 to index
          %get3A_449 = arith.constant 16 : index
          %get3A_450 = tpu.vector_load %arg15[%get3A_448, %get3A_449] {strides = array<i32>} : memref<40x128xf32, #tpu.memory_space<vmem>>, vector<1x16xf32>,
          %get3A_451 = vector.shape_cast %get3A_450 : vector<1x16xf32> to vector<16xf32>
          %get3A_452 = arith.index_cast %add3A_423 : i32 to index
          %get3A_453 = arith.constant 32 : index
          %get3A_454 = tpu.vector_load %arg15[%get3A_452, %get3A_453] {strides = array<i32>} : memref<40x128xf32, #tpu.memory_space<vmem>>, vector<1x16xf32>,
          %get3A_455 = vector.shape_cast %get3A_454 : vector<1x16xf32> to vector<16xf32>
          %get3A_456 = arith.index_cast %add3A_423 : i32 to index
          %get3A_457 = arith.constant 48 : index
          %get3A_458 = tpu.vector_load %arg15[%get3A_456, %get3A_457] {strides = array<i32>} : memref<40x128xf32, #tpu.memory_space<vmem>>, vector<1x16xf32>,
          %get3A_459 = vector.shape_cast %get3A_458 : vector<1x16xf32> to vector<16xf32>
          %get3A_460 = arith.index_cast %add3A_423 : i32 to index
          %get3A_461 = arith.constant 64 : index
          %get3A_462 = tpu.vector_load %arg15[%get3A_460, %get3A_461] {strides = array<i32>} : memref<40x128xf32, #tpu.memory_space<vmem>>, vector<1x16xf32>,
          %get3A_463 = vector.shape_cast %get3A_462 : vector<1x16xf32> to vector<16xf32>
          %get3A_464 = arith.index_cast %add3A_423 : i32 to index
          %get3A_465 = arith.constant 80 : index
          %get3A_466 = tpu.vector_load %arg15[%get3A_464, %get3A_465] {strides = array<i32>} : memref<40x128xf32, #tpu.memory_space<vmem>>, vector<1x16xf32>,
          %get3A_467 = vector.shape_cast %get3A_466 : vector<1x16xf32> to vector<16xf32>
          %get3A_468 = arith.index_cast %add3A_423 : i32 to index
          %get3A_469 = arith.constant 96 : index
          %get3A_470 = tpu.vector_load %arg15[%get3A_468, %get3A_469] {strides = array<i32>} : memref<40x128xf32, #tpu.memory_space<vmem>>, vector<1x16xf32>,
          %get3A_471 = vector.shape_cast %get3A_470 : vector<1x16xf32> to vector<16xf32>
          %get3A_472 = arith.index_cast %add3A_423 : i32 to index
          %get3A_473 = arith.constant 112 : index
          %get3A_474 = tpu.vector_load %arg15[%get3A_472, %get3A_473] {strides = array<i32>} : memref<40x128xf32, #tpu.memory_space<vmem>>, vector<1x16xf32>,
          %get3A_475 = vector.shape_cast %get3A_474 : vector<1x16xf32> to vector<16xf32>
          %get3A_476 = arith.index_cast %add3A_423 : i32 to index
          %get3A_477 = arith.constant 0 : index
          %get3A_478 = tpu.vector_load %arg13[%get3A_476, %get3A_477] {strides = array<i32>} : memref<40x16xf32, #tpu.memory_space<vmem>>, vector<1x16xf32>,
          %get3A_479 = vector.shape_cast %get3A_478 : vector<1x16xf32> to vector<16xf32>
          %mul3A_480 = arith.mulf %get3A_427, %get3A_447 : vector<16xf32>
          %mul3A_481 = arith.mulf %get3A_431, %get3A_451 : vector<16xf32>
          %add3A_482 = arith.addf %mul3A_480, %mul3A_481 : vector<16xf32>
          %mul3A_483 = arith.mulf %get3A_435, %get3A_455 : vector<16xf32>
          %add3A_484 = arith.addf %add3A_482, %mul3A_483 : vector<16xf32>
          %mul3A_485 = arith.mulf %get3A_439, %get3A_459 : vector<16xf32>
          %add3A_486 = arith.addf %add3A_484, %mul3A_485 : vector<16xf32>
          %mul3A_487 = arith.mulf %get3A_479, %get3A_443 : vector<16xf32>
          %add3A_488 = arith.addf %add3A_486, %mul3A_487 : vector<16xf32>
          %gather3A_489 = vector.shape_cast %broadcast_in_dim3A : vector<16x1xi32> to vector<16xi32>
          %gather3A_490 = tpu.dynamic_gather %add3A_488[%gather3A_489] in [0] : vector<16xf32>, vector<16xi32> -> vector<16xf32>
          %add3A_491 = arith.addf %add3A_488, %gather3A_490 : vector<16xf32>
          %gather3A_492 = vector.shape_cast %broadcast_in_dim3A_5 : vector<16x1xi32> to vector<16xi32>
          %gather3A_493 = tpu.dynamic_gather %add3A_491[%gather3A_492] in [0] : vector<16xf32>, vector<16xi32> -> vector<16xf32>
          %add3A_494 = arith.addf %add3A_491, %gather3A_493 : vector<16xf32>
          %add3A_495 = arith.constant 5 : i32
          %add3A_496 = arith.addi %mul3A_131, %add3A_495 : i32
          %get3A_497 = arith.index_cast %add3A_496 : i32 to index
          %get3A_498 = arith.constant 0 : index
          %get3A_499 = tpu.vector_load %arg17[%get3A_497, %get3A_498] {strides = array<i32>} : memref<40x80xf32, #tpu.memory_space<vmem>>, vector<1x16xf32>,
          %get3A_500 = vector.shape_cast %get3A_499 : vector<1x16xf32> to vector<16xf32>
          %get3A_501 = arith.index_cast %add3A_496 : i32 to index
          %get3A_502 = arith.constant 16 : index
          %get3A_503 = tpu.vector_load %arg17[%get3A_501, %get3A_502] {strides = array<i32>} : memref<40x80xf32, #tpu.memory_space<vmem>>, vector<1x16xf32>,
          %get3A_504 = vector.shape_cast %get3A_503 : vector<1x16xf32> to vector<16xf32>
          %get3A_505 = arith.index_cast %add3A_496 : i32 to index
          %get3A_506 = arith.constant 32 : index
          %get3A_507 = tpu.vector_load %arg17[%get3A_505, %get3A_506] {strides = array<i32>} : memref<40x80xf32, #tpu.memory_space<vmem>>, vector<1x16xf32>,
          %get3A_508 = vector.shape_cast %get3A_507 : vector<1x16xf32> to vector<16xf32>
          %get3A_509 = arith.index_cast %add3A_496 : i32 to index
          %get3A_510 = arith.constant 48 : index
          %get3A_511 = tpu.vector_load %arg17[%get3A_509, %get3A_510] {strides = array<i32>} : memref<40x80xf32, #tpu.memory_space<vmem>>, vector<1x16xf32>,
          %get3A_512 = vector.shape_cast %get3A_511 : vector<1x16xf32> to vector<16xf32>
          %get3A_513 = arith.index_cast %add3A_496 : i32 to index
          %get3A_514 = arith.constant 64 : index
          %get3A_515 = tpu.vector_load %arg17[%get3A_513, %get3A_514] {strides = array<i32>} : memref<40x80xf32, #tpu.memory_space<vmem>>, vector<1x16xf32>,
          %get3A_516 = vector.shape_cast %get3A_515 : vector<1x16xf32> to vector<16xf32>
          %get3A_517 = arith.index_cast %add3A_496 : i32 to index
          %get3A_518 = arith.constant 0 : index
          %get3A_519 = tpu.vector_load %arg15[%get3A_517, %get3A_518] {strides = array<i32>} : memref<40x128xf32, #tpu.memory_space<vmem>>, vector<1x16xf32>,
          %get3A_520 = vector.shape_cast %get3A_519 : vector<1x16xf32> to vector<16xf32>
          %get3A_521 = arith.index_cast %add3A_496 : i32 to index
          %get3A_522 = arith.constant 16 : index
          %get3A_523 = tpu.vector_load %arg15[%get3A_521, %get3A_522] {strides = array<i32>} : memref<40x128xf32, #tpu.memory_space<vmem>>, vector<1x16xf32>,
          %get3A_524 = vector.shape_cast %get3A_523 : vector<1x16xf32> to vector<16xf32>
          %get3A_525 = arith.index_cast %add3A_496 : i32 to index
          %get3A_526 = arith.constant 32 : index
          %get3A_527 = tpu.vector_load %arg15[%get3A_525, %get3A_526] {strides = array<i32>} : memref<40x128xf32, #tpu.memory_space<vmem>>, vector<1x16xf32>,
          %get3A_528 = vector.shape_cast %get3A_527 : vector<1x16xf32> to vector<16xf32>
          %get3A_529 = arith.index_cast %add3A_496 : i32 to index
          %get3A_530 = arith.constant 48 : index
          %get3A_531 = tpu.vector_load %arg15[%get3A_529, %get3A_530] {strides = array<i32>} : memref<40x128xf32, #tpu.memory_space<vmem>>, vector<1x16xf32>,
          %get3A_532 = vector.shape_cast %get3A_531 : vector<1x16xf32> to vector<16xf32>
          %get3A_533 = arith.index_cast %add3A_496 : i32 to index
          %get3A_534 = arith.constant 64 : index
          %get3A_535 = tpu.vector_load %arg15[%get3A_533, %get3A_534] {strides = array<i32>} : memref<40x128xf32, #tpu.memory_space<vmem>>, vector<1x16xf32>,
          %get3A_536 = vector.shape_cast %get3A_535 : vector<1x16xf32> to vector<16xf32>
          %get3A_537 = arith.index_cast %add3A_496 : i32 to index
          %get3A_538 = arith.constant 80 : index
          %get3A_539 = tpu.vector_load %arg15[%get3A_537, %get3A_538] {strides = array<i32>} : memref<40x128xf32, #tpu.memory_space<vmem>>, vector<1x16xf32>,
          %get3A_540 = vector.shape_cast %get3A_539 : vector<1x16xf32> to vector<16xf32>
          %get3A_541 = arith.index_cast %add3A_496 : i32 to index
          %get3A_542 = arith.constant 96 : index
          %get3A_543 = tpu.vector_load %arg15[%get3A_541, %get3A_542] {strides = array<i32>} : memref<40x128xf32, #tpu.memory_space<vmem>>, vector<1x16xf32>,
          %get3A_544 = vector.shape_cast %get3A_543 : vector<1x16xf32> to vector<16xf32>
          %get3A_545 = arith.index_cast %add3A_496 : i32 to index
          %get3A_546 = arith.constant 112 : index
          %get3A_547 = tpu.vector_load %arg15[%get3A_545, %get3A_546] {strides = array<i32>} : memref<40x128xf32, #tpu.memory_space<vmem>>, vector<1x16xf32>,
          %get3A_548 = vector.shape_cast %get3A_547 : vector<1x16xf32> to vector<16xf32>
          %get3A_549 = arith.index_cast %add3A_496 : i32 to index
          %get3A_550 = arith.constant 0 : index
          %get3A_551 = tpu.vector_load %arg13[%get3A_549, %get3A_550] {strides = array<i32>} : memref<40x16xf32, #tpu.memory_space<vmem>>, vector<1x16xf32>,
          %get3A_552 = vector.shape_cast %get3A_551 : vector<1x16xf32> to vector<16xf32>
          %mul3A_553 = arith.mulf %get3A_500, %get3A_520 : vector<16xf32>
          %mul3A_554 = arith.mulf %get3A_504, %get3A_524 : vector<16xf32>
          %add3A_555 = arith.addf %mul3A_553, %mul3A_554 : vector<16xf32>
          %mul3A_556 = arith.mulf %get3A_508, %get3A_528 : vector<16xf32>
          %add3A_557 = arith.addf %add3A_555, %mul3A_556 : vector<16xf32>
          %mul3A_558 = arith.mulf %get3A_512, %get3A_532 : vector<16xf32>
          %add3A_559 = arith.addf %add3A_557, %mul3A_558 : vector<16xf32>
          %mul3A_560 = arith.mulf %get3A_552, %get3A_516 : vector<16xf32>
          %add3A_561 = arith.addf %add3A_559, %mul3A_560 : vector<16xf32>
          %gather3A_562 = vector.shape_cast %broadcast_in_dim3A : vector<16x1xi32> to vector<16xi32>
          %gather3A_563 = tpu.dynamic_gather %add3A_561[%gather3A_562] in [0] : vector<16xf32>, vector<16xi32> -> vector<16xf32>
          %add3A_564 = arith.addf %add3A_561, %gather3A_563 : vector<16xf32>
          %gather3A_565 = vector.shape_cast %broadcast_in_dim3A_5 : vector<16x1xi32> to vector<16xi32>
          %gather3A_566 = tpu.dynamic_gather %add3A_564[%gather3A_565] in [0] : vector<16xf32>, vector<16xi32> -> vector<16xf32>
          %add3A_567 = arith.addf %add3A_564, %gather3A_566 : vector<16xf32>
          %add3A_568 = arith.constant 6 : i32
          %add3A_569 = arith.addi %mul3A_131, %add3A_568 : i32
          %get3A_570 = arith.index_cast %add3A_569 : i32 to index
          %get3A_571 = arith.constant 0 : index
          %get3A_572 = tpu.vector_load %arg17[%get3A_570, %get3A_571] {strides = array<i32>} : memref<40x80xf32, #tpu.memory_space<vmem>>, vector<1x16xf32>,
          %get3A_573 = vector.shape_cast %get3A_572 : vector<1x16xf32> to vector<16xf32>
          %get3A_574 = arith.index_cast %add3A_569 : i32 to index
          %get3A_575 = arith.constant 16 : index
          %get3A_576 = tpu.vector_load %arg17[%get3A_574, %get3A_575] {strides = array<i32>} : memref<40x80xf32, #tpu.memory_space<vmem>>, vector<1x16xf32>,
          %get3A_577 = vector.shape_cast %get3A_576 : vector<1x16xf32> to vector<16xf32>
          %get3A_578 = arith.index_cast %add3A_569 : i32 to index
          %get3A_579 = arith.constant 32 : index
          %get3A_580 = tpu.vector_load %arg17[%get3A_578, %get3A_579] {strides = array<i32>} : memref<40x80xf32, #tpu.memory_space<vmem>>, vector<1x16xf32>,
          %get3A_581 = vector.shape_cast %get3A_580 : vector<1x16xf32> to vector<16xf32>
          %get3A_582 = arith.index_cast %add3A_569 : i32 to index
          %get3A_583 = arith.constant 48 : index
          %get3A_584 = tpu.vector_load %arg17[%get3A_582, %get3A_583] {strides = array<i32>} : memref<40x80xf32, #tpu.memory_space<vmem>>, vector<1x16xf32>,
          %get3A_585 = vector.shape_cast %get3A_584 : vector<1x16xf32> to vector<16xf32>
          %get3A_586 = arith.index_cast %add3A_569 : i32 to index
          %get3A_587 = arith.constant 64 : index
          %get3A_588 = tpu.vector_load %arg17[%get3A_586, %get3A_587] {strides = array<i32>} : memref<40x80xf32, #tpu.memory_space<vmem>>, vector<1x16xf32>,
          %get3A_589 = vector.shape_cast %get3A_588 : vector<1x16xf32> to vector<16xf32>
          %get3A_590 = arith.index_cast %add3A_569 : i32 to index
          %get3A_591 = arith.constant 0 : index
          %get3A_592 = tpu.vector_load %arg15[%get3A_590, %get3A_591] {strides = array<i32>} : memref<40x128xf32, #tpu.memory_space<vmem>>, vector<1x16xf32>,
          %get3A_593 = vector.shape_cast %get3A_592 : vector<1x16xf32> to vector<16xf32>
          %get3A_594 = arith.index_cast %add3A_569 : i32 to index
          %get3A_595 = arith.constant 16 : index
          %get3A_596 = tpu.vector_load %arg15[%get3A_594, %get3A_595] {strides = array<i32>} : memref<40x128xf32, #tpu.memory_space<vmem>>, vector<1x16xf32>,
          %get3A_597 = vector.shape_cast %get3A_596 : vector<1x16xf32> to vector<16xf32>
          %get3A_598 = arith.index_cast %add3A_569 : i32 to index
          %get3A_599 = arith.constant 32 : index
          %get3A_600 = tpu.vector_load %arg15[%get3A_598, %get3A_599] {strides = array<i32>} : memref<40x128xf32, #tpu.memory_space<vmem>>, vector<1x16xf32>,
          %get3A_601 = vector.shape_cast %get3A_600 : vector<1x16xf32> to vector<16xf32>
          %get3A_602 = arith.index_cast %add3A_569 : i32 to index
          %get3A_603 = arith.constant 48 : index
          %get3A_604 = tpu.vector_load %arg15[%get3A_602, %get3A_603] {strides = array<i32>} : memref<40x128xf32, #tpu.memory_space<vmem>>, vector<1x16xf32>,
          %get3A_605 = vector.shape_cast %get3A_604 : vector<1x16xf32> to vector<16xf32>
          %get3A_606 = arith.index_cast %add3A_569 : i32 to index
          %get3A_607 = arith.constant 64 : index
          %get3A_608 = tpu.vector_load %arg15[%get3A_606, %get3A_607] {strides = array<i32>} : memref<40x128xf32, #tpu.memory_space<vmem>>, vector<1x16xf32>,
          %get3A_609 = vector.shape_cast %get3A_608 : vector<1x16xf32> to vector<16xf32>
          %get3A_610 = arith.index_cast %add3A_569 : i32 to index
          %get3A_611 = arith.constant 80 : index
          %get3A_612 = tpu.vector_load %arg15[%get3A_610, %get3A_611] {strides = array<i32>} : memref<40x128xf32, #tpu.memory_space<vmem>>, vector<1x16xf32>,
          %get3A_613 = vector.shape_cast %get3A_612 : vector<1x16xf32> to vector<16xf32>
          %get3A_614 = arith.index_cast %add3A_569 : i32 to index
          %get3A_615 = arith.constant 96 : index
          %get3A_616 = tpu.vector_load %arg15[%get3A_614, %get3A_615] {strides = array<i32>} : memref<40x128xf32, #tpu.memory_space<vmem>>, vector<1x16xf32>,
          %get3A_617 = vector.shape_cast %get3A_616 : vector<1x16xf32> to vector<16xf32>
          %get3A_618 = arith.index_cast %add3A_569 : i32 to index
          %get3A_619 = arith.constant 112 : index
          %get3A_620 = tpu.vector_load %arg15[%get3A_618, %get3A_619] {strides = array<i32>} : memref<40x128xf32, #tpu.memory_space<vmem>>, vector<1x16xf32>,
          %get3A_621 = vector.shape_cast %get3A_620 : vector<1x16xf32> to vector<16xf32>
          %get3A_622 = arith.index_cast %add3A_569 : i32 to index
          %get3A_623 = arith.constant 0 : index
          %get3A_624 = tpu.vector_load %arg13[%get3A_622, %get3A_623] {strides = array<i32>} : memref<40x16xf32, #tpu.memory_space<vmem>>, vector<1x16xf32>,
          %get3A_625 = vector.shape_cast %get3A_624 : vector<1x16xf32> to vector<16xf32>
          %mul3A_626 = arith.mulf %get3A_573, %get3A_593 : vector<16xf32>
          %mul3A_627 = arith.mulf %get3A_577, %get3A_597 : vector<16xf32>
          %add3A_628 = arith.addf %mul3A_626, %mul3A_627 : vector<16xf32>
          %mul3A_629 = arith.mulf %get3A_581, %get3A_601 : vector<16xf32>
          %add3A_630 = arith.addf %add3A_628, %mul3A_629 : vector<16xf32>
          %mul3A_631 = arith.mulf %get3A_585, %get3A_605 : vector<16xf32>
          %add3A_632 = arith.addf %add3A_630, %mul3A_631 : vector<16xf32>
          %mul3A_633 = arith.mulf %get3A_625, %get3A_589 : vector<16xf32>
          %add3A_634 = arith.addf %add3A_632, %mul3A_633 : vector<16xf32>
          %gather3A_635 = vector.shape_cast %broadcast_in_dim3A : vector<16x1xi32> to vector<16xi32>
          %gather3A_636 = tpu.dynamic_gather %add3A_634[%gather3A_635] in [0] : vector<16xf32>, vector<16xi32> -> vector<16xf32>
          %add3A_637 = arith.addf %add3A_634, %gather3A_636 : vector<16xf32>
          %gather3A_638 = vector.shape_cast %broadcast_in_dim3A_5 : vector<16x1xi32> to vector<16xi32>
          %gather3A_639 = tpu.dynamic_gather %add3A_637[%gather3A_638] in [0] : vector<16xf32>, vector<16xi32> -> vector<16xf32>
          %add3A_640 = arith.addf %add3A_637, %gather3A_639 : vector<16xf32>
          %add3A_641 = arith.constant 7 : i32
          %add3A_642 = arith.addi %mul3A_131, %add3A_641 : i32
          %get3A_643 = arith.index_cast %add3A_642 : i32 to index
          %get3A_644 = arith.constant 0 : index
          %get3A_645 = tpu.vector_load %arg17[%get3A_643, %get3A_644] {strides = array<i32>} : memref<40x80xf32, #tpu.memory_space<vmem>>, vector<1x16xf32>,
          %get3A_646 = vector.shape_cast %get3A_645 : vector<1x16xf32> to vector<16xf32>
          %get3A_647 = arith.index_cast %add3A_642 : i32 to index
          %get3A_648 = arith.constant 16 : index
          %get3A_649 = tpu.vector_load %arg17[%get3A_647, %get3A_648] {strides = array<i32>} : memref<40x80xf32, #tpu.memory_space<vmem>>, vector<1x16xf32>,
          %get3A_650 = vector.shape_cast %get3A_649 : vector<1x16xf32> to vector<16xf32>
          %get3A_651 = arith.index_cast %add3A_642 : i32 to index
          %get3A_652 = arith.constant 32 : index
          %get3A_653 = tpu.vector_load %arg17[%get3A_651, %get3A_652] {strides = array<i32>} : memref<40x80xf32, #tpu.memory_space<vmem>>, vector<1x16xf32>,
          %get3A_654 = vector.shape_cast %get3A_653 : vector<1x16xf32> to vector<16xf32>
          %get3A_655 = arith.index_cast %add3A_642 : i32 to index
          %get3A_656 = arith.constant 48 : index
          %get3A_657 = tpu.vector_load %arg17[%get3A_655, %get3A_656] {strides = array<i32>} : memref<40x80xf32, #tpu.memory_space<vmem>>, vector<1x16xf32>,
          %get3A_658 = vector.shape_cast %get3A_657 : vector<1x16xf32> to vector<16xf32>
          %get3A_659 = arith.index_cast %add3A_642 : i32 to index
          %get3A_660 = arith.constant 64 : index
          %get3A_661 = tpu.vector_load %arg17[%get3A_659, %get3A_660] {strides = array<i32>} : memref<40x80xf32, #tpu.memory_space<vmem>>, vector<1x16xf32>,
          %get3A_662 = vector.shape_cast %get3A_661 : vector<1x16xf32> to vector<16xf32>
          %get3A_663 = arith.index_cast %add3A_642 : i32 to index
          %get3A_664 = arith.constant 0 : index
          %get3A_665 = tpu.vector_load %arg15[%get3A_663, %get3A_664] {strides = array<i32>} : memref<40x128xf32, #tpu.memory_space<vmem>>, vector<1x16xf32>,
          %get3A_666 = vector.shape_cast %get3A_665 : vector<1x16xf32> to vector<16xf32>
          %get3A_667 = arith.index_cast %add3A_642 : i32 to index
          %get3A_668 = arith.constant 16 : index
          %get3A_669 = tpu.vector_load %arg15[%get3A_667, %get3A_668] {strides = array<i32>} : memref<40x128xf32, #tpu.memory_space<vmem>>, vector<1x16xf32>,
          %get3A_670 = vector.shape_cast %get3A_669 : vector<1x16xf32> to vector<16xf32>
          %get3A_671 = arith.index_cast %add3A_642 : i32 to index
          %get3A_672 = arith.constant 32 : index
          %get3A_673 = tpu.vector_load %arg15[%get3A_671, %get3A_672] {strides = array<i32>} : memref<40x128xf32, #tpu.memory_space<vmem>>, vector<1x16xf32>,
          %get3A_674 = vector.shape_cast %get3A_673 : vector<1x16xf32> to vector<16xf32>
          %get3A_675 = arith.index_cast %add3A_642 : i32 to index
          %get3A_676 = arith.constant 48 : index
          %get3A_677 = tpu.vector_load %arg15[%get3A_675, %get3A_676] {strides = array<i32>} : memref<40x128xf32, #tpu.memory_space<vmem>>, vector<1x16xf32>,
          %get3A_678 = vector.shape_cast %get3A_677 : vector<1x16xf32> to vector<16xf32>
          %get3A_679 = arith.index_cast %add3A_642 : i32 to index
          %get3A_680 = arith.constant 64 : index
          %get3A_681 = tpu.vector_load %arg15[%get3A_679, %get3A_680] {strides = array<i32>} : memref<40x128xf32, #tpu.memory_space<vmem>>, vector<1x16xf32>,
          %get3A_682 = vector.shape_cast %get3A_681 : vector<1x16xf32> to vector<16xf32>
          %get3A_683 = arith.index_cast %add3A_642 : i32 to index
          %get3A_684 = arith.constant 80 : index
          %get3A_685 = tpu.vector_load %arg15[%get3A_683, %get3A_684] {strides = array<i32>} : memref<40x128xf32, #tpu.memory_space<vmem>>, vector<1x16xf32>,
          %get3A_686 = vector.shape_cast %get3A_685 : vector<1x16xf32> to vector<16xf32>
          %get3A_687 = arith.index_cast %add3A_642 : i32 to index
          %get3A_688 = arith.constant 96 : index
          %get3A_689 = tpu.vector_load %arg15[%get3A_687, %get3A_688] {strides = array<i32>} : memref<40x128xf32, #tpu.memory_space<vmem>>, vector<1x16xf32>,
          %get3A_690 = vector.shape_cast %get3A_689 : vector<1x16xf32> to vector<16xf32>
          %get3A_691 = arith.index_cast %add3A_642 : i32 to index
          %get3A_692 = arith.constant 112 : index
          %get3A_693 = tpu.vector_load %arg15[%get3A_691, %get3A_692] {strides = array<i32>} : memref<40x128xf32, #tpu.memory_space<vmem>>, vector<1x16xf32>,
          %get3A_694 = vector.shape_cast %get3A_693 : vector<1x16xf32> to vector<16xf32>
          %get3A_695 = arith.index_cast %add3A_642 : i32 to index
          %get3A_696 = arith.constant 0 : index
          %get3A_697 = tpu.vector_load %arg13[%get3A_695, %get3A_696] {strides = array<i32>} : memref<40x16xf32, #tpu.memory_space<vmem>>, vector<1x16xf32>,
          %get3A_698 = vector.shape_cast %get3A_697 : vector<1x16xf32> to vector<16xf32>
          %mul3A_699 = arith.mulf %get3A_646, %get3A_666 : vector<16xf32>
          %mul3A_700 = arith.mulf %get3A_650, %get3A_670 : vector<16xf32>
          %add3A_701 = arith.addf %mul3A_699, %mul3A_700 : vector<16xf32>
          %mul3A_702 = arith.mulf %get3A_654, %get3A_674 : vector<16xf32>
          %add3A_703 = arith.addf %add3A_701, %mul3A_702 : vector<16xf32>
          %mul3A_704 = arith.mulf %get3A_658, %get3A_678 : vector<16xf32>
          %add3A_705 = arith.addf %add3A_703, %mul3A_704 : vector<16xf32>
          %mul3A_706 = arith.mulf %get3A_698, %get3A_662 : vector<16xf32>
          %add3A_707 = arith.addf %add3A_705, %mul3A_706 : vector<16xf32>
          %gather3A_708 = vector.shape_cast %broadcast_in_dim3A : vector<16x1xi32> to vector<16xi32>
          %gather3A_709 = tpu.dynamic_gather %add3A_707[%gather3A_708] in [0] : vector<16xf32>, vector<16xi32> -> vector<16xf32>
          %add3A_710 = arith.addf %add3A_707, %gather3A_709 : vector<16xf32>
          %gather3A_711 = vector.shape_cast %broadcast_in_dim3A_5 : vector<16x1xi32> to vector<16xi32>
          %gather3A_712 = tpu.dynamic_gather %add3A_710[%gather3A_711] in [0] : vector<16xf32>, vector<16xi32> -> vector<16xf32>
          %add3A_713 = arith.addf %add3A_710, %gather3A_712 : vector<16xf32>
          %select_n3A = arith.select %lt3A_24, %add3A_348, %add3A_421 : vector<16xi1>, vector<16xf32>
          %select_n3A_714 = arith.select %lt3A_21, %add3A_275, %select_n3A : vector<16xi1>, vector<16xf32>
          %select_n3A_715 = arith.select %lt3A_18, %add3A_202, %select_n3A_714 : vector<16xi1>, vector<16xf32>
          %gather3A_716 = vector.shape_cast %broadcast_in_dim3A_9 : vector<16x1xi32> to vector<16xi32>
          %gather3A_717 = tpu.dynamic_gather %select_n3A_715[%gather3A_716] in [0] : vector<16xf32>, vector<16xi32> -> vector<16xf32>
          %add3A_718 = arith.addf %select_n3A_715, %gather3A_717 : vector<16xf32>
          %gather3A_719 = vector.shape_cast %broadcast_in_dim3A_13 : vector<16x1xi32> to vector<16xi32>
          %gather3A_720 = tpu.dynamic_gather %add3A_718[%gather3A_719] in [0] : vector<16xf32>, vector<16xi32> -> vector<16xf32>
          %add3A_721 = arith.addf %add3A_718, %gather3A_720 : vector<16xf32>
          %exp3A = math.exp %add3A_721 : vector<16xf32>
          %select_n3A_722 = arith.select %lt3A_24, %add3A_640, %add3A_713 : vector<16xi1>, vector<16xf32>
          %select_n3A_723 = arith.select %lt3A_21, %add3A_567, %select_n3A_722 : vector<16xi1>, vector<16xf32>
          %select_n3A_724 = arith.select %lt3A_18, %add3A_494, %select_n3A_723 : vector<16xi1>, vector<16xf32>
          %gather3A_725 = vector.shape_cast %broadcast_in_dim3A_9 : vector<16x1xi32> to vector<16xi32>
          %gather3A_726 = tpu.dynamic_gather %select_n3A_724[%gather3A_725] in [0] : vector<16xf32>, vector<16xi32> -> vector<16xf32>
          %add3A_727 = arith.addf %select_n3A_724, %gather3A_726 : vector<16xf32>
          %gather3A_728 = vector.shape_cast %broadcast_in_dim3A_13 : vector<16x1xi32> to vector<16xi32>
          %gather3A_729 = tpu.dynamic_gather %add3A_727[%gather3A_728] in [0] : vector<16xf32>, vector<16xi32> -> vector<16xf32>
          %add3A_730 = arith.addf %add3A_727, %gather3A_729 : vector<16xf32>
          %exp3A_731 = math.exp %add3A_730 : vector<16xf32>
          %add3A_732 = arith.constant 0 : i32
          %add3A_733 = arith.addi %mul3A_131, %add3A_732 : i32
          %gather3A_734 = vector.shape_cast %broadcast_in_dim3A_26 : vector<16x1xi32> to vector<16xi32>
          %gather3A_735 = tpu.dynamic_gather %exp3A[%gather3A_734] in [0] : vector<16xf32>, vector<16xi32> -> vector<16xf32>
          %mul3A_736 = arith.mulf %gather3A_735, %get3A_172 : vector<16xf32>
          %swap3A = arith.index_cast %add3A_733 : i32 to index
          %swap3A_737 = arith.constant 0 : index
          %swap3A_738 = tpu.vector_load %arg19[%swap3A, %swap3A_737] {strides = array<i32>} : memref<40x80xf32, #tpu.memory_space<vmem>>, vector<1x16xf32>,
          %swap3A_739 = vector.shape_cast %swap3A_738 : vector<1x16xf32> to vector<16xf32>
          %swap3A_740 = vector.shape_cast %mul3A_736 : vector<16xf32> to vector<1x16xf32>
          tpu.vector_store %arg19[%swap3A, %swap3A_737], %swap3A_740 {strides = array<i32>} : memref<40x80xf32, #tpu.memory_space<vmem>>, vector<1x16xf32>,
          %mul3A_741 = arith.mulf %gather3A_735, %get3A_176 : vector<16xf32>
          %swap3A_742 = arith.index_cast %add3A_733 : i32 to index
          %swap3A_743 = arith.constant 16 : index
          %swap3A_744 = tpu.vector_load %arg19[%swap3A_742, %swap3A_743] {strides = array<i32>} : memref<40x80xf32, #tpu.memory_space<vmem>>, vector<1x16xf32>,
          %swap3A_745 = vector.shape_cast %swap3A_744 : vector<1x16xf32> to vector<16xf32>
          %swap3A_746 = vector.shape_cast %mul3A_741 : vector<16xf32> to vector<1x16xf32>
          tpu.vector_store %arg19[%swap3A_742, %swap3A_743], %swap3A_746 {strides = array<i32>} : memref<40x80xf32, #tpu.memory_space<vmem>>, vector<1x16xf32>,
          %mul3A_747 = arith.mulf %gather3A_735, %get3A_180 : vector<16xf32>
          %swap3A_748 = arith.index_cast %add3A_733 : i32 to index
          %swap3A_749 = arith.constant 32 : index
          %swap3A_750 = tpu.vector_load %arg19[%swap3A_748, %swap3A_749] {strides = array<i32>} : memref<40x80xf32, #tpu.memory_space<vmem>>, vector<1x16xf32>,
          %swap3A_751 = vector.shape_cast %swap3A_750 : vector<1x16xf32> to vector<16xf32>
          %swap3A_752 = vector.shape_cast %mul3A_747 : vector<16xf32> to vector<1x16xf32>
          tpu.vector_store %arg19[%swap3A_748, %swap3A_749], %swap3A_752 {strides = array<i32>} : memref<40x80xf32, #tpu.memory_space<vmem>>, vector<1x16xf32>,
          %mul3A_753 = arith.mulf %gather3A_735, %get3A_184 : vector<16xf32>
          %swap3A_754 = arith.index_cast %add3A_733 : i32 to index
          %swap3A_755 = arith.constant 48 : index
          %swap3A_756 = tpu.vector_load %arg19[%swap3A_754, %swap3A_755] {strides = array<i32>} : memref<40x80xf32, #tpu.memory_space<vmem>>, vector<1x16xf32>,
          %swap3A_757 = vector.shape_cast %swap3A_756 : vector<1x16xf32> to vector<16xf32>
          %swap3A_758 = vector.shape_cast %mul3A_753 : vector<16xf32> to vector<1x16xf32>
          tpu.vector_store %arg19[%swap3A_754, %swap3A_755], %swap3A_758 {strides = array<i32>} : memref<40x80xf32, #tpu.memory_space<vmem>>, vector<1x16xf32>,
          %mul3A_759 = arith.mulf %gather3A_735, %get3A_188 : vector<16xf32>
          %swap3A_760 = arith.index_cast %add3A_733 : i32 to index
          %swap3A_761 = arith.constant 64 : index
          %swap3A_762 = tpu.vector_load %arg19[%swap3A_760, %swap3A_761] {strides = array<i32>} : memref<40x80xf32, #tpu.memory_space<vmem>>, vector<1x16xf32>,
          %swap3A_763 = vector.shape_cast %swap3A_762 : vector<1x16xf32> to vector<16xf32>
          %swap3A_764 = vector.shape_cast %mul3A_759 : vector<16xf32> to vector<1x16xf32>
          tpu.vector_store %arg19[%swap3A_760, %swap3A_761], %swap3A_764 {strides = array<i32>} : memref<40x80xf32, #tpu.memory_space<vmem>>, vector<1x16xf32>,
          %add3A_765 = arith.constant 1 : i32
          %add3A_766 = arith.addi %mul3A_131, %add3A_765 : i32
          %gather3A_767 = vector.shape_cast %broadcast_in_dim3A_28 : vector<16x1xi32> to vector<16xi32>
          %gather3A_768 = tpu.dynamic_gather %exp3A[%gather3A_767] in [0] : vector<16xf32>, vector<16xi32> -> vector<16xf32>
          %mul3A_769 = arith.mulf %gather3A_768, %get3A_244 : vector<16xf32>
          %swap3A_770 = arith.index_cast %add3A_766 : i32 to index
          %swap3A_771 = arith.constant 0 : index
          %swap3A_772 = tpu.vector_load %arg19[%swap3A_770, %swap3A_771] {strides = array<i32>} : memref<40x80xf32, #tpu.memory_space<vmem>>, vector<1x16xf32>,
          %swap3A_773 = vector.shape_cast %swap3A_772 : vector<1x16xf32> to vector<16xf32>
          %swap3A_774 = vector.shape_cast %mul3A_769 : vector<16xf32> to vector<1x16xf32>
          tpu.vector_store %arg19[%swap3A_770, %swap3A_771], %swap3A_774 {strides = array<i32>} : memref<40x80xf32, #tpu.memory_space<vmem>>, vector<1x16xf32>,
          %mul3A_775 = arith.mulf %gather3A_768, %get3A_248 : vector<16xf32>
          %swap3A_776 = arith.index_cast %add3A_766 : i32 to index
          %swap3A_777 = arith.constant 16 : index
          %swap3A_778 = tpu.vector_load %arg19[%swap3A_776, %swap3A_777] {strides = array<i32>} : memref<40x80xf32, #tpu.memory_space<vmem>>, vector<1x16xf32>,
          %swap3A_779 = vector.shape_cast %swap3A_778 : vector<1x16xf32> to vector<16xf32>
          %swap3A_780 = vector.shape_cast %mul3A_775 : vector<16xf32> to vector<1x16xf32>
          tpu.vector_store %arg19[%swap3A_776, %swap3A_777], %swap3A_780 {strides = array<i32>} : memref<40x80xf32, #tpu.memory_space<vmem>>, vector<1x16xf32>,
          %mul3A_781 = arith.mulf %gather3A_768, %get3A_252 : vector<16xf32>
          %swap3A_782 = arith.index_cast %add3A_766 : i32 to index
          %swap3A_783 = arith.constant 32 : index
          %swap3A_784 = tpu.vector_load %arg19[%swap3A_782, %swap3A_783] {strides = array<i32>} : memref<40x80xf32, #tpu.memory_space<vmem>>, vector<1x16xf32>,
          %swap3A_785 = vector.shape_cast %swap3A_784 : vector<1x16xf32> to vector<16xf32>
          %swap3A_786 = vector.shape_cast %mul3A_781 : vector<16xf32> to vector<1x16xf32>
          tpu.vector_store %arg19[%swap3A_782, %swap3A_783], %swap3A_786 {strides = array<i32>} : memref<40x80xf32, #tpu.memory_space<vmem>>, vector<1x16xf32>,
          %mul3A_787 = arith.mulf %gather3A_768, %get3A_256 : vector<16xf32>
          %swap3A_788 = arith.index_cast %add3A_766 : i32 to index
          %swap3A_789 = arith.constant 48 : index
          %swap3A_790 = tpu.vector_load %arg19[%swap3A_788, %swap3A_789] {strides = array<i32>} : memref<40x80xf32, #tpu.memory_space<vmem>>, vector<1x16xf32>,
          %swap3A_791 = vector.shape_cast %swap3A_790 : vector<1x16xf32> to vector<16xf32>
          %swap3A_792 = vector.shape_cast %mul3A_787 : vector<16xf32> to vector<1x16xf32>
          tpu.vector_store %arg19[%swap3A_788, %swap3A_789], %swap3A_792 {strides = array<i32>} : memref<40x80xf32, #tpu.memory_space<vmem>>, vector<1x16xf32>,
          %mul3A_793 = arith.mulf %gather3A_768, %get3A_260 : vector<16xf32>
          %swap3A_794 = arith.index_cast %add3A_766 : i32 to index
          %swap3A_795 = arith.constant 64 : index
          %swap3A_796 = tpu.vector_load %arg19[%swap3A_794, %swap3A_795] {strides = array<i32>} : memref<40x80xf32, #tpu.memory_space<vmem>>, vector<1x16xf32>,
          %swap3A_797 = vector.shape_cast %swap3A_796 : vector<1x16xf32> to vector<16xf32>
          %swap3A_798 = vector.shape_cast %mul3A_793 : vector<16xf32> to vector<1x16xf32>
          tpu.vector_store %arg19[%swap3A_794, %swap3A_795], %swap3A_798 {strides = array<i32>} : memref<40x80xf32, #tpu.memory_space<vmem>>, vector<1x16xf32>,
          %add3A_799 = arith.constant 2 : i32
          %add3A_800 = arith.addi %mul3A_131, %add3A_799 : i32
          %gather3A_801 = vector.shape_cast %broadcast_in_dim3A_30 : vector<16x1xi32> to vector<16xi32>
          %gather3A_802 = tpu.dynamic_gather %exp3A[%gather3A_801] in [0] : vector<16xf32>, vector<16xi32> -> vector<16xf32>
          %mul3A_803 = arith.mulf %gather3A_802, %get3A_317 : vector<16xf32>
          %swap3A_804 = arith.index_cast %add3A_800 : i32 to index
          %swap3A_805 = arith.constant 0 : index
          %swap3A_806 = tpu.vector_load %arg19[%swap3A_804, %swap3A_805] {strides = array<i32>} : memref<40x80xf32, #tpu.memory_space<vmem>>, vector<1x16xf32>,
          %swap3A_807 = vector.shape_cast %swap3A_806 : vector<1x16xf32> to vector<16xf32>
          %swap3A_808 = vector.shape_cast %mul3A_803 : vector<16xf32> to vector<1x16xf32>
          tpu.vector_store %arg19[%swap3A_804, %swap3A_805], %swap3A_808 {strides = array<i32>} : memref<40x80xf32, #tpu.memory_space<vmem>>, vector<1x16xf32>,
          %mul3A_809 = arith.mulf %gather3A_802, %get3A_321 : vector<16xf32>
          %swap3A_810 = arith.index_cast %add3A_800 : i32 to index
          %swap3A_811 = arith.constant 16 : index
          %swap3A_812 = tpu.vector_load %arg19[%swap3A_810, %swap3A_811] {strides = array<i32>} : memref<40x80xf32, #tpu.memory_space<vmem>>, vector<1x16xf32>,
          %swap3A_813 = vector.shape_cast %swap3A_812 : vector<1x16xf32> to vector<16xf32>
          %swap3A_814 = vector.shape_cast %mul3A_809 : vector<16xf32> to vector<1x16xf32>
          tpu.vector_store %arg19[%swap3A_810, %swap3A_811], %swap3A_814 {strides = array<i32>} : memref<40x80xf32, #tpu.memory_space<vmem>>, vector<1x16xf32>,
          %mul3A_815 = arith.mulf %gather3A_802, %get3A_325 : vector<16xf32>
          %swap3A_816 = arith.index_cast %add3A_800 : i32 to index
          %swap3A_817 = arith.constant 32 : index
          %swap3A_818 = tpu.vector_load %arg19[%swap3A_816, %swap3A_817] {strides = array<i32>} : memref<40x80xf32, #tpu.memory_space<vmem>>, vector<1x16xf32>,
          %swap3A_819 = vector.shape_cast %swap3A_818 : vector<1x16xf32> to vector<16xf32>
          %swap3A_820 = vector.shape_cast %mul3A_815 : vector<16xf32> to vector<1x16xf32>
          tpu.vector_store %arg19[%swap3A_816, %swap3A_817], %swap3A_820 {strides = array<i32>} : memref<40x80xf32, #tpu.memory_space<vmem>>, vector<1x16xf32>,
          %mul3A_821 = arith.mulf %gather3A_802, %get3A_329 : vector<16xf32>
          %swap3A_822 = arith.index_cast %add3A_800 : i32 to index
          %swap3A_823 = arith.constant 48 : index
          %swap3A_824 = tpu.vector_load %arg19[%swap3A_822, %swap3A_823] {strides = array<i32>} : memref<40x80xf32, #tpu.memory_space<vmem>>, vector<1x16xf32>,
          %swap3A_825 = vector.shape_cast %swap3A_824 : vector<1x16xf32> to vector<16xf32>
          %swap3A_826 = vector.shape_cast %mul3A_821 : vector<16xf32> to vector<1x16xf32>
          tpu.vector_store %arg19[%swap3A_822, %swap3A_823], %swap3A_826 {strides = array<i32>} : memref<40x80xf32, #tpu.memory_space<vmem>>, vector<1x16xf32>,
          %mul3A_827 = arith.mulf %gather3A_802, %get3A_333 : vector<16xf32>
          %swap3A_828 = arith.index_cast %add3A_800 : i32 to index
          %swap3A_829 = arith.constant 64 : index
          %swap3A_830 = tpu.vector_load %arg19[%swap3A_828, %swap3A_829] {strides = array<i32>} : memref<40x80xf32, #tpu.memory_space<vmem>>, vector<1x16xf32>,
          %swap3A_831 = vector.shape_cast %swap3A_830 : vector<1x16xf32> to vector<16xf32>
          %swap3A_832 = vector.shape_cast %mul3A_827 : vector<16xf32> to vector<1x16xf32>
          tpu.vector_store %arg19[%swap3A_828, %swap3A_829], %swap3A_832 {strides = array<i32>} : memref<40x80xf32, #tpu.memory_space<vmem>>, vector<1x16xf32>,
          %add3A_833 = arith.constant 3 : i32
          %add3A_834 = arith.addi %mul3A_131, %add3A_833 : i32
          %gather3A_835 = vector.shape_cast %broadcast_in_dim3A_32 : vector<16x1xi32> to vector<16xi32>
          %gather3A_836 = tpu.dynamic_gather %exp3A[%gather3A_835] in [0] : vector<16xf32>, vector<16xi32> -> vector<16xf32>
          %mul3A_837 = arith.mulf %gather3A_836, %get3A_390 : vector<16xf32>
          %swap3A_838 = arith.index_cast %add3A_834 : i32 to index
          %swap3A_839 = arith.constant 0 : index
          %swap3A_840 = tpu.vector_load %arg19[%swap3A_838, %swap3A_839] {strides = array<i32>} : memref<40x80xf32, #tpu.memory_space<vmem>>, vector<1x16xf32>,
          %swap3A_841 = vector.shape_cast %swap3A_840 : vector<1x16xf32> to vector<16xf32>
          %swap3A_842 = vector.shape_cast %mul3A_837 : vector<16xf32> to vector<1x16xf32>
          tpu.vector_store %arg19[%swap3A_838, %swap3A_839], %swap3A_842 {strides = array<i32>} : memref<40x80xf32, #tpu.memory_space<vmem>>, vector<1x16xf32>,
          %mul3A_843 = arith.mulf %gather3A_836, %get3A_394 : vector<16xf32>
          %swap3A_844 = arith.index_cast %add3A_834 : i32 to index
          %swap3A_845 = arith.constant 16 : index
          %swap3A_846 = tpu.vector_load %arg19[%swap3A_844, %swap3A_845] {strides = array<i32>} : memref<40x80xf32, #tpu.memory_space<vmem>>, vector<1x16xf32>,
          %swap3A_847 = vector.shape_cast %swap3A_846 : vector<1x16xf32> to vector<16xf32>
          %swap3A_848 = vector.shape_cast %mul3A_843 : vector<16xf32> to vector<1x16xf32>
          tpu.vector_store %arg19[%swap3A_844, %swap3A_845], %swap3A_848 {strides = array<i32>} : memref<40x80xf32, #tpu.memory_space<vmem>>, vector<1x16xf32>,
          %mul3A_849 = arith.mulf %gather3A_836, %get3A_398 : vector<16xf32>
          %swap3A_850 = arith.index_cast %add3A_834 : i32 to index
          %swap3A_851 = arith.constant 32 : index
          %swap3A_852 = tpu.vector_load %arg19[%swap3A_850, %swap3A_851] {strides = array<i32>} : memref<40x80xf32, #tpu.memory_space<vmem>>, vector<1x16xf32>,
          %swap3A_853 = vector.shape_cast %swap3A_852 : vector<1x16xf32> to vector<16xf32>
          %swap3A_854 = vector.shape_cast %mul3A_849 : vector<16xf32> to vector<1x16xf32>
          tpu.vector_store %arg19[%swap3A_850, %swap3A_851], %swap3A_854 {strides = array<i32>} : memref<40x80xf32, #tpu.memory_space<vmem>>, vector<1x16xf32>,
          %mul3A_855 = arith.mulf %gather3A_836, %get3A_402 : vector<16xf32>
          %swap3A_856 = arith.index_cast %add3A_834 : i32 to index
          %swap3A_857 = arith.constant 48 : index
          %swap3A_858 = tpu.vector_load %arg19[%swap3A_856, %swap3A_857] {strides = array<i32>} : memref<40x80xf32, #tpu.memory_space<vmem>>, vector<1x16xf32>,
          %swap3A_859 = vector.shape_cast %swap3A_858 : vector<1x16xf32> to vector<16xf32>
          %swap3A_860 = vector.shape_cast %mul3A_855 : vector<16xf32> to vector<1x16xf32>
          tpu.vector_store %arg19[%swap3A_856, %swap3A_857], %swap3A_860 {strides = array<i32>} : memref<40x80xf32, #tpu.memory_space<vmem>>, vector<1x16xf32>,
          %mul3A_861 = arith.mulf %gather3A_836, %get3A_406 : vector<16xf32>
          %swap3A_862 = arith.index_cast %add3A_834 : i32 to index
          %swap3A_863 = arith.constant 64 : index
          %swap3A_864 = tpu.vector_load %arg19[%swap3A_862, %swap3A_863] {strides = array<i32>} : memref<40x80xf32, #tpu.memory_space<vmem>>, vector<1x16xf32>,
          %swap3A_865 = vector.shape_cast %swap3A_864 : vector<1x16xf32> to vector<16xf32>
          %swap3A_866 = vector.shape_cast %mul3A_861 : vector<16xf32> to vector<1x16xf32>
          tpu.vector_store %arg19[%swap3A_862, %swap3A_863], %swap3A_866 {strides = array<i32>} : memref<40x80xf32, #tpu.memory_space<vmem>>, vector<1x16xf32>,
          %add3A_867 = arith.constant 4 : i32
          %add3A_868 = arith.addi %mul3A_131, %add3A_867 : i32
          %gather3A_869 = vector.shape_cast %broadcast_in_dim3A_26 : vector<16x1xi32> to vector<16xi32>
          %gather3A_870 = tpu.dynamic_gather %exp3A_731[%gather3A_869] in [0] : vector<16xf32>, vector<16xi32> -> vector<16xf32>
          %mul3A_871 = arith.mulf %gather3A_870, %get3A_463 : vector<16xf32>
          %swap3A_872 = arith.index_cast %add3A_868 : i32 to index
          %swap3A_873 = arith.constant 0 : index
          %swap3A_874 = tpu.vector_load %arg19[%swap3A_872, %swap3A_873] {strides = array<i32>} : memref<40x80xf32, #tpu.memory_space<vmem>>, vector<1x16xf32>,
          %swap3A_875 = vector.shape_cast %swap3A_874 : vector<1x16xf32> to vector<16xf32>
          %swap3A_876 = vector.shape_cast %mul3A_871 : vector<16xf32> to vector<1x16xf32>
          tpu.vector_store %arg19[%swap3A_872, %swap3A_873], %swap3A_876 {strides = array<i32>} : memref<40x80xf32, #tpu.memory_space<vmem>>, vector<1x16xf32>,
          %mul3A_877 = arith.mulf %gather3A_870, %get3A_467 : vector<16xf32>
          %swap3A_878 = arith.index_cast %add3A_868 : i32 to index
          %swap3A_879 = arith.constant 16 : index
          %swap3A_880 = tpu.vector_load %arg19[%swap3A_878, %swap3A_879] {strides = array<i32>} : memref<40x80xf32, #tpu.memory_space<vmem>>, vector<1x16xf32>,
          %swap3A_881 = vector.shape_cast %swap3A_880 : vector<1x16xf32> to vector<16xf32>
          %swap3A_882 = vector.shape_cast %mul3A_877 : vector<16xf32> to vector<1x16xf32>
          tpu.vector_store %arg19[%swap3A_878, %swap3A_879], %swap3A_882 {strides = array<i32>} : memref<40x80xf32, #tpu.memory_space<vmem>>, vector<1x16xf32>,
          %mul3A_883 = arith.mulf %gather3A_870, %get3A_471 : vector<16xf32>
          %swap3A_884 = arith.index_cast %add3A_868 : i32 to index
          %swap3A_885 = arith.constant 32 : index
          %swap3A_886 = tpu.vector_load %arg19[%swap3A_884, %swap3A_885] {strides = array<i32>} : memref<40x80xf32, #tpu.memory_space<vmem>>, vector<1x16xf32>,
          %swap3A_887 = vector.shape_cast %swap3A_886 : vector<1x16xf32> to vector<16xf32>
          %swap3A_888 = vector.shape_cast %mul3A_883 : vector<16xf32> to vector<1x16xf32>
          tpu.vector_store %arg19[%swap3A_884, %swap3A_885], %swap3A_888 {strides = array<i32>} : memref<40x80xf32, #tpu.memory_space<vmem>>, vector<1x16xf32>,
          %mul3A_889 = arith.mulf %gather3A_870, %get3A_475 : vector<16xf32>
          %swap3A_890 = arith.index_cast %add3A_868 : i32 to index
          %swap3A_891 = arith.constant 48 : index
          %swap3A_892 = tpu.vector_load %arg19[%swap3A_890, %swap3A_891] {strides = array<i32>} : memref<40x80xf32, #tpu.memory_space<vmem>>, vector<1x16xf32>,
          %swap3A_893 = vector.shape_cast %swap3A_892 : vector<1x16xf32> to vector<16xf32>
          %swap3A_894 = vector.shape_cast %mul3A_889 : vector<16xf32> to vector<1x16xf32>
          tpu.vector_store %arg19[%swap3A_890, %swap3A_891], %swap3A_894 {strides = array<i32>} : memref<40x80xf32, #tpu.memory_space<vmem>>, vector<1x16xf32>,
          %mul3A_895 = arith.mulf %gather3A_870, %get3A_479 : vector<16xf32>
          %swap3A_896 = arith.index_cast %add3A_868 : i32 to index
          %swap3A_897 = arith.constant 64 : index
          %swap3A_898 = tpu.vector_load %arg19[%swap3A_896, %swap3A_897] {strides = array<i32>} : memref<40x80xf32, #tpu.memory_space<vmem>>, vector<1x16xf32>,
          %swap3A_899 = vector.shape_cast %swap3A_898 : vector<1x16xf32> to vector<16xf32>
          %swap3A_900 = vector.shape_cast %mul3A_895 : vector<16xf32> to vector<1x16xf32>
          tpu.vector_store %arg19[%swap3A_896, %swap3A_897], %swap3A_900 {strides = array<i32>} : memref<40x80xf32, #tpu.memory_space<vmem>>, vector<1x16xf32>,
          %add3A_901 = arith.constant 5 : i32
          %add3A_902 = arith.addi %mul3A_131, %add3A_901 : i32
          %gather3A_903 = vector.shape_cast %broadcast_in_dim3A_28 : vector<16x1xi32> to vector<16xi32>
          %gather3A_904 = tpu.dynamic_gather %exp3A_731[%gather3A_903] in [0] : vector<16xf32>, vector<16xi32> -> vector<16xf32>
          %mul3A_905 = arith.mulf %gather3A_904, %get3A_536 : vector<16xf32>
          %swap3A_906 = arith.index_cast %add3A_902 : i32 to index
          %swap3A_907 = arith.constant 0 : index
          %swap3A_908 = tpu.vector_load %arg19[%swap3A_906, %swap3A_907] {strides = array<i32>} : memref<40x80xf32, #tpu.memory_space<vmem>>, vector<1x16xf32>,
          %swap3A_909 = vector.shape_cast %swap3A_908 : vector<1x16xf32> to vector<16xf32>
          %swap3A_910 = vector.shape_cast %mul3A_905 : vector<16xf32> to vector<1x16xf32>
          tpu.vector_store %arg19[%swap3A_906, %swap3A_907], %swap3A_910 {strides = array<i32>} : memref<40x80xf32, #tpu.memory_space<vmem>>, vector<1x16xf32>,
          %mul3A_911 = arith.mulf %gather3A_904, %get3A_540 : vector<16xf32>
          %swap3A_912 = arith.index_cast %add3A_902 : i32 to index
          %swap3A_913 = arith.constant 16 : index
          %swap3A_914 = tpu.vector_load %arg19[%swap3A_912, %swap3A_913] {strides = array<i32>} : memref<40x80xf32, #tpu.memory_space<vmem>>, vector<1x16xf32>,
          %swap3A_915 = vector.shape_cast %swap3A_914 : vector<1x16xf32> to vector<16xf32>
          %swap3A_916 = vector.shape_cast %mul3A_911 : vector<16xf32> to vector<1x16xf32>
          tpu.vector_store %arg19[%swap3A_912, %swap3A_913], %swap3A_916 {strides = array<i32>} : memref<40x80xf32, #tpu.memory_space<vmem>>, vector<1x16xf32>,
          %mul3A_917 = arith.mulf %gather3A_904, %get3A_544 : vector<16xf32>
          %swap3A_918 = arith.index_cast %add3A_902 : i32 to index
          %swap3A_919 = arith.constant 32 : index
          %swap3A_920 = tpu.vector_load %arg19[%swap3A_918, %swap3A_919] {strides = array<i32>} : memref<40x80xf32, #tpu.memory_space<vmem>>, vector<1x16xf32>,
          %swap3A_921 = vector.shape_cast %swap3A_920 : vector<1x16xf32> to vector<16xf32>
          %swap3A_922 = vector.shape_cast %mul3A_917 : vector<16xf32> to vector<1x16xf32>
          tpu.vector_store %arg19[%swap3A_918, %swap3A_919], %swap3A_922 {strides = array<i32>} : memref<40x80xf32, #tpu.memory_space<vmem>>, vector<1x16xf32>,
          %mul3A_923 = arith.mulf %gather3A_904, %get3A_548 : vector<16xf32>
          %swap3A_924 = arith.index_cast %add3A_902 : i32 to index
          %swap3A_925 = arith.constant 48 : index
          %swap3A_926 = tpu.vector_load %arg19[%swap3A_924, %swap3A_925] {strides = array<i32>} : memref<40x80xf32, #tpu.memory_space<vmem>>, vector<1x16xf32>,
          %swap3A_927 = vector.shape_cast %swap3A_926 : vector<1x16xf32> to vector<16xf32>
          %swap3A_928 = vector.shape_cast %mul3A_923 : vector<16xf32> to vector<1x16xf32>
          tpu.vector_store %arg19[%swap3A_924, %swap3A_925], %swap3A_928 {strides = array<i32>} : memref<40x80xf32, #tpu.memory_space<vmem>>, vector<1x16xf32>,
          %mul3A_929 = arith.mulf %gather3A_904, %get3A_552 : vector<16xf32>
          %swap3A_930 = arith.index_cast %add3A_902 : i32 to index
          %swap3A_931 = arith.constant 64 : index
          %swap3A_932 = tpu.vector_load %arg19[%swap3A_930, %swap3A_931] {strides = array<i32>} : memref<40x80xf32, #tpu.memory_space<vmem>>, vector<1x16xf32>,
          %swap3A_933 = vector.shape_cast %swap3A_932 : vector<1x16xf32> to vector<16xf32>
          %swap3A_934 = vector.shape_cast %mul3A_929 : vector<16xf32> to vector<1x16xf32>
          tpu.vector_store %arg19[%swap3A_930, %swap3A_931], %swap3A_934 {strides = array<i32>} : memref<40x80xf32, #tpu.memory_space<vmem>>, vector<1x16xf32>,
          %add3A_935 = arith.constant 6 : i32
          %add3A_936 = arith.addi %mul3A_131, %add3A_935 : i32
          %gather3A_937 = vector.shape_cast %broadcast_in_dim3A_30 : vector<16x1xi32> to vector<16xi32>
          %gather3A_938 = tpu.dynamic_gather %exp3A_731[%gather3A_937] in [0] : vector<16xf32>, vector<16xi32> -> vector<16xf32>
          %mul3A_939 = arith.mulf %gather3A_938, %get3A_609 : vector<16xf32>
          %swap3A_940 = arith.index_cast %add3A_936 : i32 to index
          %swap3A_941 = arith.constant 0 : index
          %swap3A_942 = tpu.vector_load %arg19[%swap3A_940, %swap3A_941] {strides = array<i32>} : memref<40x80xf32, #tpu.memory_space<vmem>>, vector<1x16xf32>,
          %swap3A_943 = vector.shape_cast %swap3A_942 : vector<1x16xf32> to vector<16xf32>
          %swap3A_944 = vector.shape_cast %mul3A_939 : vector<16xf32> to vector<1x16xf32>
          tpu.vector_store %arg19[%swap3A_940, %swap3A_941], %swap3A_944 {strides = array<i32>} : memref<40x80xf32, #tpu.memory_space<vmem>>, vector<1x16xf32>,
          %mul3A_945 = arith.mulf %gather3A_938, %get3A_613 : vector<16xf32>
          %swap3A_946 = arith.index_cast %add3A_936 : i32 to index
          %swap3A_947 = arith.constant 16 : index
          %swap3A_948 = tpu.vector_load %arg19[%swap3A_946, %swap3A_947] {strides = array<i32>} : memref<40x80xf32, #tpu.memory_space<vmem>>, vector<1x16xf32>,
          %swap3A_949 = vector.shape_cast %swap3A_948 : vector<1x16xf32> to vector<16xf32>
          %swap3A_950 = vector.shape_cast %mul3A_945 : vector<16xf32> to vector<1x16xf32>
          tpu.vector_store %arg19[%swap3A_946, %swap3A_947], %swap3A_950 {strides = array<i32>} : memref<40x80xf32, #tpu.memory_space<vmem>>, vector<1x16xf32>,
          %mul3A_951 = arith.mulf %gather3A_938, %get3A_617 : vector<16xf32>
          %swap3A_952 = arith.index_cast %add3A_936 : i32 to index
          %swap3A_953 = arith.constant 32 : index
          %swap3A_954 = tpu.vector_load %arg19[%swap3A_952, %swap3A_953] {strides = array<i32>} : memref<40x80xf32, #tpu.memory_space<vmem>>, vector<1x16xf32>,
          %swap3A_955 = vector.shape_cast %swap3A_954 : vector<1x16xf32> to vector<16xf32>
          %swap3A_956 = vector.shape_cast %mul3A_951 : vector<16xf32> to vector<1x16xf32>
          tpu.vector_store %arg19[%swap3A_952, %swap3A_953], %swap3A_956 {strides = array<i32>} : memref<40x80xf32, #tpu.memory_space<vmem>>, vector<1x16xf32>,
          %mul3A_957 = arith.mulf %gather3A_938, %get3A_621 : vector<16xf32>
          %swap3A_958 = arith.index_cast %add3A_936 : i32 to index
          %swap3A_959 = arith.constant 48 : index
          %swap3A_960 = tpu.vector_load %arg19[%swap3A_958, %swap3A_959] {strides = array<i32>} : memref<40x80xf32, #tpu.memory_space<vmem>>, vector<1x16xf32>,
          %swap3A_961 = vector.shape_cast %swap3A_960 : vector<1x16xf32> to vector<16xf32>
          %swap3A_962 = vector.shape_cast %mul3A_957 : vector<16xf32> to vector<1x16xf32>
          tpu.vector_store %arg19[%swap3A_958, %swap3A_959], %swap3A_962 {strides = array<i32>} : memref<40x80xf32, #tpu.memory_space<vmem>>, vector<1x16xf32>,
          %mul3A_963 = arith.mulf %gather3A_938, %get3A_625 : vector<16xf32>
          %swap3A_964 = arith.index_cast %add3A_936 : i32 to index
          %swap3A_965 = arith.constant 64 : index
          %swap3A_966 = tpu.vector_load %arg19[%swap3A_964, %swap3A_965] {strides = array<i32>} : memref<40x80xf32, #tpu.memory_space<vmem>>, vector<1x16xf32>,
          %swap3A_967 = vector.shape_cast %swap3A_966 : vector<1x16xf32> to vector<16xf32>
          %swap3A_968 = vector.shape_cast %mul3A_963 : vector<16xf32> to vector<1x16xf32>
          tpu.vector_store %arg19[%swap3A_964, %swap3A_965], %swap3A_968 {strides = array<i32>} : memref<40x80xf32, #tpu.memory_space<vmem>>, vector<1x16xf32>,
          %add3A_969 = arith.constant 7 : i32
          %add3A_970 = arith.addi %mul3A_131, %add3A_969 : i32
          %gather3A_971 = vector.shape_cast %broadcast_in_dim3A_32 : vector<16x1xi32> to vector<16xi32>
          %gather3A_972 = tpu.dynamic_gather %exp3A_731[%gather3A_971] in [0] : vector<16xf32>, vector<16xi32> -> vector<16xf32>
          %mul3A_973 = arith.mulf %gather3A_972, %get3A_682 : vector<16xf32>
          %swap3A_974 = arith.index_cast %add3A_970 : i32 to index
          %swap3A_975 = arith.constant 0 : index
          %swap3A_976 = tpu.vector_load %arg19[%swap3A_974, %swap3A_975] {strides = array<i32>} : memref<40x80xf32, #tpu.memory_space<vmem>>, vector<1x16xf32>,
          %swap3A_977 = vector.shape_cast %swap3A_976 : vector<1x16xf32> to vector<16xf32>
          %swap3A_978 = vector.shape_cast %mul3A_973 : vector<16xf32> to vector<1x16xf32>
          tpu.vector_store %arg19[%swap3A_974, %swap3A_975], %swap3A_978 {strides = array<i32>} : memref<40x80xf32, #tpu.memory_space<vmem>>, vector<1x16xf32>,
          %mul3A_979 = arith.mulf %gather3A_972, %get3A_686 : vector<16xf32>
          %swap3A_980 = arith.index_cast %add3A_970 : i32 to index
          %swap3A_981 = arith.constant 16 : index
          %swap3A_982 = tpu.vector_load %arg19[%swap3A_980, %swap3A_981] {strides = array<i32>} : memref<40x80xf32, #tpu.memory_space<vmem>>, vector<1x16xf32>,
          %swap3A_983 = vector.shape_cast %swap3A_982 : vector<1x16xf32> to vector<16xf32>
          %swap3A_984 = vector.shape_cast %mul3A_979 : vector<16xf32> to vector<1x16xf32>
          tpu.vector_store %arg19[%swap3A_980, %swap3A_981], %swap3A_984 {strides = array<i32>} : memref<40x80xf32, #tpu.memory_space<vmem>>, vector<1x16xf32>,
          %mul3A_985 = arith.mulf %gather3A_972, %get3A_690 : vector<16xf32>
          %swap3A_986 = arith.index_cast %add3A_970 : i32 to index
          %swap3A_987 = arith.constant 32 : index
          %swap3A_988 = tpu.vector_load %arg19[%swap3A_986, %swap3A_987] {strides = array<i32>} : memref<40x80xf32, #tpu.memory_space<vmem>>, vector<1x16xf32>,
          %swap3A_989 = vector.shape_cast %swap3A_988 : vector<1x16xf32> to vector<16xf32>
          %swap3A_990 = vector.shape_cast %mul3A_985 : vector<16xf32> to vector<1x16xf32>
          tpu.vector_store %arg19[%swap3A_986, %swap3A_987], %swap3A_990 {strides = array<i32>} : memref<40x80xf32, #tpu.memory_space<vmem>>, vector<1x16xf32>,
          %mul3A_991 = arith.mulf %gather3A_972, %get3A_694 : vector<16xf32>
          %swap3A_992 = arith.index_cast %add3A_970 : i32 to index
          %swap3A_993 = arith.constant 48 : index
          %swap3A_994 = tpu.vector_load %arg19[%swap3A_992, %swap3A_993] {strides = array<i32>} : memref<40x80xf32, #tpu.memory_space<vmem>>, vector<1x16xf32>,
          %swap3A_995 = vector.shape_cast %swap3A_994 : vector<1x16xf32> to vector<16xf32>
          %swap3A_996 = vector.shape_cast %mul3A_991 : vector<16xf32> to vector<1x16xf32>
          tpu.vector_store %arg19[%swap3A_992, %swap3A_993], %swap3A_996 {strides = array<i32>} : memref<40x80xf32, #tpu.memory_space<vmem>>, vector<1x16xf32>,
          %mul3A_997 = arith.mulf %gather3A_972, %get3A_698 : vector<16xf32>
          %swap3A_998 = arith.index_cast %add3A_970 : i32 to index
          %swap3A_999 = arith.constant 64 : index
          %swap3A_1000 = tpu.vector_load %arg19[%swap3A_998, %swap3A_999] {strides = array<i32>} : memref<40x80xf32, #tpu.memory_space<vmem>>, vector<1x16xf32>,
          %swap3A_1001 = vector.shape_cast %swap3A_1000 : vector<1x16xf32> to vector<16xf32>
          %swap3A_1002 = vector.shape_cast %mul3A_997 : vector<16xf32> to vector<1x16xf32>
          tpu.vector_store %arg19[%swap3A_998, %swap3A_999], %swap3A_1002 {strides = array<i32>} : memref<40x80xf32, #tpu.memory_space<vmem>>, vector<1x16xf32>,
        }
        %scan3A_122 = arith.constant 5 : i32
        %dma_start3A_123 = arith.constant 0 : i32
        %dma_start3A_124 = tpu.memref_slice %arg12[%add3A_68, %dma_start3A_123] : memref<500x40xi32, #tpu.memory_space<vmem>> -> memref<1x40xi32, #tpu.memory_space<vmem>>
        %dma_start3A_125 = tpu.memref_squeeze %dma_start3A_124 : memref<1x40xi32, #tpu.memory_space<vmem>> -> memref<40xi32, #tpu.memory_space<vmem>>
        %dma_start3A_126 = arith.constant 0 : i32
        %dma_start3A_127 = arith.constant 0 : i32
        %dma_start3A_128 = tpu.memref_slice %arg29[%dma_start3A_126, %dma_start3A_127] : memref<10240x80xf32, #tpu.memory_space<vmem_shared>> -> memref<10240x80xf32, #tpu.memory_space<vmem_shared>>
        tpu.enqueue_indirect_dma source(%arg19 : memref<40x80xf32, #tpu.memory_space<vmem>>) target(%dma_start3A_128 : memref<10240x80xf32, #tpu.memory_space<vmem_shared>>) offsets(%dma_start3A_125 : memref<40xi32, #tpu.memory_space<vmem>>) semaphore(%arg27 : memref<!tpu.dma_semaphore, #tpu.memory_space<semaphore_mem>>) {add = true}
      } else {
      }
      %add3A_81 = arith.constant 1 : i32
      %add3A_82 = arith.addi %mul3A_66, %add3A_81 : i32
      %add3A_83 = arith.constant 1 : i32
      %add3A_84 = arith.addi %add3A_82, %add3A_83 : i32
      %lt3A_85 = arith.constant 500 : i32
      %lt3A_86 = arith.cmpi slt, %add3A_84, %lt3A_85 : i32
      %convert_element_type3A_87 = arith.extui %lt3A_86 : i1 to i32
      %cond3A_88 = arith.constant 0 : i32
      %cond3A_89 = arith.cmpi ne, %convert_element_type3A_87, %cond3A_88 : i32
      scf.if %cond3A_89 {
        %add3A_95 = arith.constant 1 : i32
        %add3A_96 = arith.addi %add3A_82, %add3A_95 : i32
        %mul3A_97 = arith.constant 40 : i32
        %mul3A_98 = arith.muli %add3A_96, %mul3A_97 : i32
        %add3A_99 = arith.addi %mul3A_16, %mul3A_98 : i32
        %dma_start3A_100 = arith.constant 0 : i32
        %dma_start3A_101 = tpu.memref_slice %arg6[%add3A_99, %dma_start3A_100] : memref<320000x16xf32, #tpu.memory_space<hbm>> -> memref<40x16xf32, #tpu.memory_space<hbm>>
        %dma_start3A_102 = arith.constant 0 : i32
        %dma_start3A_103 = tpu.memref_slice %arg6[%add3A_99, %dma_start3A_102] : memref<320000x16xf32, #tpu.memory_space<hbm>> -> memref<40x16xf32, #tpu.memory_space<hbm>>
        tpu.enqueue_dma source(%dma_start3A_103 : memref<40x16xf32, #tpu.memory_space<hbm>>) target(%arg13 : memref<40x16xf32, #tpu.memory_space<vmem>>) target_semaphore(%arg21 : memref<!tpu.dma_semaphore, #tpu.memory_space<semaphore_mem>>)
        %eq3A_104 = arith.constant 0 : i32
        %eq3A_105 = arith.cmpi eq, %arg0, %eq3A_104 : i32
        %convert_element_type3A_106 = arith.extui %eq3A_105 : i1 to i32
        %cond3A_107 = arith.constant 0 : i32
        %cond3A_108 = arith.cmpi ne, %convert_element_type3A_106, %cond3A_107 : i32
        scf.if %cond3A_108 {
          %dma_start3A_114 = arith.constant 0 : i32
          %dma_start3A_115 = tpu.memref_slice %arg11[%add3A_96, %dma_start3A_114] : memref<500x40xi32, #tpu.memory_space<vmem>> -> memref<1x40xi32, #tpu.memory_space<vmem>>
          %dma_start3A_116 = tpu.memref_squeeze %dma_start3A_115 : memref<1x40xi32, #tpu.memory_space<vmem>> -> memref<40xi32, #tpu.memory_space<vmem>>
          %dma_start3A_117 = arith.constant 0 : i32
          %dma_start3A_118 = arith.constant 0 : i32
          %dma_start3A_119 = tpu.memref_slice %arg2[%dma_start3A_117, %dma_start3A_118] : memref<10000x128xf32, #tpu.memory_space<hbm>> -> memref<10000x128xf32, #tpu.memory_space<hbm>>
          tpu.enqueue_indirect_dma source(%dma_start3A_119 : memref<10000x128xf32, #tpu.memory_space<hbm>>) target(%arg15 : memref<40x128xf32, #tpu.memory_space<vmem>>) offsets(%dma_start3A_116 : memref<40xi32, #tpu.memory_space<vmem>>) semaphore(%arg23 : memref<!tpu.dma_semaphore, #tpu.memory_space<semaphore_mem>>)
          %dma_start3A_120 = arith.constant 0 : i32
          %dma_start3A_121 = tpu.memref_slice %arg12[%add3A_96, %dma_start3A_120] : memref<500x40xi32, #tpu.memory_space<vmem>> -> memref<1x40xi32, #tpu.memory_space<vmem>>
          %dma_start3A_122 = tpu.memref_squeeze %dma_start3A_121 : memref<1x40xi32, #tpu.memory_space<vmem>> -> memref<40xi32, #tpu.memory_space<vmem>>
          %dma_start3A_123 = arith.constant 0 : i32
          %dma_start3A_124 = arith.constant 0 : i32
          %dma_start3A_125 = tpu.memref_slice %arg4[%dma_start3A_123, %dma_start3A_124] : memref<10000x80xf32, #tpu.memory_space<hbm>> -> memref<10000x80xf32, #tpu.memory_space<hbm>>
          tpu.enqueue_indirect_dma source(%dma_start3A_125 : memref<10000x80xf32, #tpu.memory_space<hbm>>) target(%arg17 : memref<40x80xf32, #tpu.memory_space<vmem>>) offsets(%dma_start3A_122 : memref<40xi32, #tpu.memory_space<vmem>>) semaphore(%arg25 : memref<!tpu.dma_semaphore, #tpu.memory_space<semaphore_mem>>)
        } else {
        }
        %eq3A_109 = arith.constant 1 : i32
        %eq3A_110 = arith.cmpi eq, %arg0, %eq3A_109 : i32
        %convert_element_type3A_111 = arith.extui %eq3A_110 : i1 to i32
        %cond3A_112 = arith.constant 0 : i32
        %cond3A_113 = arith.cmpi ne, %convert_element_type3A_111, %cond3A_112 : i32
        scf.if %cond3A_113 {
          %dma_start3A_114 = arith.constant 0 : i32
          %dma_start3A_115 = tpu.memref_slice %arg11[%add3A_96, %dma_start3A_114] : memref<500x40xi32, #tpu.memory_space<vmem>> -> memref<1x40xi32, #tpu.memory_space<vmem>>
          %dma_start3A_116 = tpu.memref_squeeze %dma_start3A_115 : memref<1x40xi32, #tpu.memory_space<vmem>> -> memref<40xi32, #tpu.memory_space<vmem>>
          %dma_start3A_117 = arith.constant 0 : i32
          %dma_start3A_118 = arith.constant 0 : i32
          %dma_start3A_119 = tpu.memref_slice %arg3[%dma_start3A_117, %dma_start3A_118] : memref<10000x128xf32, #tpu.memory_space<hbm>> -> memref<10000x128xf32, #tpu.memory_space<hbm>>
          tpu.enqueue_indirect_dma source(%dma_start3A_119 : memref<10000x128xf32, #tpu.memory_space<hbm>>) target(%arg15 : memref<40x128xf32, #tpu.memory_space<vmem>>) offsets(%dma_start3A_116 : memref<40xi32, #tpu.memory_space<vmem>>) semaphore(%arg23 : memref<!tpu.dma_semaphore, #tpu.memory_space<semaphore_mem>>)
          %dma_start3A_120 = arith.constant 0 : i32
          %dma_start3A_121 = tpu.memref_slice %arg12[%add3A_96, %dma_start3A_120] : memref<500x40xi32, #tpu.memory_space<vmem>> -> memref<1x40xi32, #tpu.memory_space<vmem>>
          %dma_start3A_122 = tpu.memref_squeeze %dma_start3A_121 : memref<1x40xi32, #tpu.memory_space<vmem>> -> memref<40xi32, #tpu.memory_space<vmem>>
          %dma_start3A_123 = arith.constant 0 : i32
          %dma_start3A_124 = arith.constant 0 : i32
          %dma_start3A_125 = tpu.memref_slice %arg5[%dma_start3A_123, %dma_start3A_124] : memref<10000x80xf32, #tpu.memory_space<hbm>> -> memref<10000x80xf32, #tpu.memory_space<hbm>>
          tpu.enqueue_indirect_dma source(%dma_start3A_125 : memref<10000x80xf32, #tpu.memory_space<hbm>>) target(%arg17 : memref<40x80xf32, #tpu.memory_space<vmem>>) offsets(%dma_start3A_122 : memref<40xi32, #tpu.memory_space<vmem>>) semaphore(%arg25 : memref<!tpu.dma_semaphore, #tpu.memory_space<semaphore_mem>>)
        } else {
        }
      } else {
      }
      %lt3A_90 = arith.constant 500 : i32
      %lt3A_91 = arith.cmpi slt, %add3A_82, %lt3A_90 : i32
      %convert_element_type3A_92 = arith.extui %lt3A_91 : i1 to i32
      %cond3A_93 = arith.constant 0 : i32
      %cond3A_94 = arith.cmpi ne, %convert_element_type3A_92, %cond3A_93 : i32
      scf.if %cond3A_94 {
        %dma_wait3A_95 = arith.constant 0 : i32
        %dma_wait3A_96 = arith.constant 0 : i32
        %dma_wait3A_97 = tpu.memref_slice %arg6[%dma_wait3A_95, %dma_wait3A_96] : memref<320000x16xf32, #tpu.memory_space<hbm>> -> memref<40x16xf32, #tpu.memory_space<hbm>>
        %dma_wait3A_98 = arith.constant 0 : i32
        %dma_wait3A_99 = arith.constant 0 : i32
        %dma_wait3A_100 = tpu.memref_slice %arg6[%dma_wait3A_98, %dma_wait3A_99] : memref<320000x16xf32, #tpu.memory_space<hbm>> -> memref<40x16xf32, #tpu.memory_space<hbm>>
        tpu.wait_dma2 semaphore(%arg22 : memref<!tpu.dma_semaphore, #tpu.memory_space<semaphore_mem>>) src(%dma_wait3A_100 : memref<40x16xf32, #tpu.memory_space<hbm>>) dst(%arg14 : memref<40x16xf32, #tpu.memory_space<vmem>>)
        %dma_wait3A_101 = arith.constant 0 : i32
        %dma_wait3A_102 = arith.constant 0 : i32
        %dma_wait3A_103 = tpu.memref_slice %arg2[%dma_wait3A_101, %dma_wait3A_102] : memref<10000x128xf32, #tpu.memory_space<hbm>> -> memref<40x128xf32, #tpu.memory_space<hbm>>
        %dma_wait3A_104 = arith.constant 0 : i32
        %dma_wait3A_105 = arith.constant 0 : i32
        %dma_wait3A_106 = tpu.memref_slice %arg2[%dma_wait3A_104, %dma_wait3A_105] : memref<10000x128xf32, #tpu.memory_space<hbm>> -> memref<40x128xf32, #tpu.memory_space<hbm>>
        tpu.wait_dma2 semaphore(%arg24 : memref<!tpu.dma_semaphore, #tpu.memory_space<semaphore_mem>>) src(%dma_wait3A_106 : memref<40x128xf32, #tpu.memory_space<hbm>>) dst(%arg16 : memref<40x128xf32, #tpu.memory_space<vmem>>)
        %dma_wait3A_107 = arith.constant 0 : i32
        %dma_wait3A_108 = arith.constant 0 : i32
        %dma_wait3A_109 = tpu.memref_slice %arg4[%dma_wait3A_107, %dma_wait3A_108] : memref<10000x80xf32, #tpu.memory_space<hbm>> -> memref<40x80xf32, #tpu.memory_space<hbm>>
        %dma_wait3A_110 = arith.constant 0 : i32
        %dma_wait3A_111 = arith.constant 0 : i32
        %dma_wait3A_112 = tpu.memref_slice %arg4[%dma_wait3A_110, %dma_wait3A_111] : memref<10000x80xf32, #tpu.memory_space<hbm>> -> memref<40x80xf32, #tpu.memory_space<hbm>>
        tpu.wait_dma2 semaphore(%arg26 : memref<!tpu.dma_semaphore, #tpu.memory_space<semaphore_mem>>) src(%dma_wait3A_112 : memref<40x80xf32, #tpu.memory_space<hbm>>) dst(%arg18 : memref<40x80xf32, #tpu.memory_space<vmem>>)
        %ge3A = arith.constant 2 : i32
        %ge3A_113 = arith.cmpi sge, %add3A_82, %ge3A : i32
        %convert_element_type3A_114 = arith.extui %ge3A_113 : i1 to i32
        %cond3A_115 = arith.constant 0 : i32
        %cond3A_116 = arith.cmpi ne, %convert_element_type3A_114, %cond3A_115 : i32
        scf.if %cond3A_116 {
          %dma_wait3A_129 = arith.constant 0 : i32
          %dma_wait3A_130 = arith.constant 0 : i32
          %dma_wait3A_131 = tpu.memref_slice %arg10[%dma_wait3A_129, %dma_wait3A_130] : memref<20480x80xf32, #tpu.memory_space<hbm>> -> memref<40x80xf32, #tpu.memory_space<hbm>>
          %dma_wait3A_132 = arith.constant 0 : i32
          %dma_wait3A_133 = arith.constant 0 : i32
          %dma_wait3A_134 = tpu.memref_slice %arg10[%dma_wait3A_132, %dma_wait3A_133] : memref<20480x80xf32, #tpu.memory_space<hbm>> -> memref<40x80xf32, #tpu.memory_space<hbm>>
          tpu.wait_dma2 semaphore(%arg28 : memref<!tpu.dma_semaphore, #tpu.memory_space<semaphore_mem>>) src(%dma_wait3A_134 : memref<40x80xf32, #tpu.memory_space<hbm>>) dst(%arg20 : memref<40x80xf32, #tpu.memory_space<vmem>>)
        } else {
        }
        %scan3A_117 = arith.constant 0 : i32
        %scan3A_118 = arith.constant 0 : i32
        %scan3A_119 = arith.constant 5 : i32
        %scan3A_120 = arith.addi %scan3A_118, %scan3A_119 : i32
        %scan3A_121 = arith.constant 1 : i32
        scf.for %scan3A_129 = %scan3A_118 to %scan3A_120 step %scan3A_121  : i32 {
          %mul3A_130 = arith.constant 8 : i32
          %mul3A_131 = arith.muli %scan3A_129, %mul3A_130 : i32
          %add3A_132 = arith.constant 0 : i32
          %add3A_133 = arith.addi %mul3A_131, %add3A_132 : i32
          %get3A = arith.index_cast %add3A_133 : i32 to index
          %get3A_134 = arith.constant 0 : index
          %get3A_135 = tpu.vector_load %arg18[%get3A, %get3A_134] {strides = array<i32>} : memref<40x80xf32, #tpu.memory_space<vmem>>, vector<1x16xf32>,
          %get3A_136 = vector.shape_cast %get3A_135 : vector<1x16xf32> to vector<16xf32>
          %get3A_137 = arith.index_cast %add3A_133 : i32 to index
          %get3A_138 = arith.constant 16 : index
          %get3A_139 = tpu.vector_load %arg18[%get3A_137, %get3A_138] {strides = array<i32>} : memref<40x80xf32, #tpu.memory_space<vmem>>, vector<1x16xf32>,
          %get3A_140 = vector.shape_cast %get3A_139 : vector<1x16xf32> to vector<16xf32>
          %get3A_141 = arith.index_cast %add3A_133 : i32 to index
          %get3A_142 = arith.constant 32 : index
          %get3A_143 = tpu.vector_load %arg18[%get3A_141, %get3A_142] {strides = array<i32>} : memref<40x80xf32, #tpu.memory_space<vmem>>, vector<1x16xf32>,
          %get3A_144 = vector.shape_cast %get3A_143 : vector<1x16xf32> to vector<16xf32>
          %get3A_145 = arith.index_cast %add3A_133 : i32 to index
          %get3A_146 = arith.constant 48 : index
          %get3A_147 = tpu.vector_load %arg18[%get3A_145, %get3A_146] {strides = array<i32>} : memref<40x80xf32, #tpu.memory_space<vmem>>, vector<1x16xf32>,
          %get3A_148 = vector.shape_cast %get3A_147 : vector<1x16xf32> to vector<16xf32>
          %get3A_149 = arith.index_cast %add3A_133 : i32 to index
          %get3A_150 = arith.constant 64 : index
          %get3A_151 = tpu.vector_load %arg18[%get3A_149, %get3A_150] {strides = array<i32>} : memref<40x80xf32, #tpu.memory_space<vmem>>, vector<1x16xf32>,
          %get3A_152 = vector.shape_cast %get3A_151 : vector<1x16xf32> to vector<16xf32>
          %get3A_153 = arith.index_cast %add3A_133 : i32 to index
          %get3A_154 = arith.constant 0 : index
          %get3A_155 = tpu.vector_load %arg16[%get3A_153, %get3A_154] {strides = array<i32>} : memref<40x128xf32, #tpu.memory_space<vmem>>, vector<1x16xf32>,
          %get3A_156 = vector.shape_cast %get3A_155 : vector<1x16xf32> to vector<16xf32>
          %get3A_157 = arith.index_cast %add3A_133 : i32 to index
          %get3A_158 = arith.constant 16 : index
          %get3A_159 = tpu.vector_load %arg16[%get3A_157, %get3A_158] {strides = array<i32>} : memref<40x128xf32, #tpu.memory_space<vmem>>, vector<1x16xf32>,
          %get3A_160 = vector.shape_cast %get3A_159 : vector<1x16xf32> to vector<16xf32>
          %get3A_161 = arith.index_cast %add3A_133 : i32 to index
          %get3A_162 = arith.constant 32 : index
          %get3A_163 = tpu.vector_load %arg16[%get3A_161, %get3A_162] {strides = array<i32>} : memref<40x128xf32, #tpu.memory_space<vmem>>, vector<1x16xf32>,
          %get3A_164 = vector.shape_cast %get3A_163 : vector<1x16xf32> to vector<16xf32>
          %get3A_165 = arith.index_cast %add3A_133 : i32 to index
          %get3A_166 = arith.constant 48 : index
          %get3A_167 = tpu.vector_load %arg16[%get3A_165, %get3A_166] {strides = array<i32>} : memref<40x128xf32, #tpu.memory_space<vmem>>, vector<1x16xf32>,
          %get3A_168 = vector.shape_cast %get3A_167 : vector<1x16xf32> to vector<16xf32>
          %get3A_169 = arith.index_cast %add3A_133 : i32 to index
          %get3A_170 = arith.constant 64 : index
          %get3A_171 = tpu.vector_load %arg16[%get3A_169, %get3A_170] {strides = array<i32>} : memref<40x128xf32, #tpu.memory_space<vmem>>, vector<1x16xf32>,
          %get3A_172 = vector.shape_cast %get3A_171 : vector<1x16xf32> to vector<16xf32>
          %get3A_173 = arith.index_cast %add3A_133 : i32 to index
          %get3A_174 = arith.constant 80 : index
          %get3A_175 = tpu.vector_load %arg16[%get3A_173, %get3A_174] {strides = array<i32>} : memref<40x128xf32, #tpu.memory_space<vmem>>, vector<1x16xf32>,
          %get3A_176 = vector.shape_cast %get3A_175 : vector<1x16xf32> to vector<16xf32>
          %get3A_177 = arith.index_cast %add3A_133 : i32 to index
          %get3A_178 = arith.constant 96 : index
          %get3A_179 = tpu.vector_load %arg16[%get3A_177, %get3A_178] {strides = array<i32>} : memref<40x128xf32, #tpu.memory_space<vmem>>, vector<1x16xf32>,
          %get3A_180 = vector.shape_cast %get3A_179 : vector<1x16xf32> to vector<16xf32>
          %get3A_181 = arith.index_cast %add3A_133 : i32 to index
          %get3A_182 = arith.constant 112 : index
          %get3A_183 = tpu.vector_load %arg16[%get3A_181, %get3A_182] {strides = array<i32>} : memref<40x128xf32, #tpu.memory_space<vmem>>, vector<1x16xf32>,
          %get3A_184 = vector.shape_cast %get3A_183 : vector<1x16xf32> to vector<16xf32>
          %get3A_185 = arith.index_cast %add3A_133 : i32 to index
          %get3A_186 = arith.constant 0 : index
          %get3A_187 = tpu.vector_load %arg14[%get3A_185, %get3A_186] {strides = array<i32>} : memref<40x16xf32, #tpu.memory_space<vmem>>, vector<1x16xf32>,
          %get3A_188 = vector.shape_cast %get3A_187 : vector<1x16xf32> to vector<16xf32>
          %mul3A_189 = arith.mulf %get3A_136, %get3A_156 : vector<16xf32>
          %mul3A_190 = arith.mulf %get3A_140, %get3A_160 : vector<16xf32>
          %add3A_191 = arith.addf %mul3A_189, %mul3A_190 : vector<16xf32>
          %mul3A_192 = arith.mulf %get3A_144, %get3A_164 : vector<16xf32>
          %add3A_193 = arith.addf %add3A_191, %mul3A_192 : vector<16xf32>
          %mul3A_194 = arith.mulf %get3A_148, %get3A_168 : vector<16xf32>
          %add3A_195 = arith.addf %add3A_193, %mul3A_194 : vector<16xf32>
          %mul3A_196 = arith.mulf %get3A_188, %get3A_152 : vector<16xf32>
          %add3A_197 = arith.addf %add3A_195, %mul3A_196 : vector<16xf32>
          %gather3A = vector.shape_cast %broadcast_in_dim3A : vector<16x1xi32> to vector<16xi32>
          %gather3A_198 = tpu.dynamic_gather %add3A_197[%gather3A] in [0] : vector<16xf32>, vector<16xi32> -> vector<16xf32>
          %add3A_199 = arith.addf %add3A_197, %gather3A_198 : vector<16xf32>
          %gather3A_200 = vector.shape_cast %broadcast_in_dim3A_5 : vector<16x1xi32> to vector<16xi32>
          %gather3A_201 = tpu.dynamic_gather %add3A_199[%gather3A_200] in [0] : vector<16xf32>, vector<16xi32> -> vector<16xf32>
          %add3A_202 = arith.addf %add3A_199, %gather3A_201 : vector<16xf32>
          %add3A_203 = arith.constant 1 : i32
          %add3A_204 = arith.addi %mul3A_131, %add3A_203 : i32
          %get3A_205 = arith.index_cast %add3A_204 : i32 to index
          %get3A_206 = arith.constant 0 : index
          %get3A_207 = tpu.vector_load %arg18[%get3A_205, %get3A_206] {strides = array<i32>} : memref<40x80xf32, #tpu.memory_space<vmem>>, vector<1x16xf32>,
          %get3A_208 = vector.shape_cast %get3A_207 : vector<1x16xf32> to vector<16xf32>
          %get3A_209 = arith.index_cast %add3A_204 : i32 to index
          %get3A_210 = arith.constant 16 : index
          %get3A_211 = tpu.vector_load %arg18[%get3A_209, %get3A_210] {strides = array<i32>} : memref<40x80xf32, #tpu.memory_space<vmem>>, vector<1x16xf32>,
          %get3A_212 = vector.shape_cast %get3A_211 : vector<1x16xf32> to vector<16xf32>
          %get3A_213 = arith.index_cast %add3A_204 : i32 to index
          %get3A_214 = arith.constant 32 : index
          %get3A_215 = tpu.vector_load %arg18[%get3A_213, %get3A_214] {strides = array<i32>} : memref<40x80xf32, #tpu.memory_space<vmem>>, vector<1x16xf32>,
          %get3A_216 = vector.shape_cast %get3A_215 : vector<1x16xf32> to vector<16xf32>
          %get3A_217 = arith.index_cast %add3A_204 : i32 to index
          %get3A_218 = arith.constant 48 : index
          %get3A_219 = tpu.vector_load %arg18[%get3A_217, %get3A_218] {strides = array<i32>} : memref<40x80xf32, #tpu.memory_space<vmem>>, vector<1x16xf32>,
          %get3A_220 = vector.shape_cast %get3A_219 : vector<1x16xf32> to vector<16xf32>
          %get3A_221 = arith.index_cast %add3A_204 : i32 to index
          %get3A_222 = arith.constant 64 : index
          %get3A_223 = tpu.vector_load %arg18[%get3A_221, %get3A_222] {strides = array<i32>} : memref<40x80xf32, #tpu.memory_space<vmem>>, vector<1x16xf32>,
          %get3A_224 = vector.shape_cast %get3A_223 : vector<1x16xf32> to vector<16xf32>
          %get3A_225 = arith.index_cast %add3A_204 : i32 to index
          %get3A_226 = arith.constant 0 : index
          %get3A_227 = tpu.vector_load %arg16[%get3A_225, %get3A_226] {strides = array<i32>} : memref<40x128xf32, #tpu.memory_space<vmem>>, vector<1x16xf32>,
          %get3A_228 = vector.shape_cast %get3A_227 : vector<1x16xf32> to vector<16xf32>
          %get3A_229 = arith.index_cast %add3A_204 : i32 to index
          %get3A_230 = arith.constant 16 : index
          %get3A_231 = tpu.vector_load %arg16[%get3A_229, %get3A_230] {strides = array<i32>} : memref<40x128xf32, #tpu.memory_space<vmem>>, vector<1x16xf32>,
          %get3A_232 = vector.shape_cast %get3A_231 : vector<1x16xf32> to vector<16xf32>
          %get3A_233 = arith.index_cast %add3A_204 : i32 to index
          %get3A_234 = arith.constant 32 : index
          %get3A_235 = tpu.vector_load %arg16[%get3A_233, %get3A_234] {strides = array<i32>} : memref<40x128xf32, #tpu.memory_space<vmem>>, vector<1x16xf32>,
          %get3A_236 = vector.shape_cast %get3A_235 : vector<1x16xf32> to vector<16xf32>
          %get3A_237 = arith.index_cast %add3A_204 : i32 to index
          %get3A_238 = arith.constant 48 : index
          %get3A_239 = tpu.vector_load %arg16[%get3A_237, %get3A_238] {strides = array<i32>} : memref<40x128xf32, #tpu.memory_space<vmem>>, vector<1x16xf32>,
          %get3A_240 = vector.shape_cast %get3A_239 : vector<1x16xf32> to vector<16xf32>
          %get3A_241 = arith.index_cast %add3A_204 : i32 to index
          %get3A_242 = arith.constant 64 : index
          %get3A_243 = tpu.vector_load %arg16[%get3A_241, %get3A_242] {strides = array<i32>} : memref<40x128xf32, #tpu.memory_space<vmem>>, vector<1x16xf32>,
          %get3A_244 = vector.shape_cast %get3A_243 : vector<1x16xf32> to vector<16xf32>
          %get3A_245 = arith.index_cast %add3A_204 : i32 to index
          %get3A_246 = arith.constant 80 : index
          %get3A_247 = tpu.vector_load %arg16[%get3A_245, %get3A_246] {strides = array<i32>} : memref<40x128xf32, #tpu.memory_space<vmem>>, vector<1x16xf32>,
          %get3A_248 = vector.shape_cast %get3A_247 : vector<1x16xf32> to vector<16xf32>
          %get3A_249 = arith.index_cast %add3A_204 : i32 to index
          %get3A_250 = arith.constant 96 : index
          %get3A_251 = tpu.vector_load %arg16[%get3A_249, %get3A_250] {strides = array<i32>} : memref<40x128xf32, #tpu.memory_space<vmem>>, vector<1x16xf32>,
          %get3A_252 = vector.shape_cast %get3A_251 : vector<1x16xf32> to vector<16xf32>
          %get3A_253 = arith.index_cast %add3A_204 : i32 to index
          %get3A_254 = arith.constant 112 : index
          %get3A_255 = tpu.vector_load %arg16[%get3A_253, %get3A_254] {strides = array<i32>} : memref<40x128xf32, #tpu.memory_space<vmem>>, vector<1x16xf32>,
          %get3A_256 = vector.shape_cast %get3A_255 : vector<1x16xf32> to vector<16xf32>
          %get3A_257 = arith.index_cast %add3A_204 : i32 to index
          %get3A_258 = arith.constant 0 : index
          %get3A_259 = tpu.vector_load %arg14[%get3A_257, %get3A_258] {strides = array<i32>} : memref<40x16xf32, #tpu.memory_space<vmem>>, vector<1x16xf32>,
          %get3A_260 = vector.shape_cast %get3A_259 : vector<1x16xf32> to vector<16xf32>
          %mul3A_261 = arith.mulf %get3A_208, %get3A_228 : vector<16xf32>
          %mul3A_262 = arith.mulf %get3A_212, %get3A_232 : vector<16xf32>
          %add3A_263 = arith.addf %mul3A_261, %mul3A_262 : vector<16xf32>
          %mul3A_264 = arith.mulf %get3A_216, %get3A_236 : vector<16xf32>
          %add3A_265 = arith.addf %add3A_263, %mul3A_264 : vector<16xf32>
          %mul3A_266 = arith.mulf %get3A_220, %get3A_240 : vector<16xf32>
          %add3A_267 = arith.addf %add3A_265, %mul3A_266 : vector<16xf32>
          %mul3A_268 = arith.mulf %get3A_260, %get3A_224 : vector<16xf32>
          %add3A_269 = arith.addf %add3A_267, %mul3A_268 : vector<16xf32>
          %gather3A_270 = vector.shape_cast %broadcast_in_dim3A : vector<16x1xi32> to vector<16xi32>
          %gather3A_271 = tpu.dynamic_gather %add3A_269[%gather3A_270] in [0] : vector<16xf32>, vector<16xi32> -> vector<16xf32>
          %add3A_272 = arith.addf %add3A_269, %gather3A_271 : vector<16xf32>
          %gather3A_273 = vector.shape_cast %broadcast_in_dim3A_5 : vector<16x1xi32> to vector<16xi32>
          %gather3A_274 = tpu.dynamic_gather %add3A_272[%gather3A_273] in [0] : vector<16xf32>, vector<16xi32> -> vector<16xf32>
          %add3A_275 = arith.addf %add3A_272, %gather3A_274 : vector<16xf32>
          %add3A_276 = arith.constant 2 : i32
          %add3A_277 = arith.addi %mul3A_131, %add3A_276 : i32
          %get3A_278 = arith.index_cast %add3A_277 : i32 to index
          %get3A_279 = arith.constant 0 : index
          %get3A_280 = tpu.vector_load %arg18[%get3A_278, %get3A_279] {strides = array<i32>} : memref<40x80xf32, #tpu.memory_space<vmem>>, vector<1x16xf32>,
          %get3A_281 = vector.shape_cast %get3A_280 : vector<1x16xf32> to vector<16xf32>
          %get3A_282 = arith.index_cast %add3A_277 : i32 to index
          %get3A_283 = arith.constant 16 : index
          %get3A_284 = tpu.vector_load %arg18[%get3A_282, %get3A_283] {strides = array<i32>} : memref<40x80xf32, #tpu.memory_space<vmem>>, vector<1x16xf32>,
          %get3A_285 = vector.shape_cast %get3A_284 : vector<1x16xf32> to vector<16xf32>
          %get3A_286 = arith.index_cast %add3A_277 : i32 to index
          %get3A_287 = arith.constant 32 : index
          %get3A_288 = tpu.vector_load %arg18[%get3A_286, %get3A_287] {strides = array<i32>} : memref<40x80xf32, #tpu.memory_space<vmem>>, vector<1x16xf32>,
          %get3A_289 = vector.shape_cast %get3A_288 : vector<1x16xf32> to vector<16xf32>
          %get3A_290 = arith.index_cast %add3A_277 : i32 to index
          %get3A_291 = arith.constant 48 : index
          %get3A_292 = tpu.vector_load %arg18[%get3A_290, %get3A_291] {strides = array<i32>} : memref<40x80xf32, #tpu.memory_space<vmem>>, vector<1x16xf32>,
          %get3A_293 = vector.shape_cast %get3A_292 : vector<1x16xf32> to vector<16xf32>
          %get3A_294 = arith.index_cast %add3A_277 : i32 to index
          %get3A_295 = arith.constant 64 : index
          %get3A_296 = tpu.vector_load %arg18[%get3A_294, %get3A_295] {strides = array<i32>} : memref<40x80xf32, #tpu.memory_space<vmem>>, vector<1x16xf32>,
          %get3A_297 = vector.shape_cast %get3A_296 : vector<1x16xf32> to vector<16xf32>
          %get3A_298 = arith.index_cast %add3A_277 : i32 to index
          %get3A_299 = arith.constant 0 : index
          %get3A_300 = tpu.vector_load %arg16[%get3A_298, %get3A_299] {strides = array<i32>} : memref<40x128xf32, #tpu.memory_space<vmem>>, vector<1x16xf32>,
          %get3A_301 = vector.shape_cast %get3A_300 : vector<1x16xf32> to vector<16xf32>
          %get3A_302 = arith.index_cast %add3A_277 : i32 to index
          %get3A_303 = arith.constant 16 : index
          %get3A_304 = tpu.vector_load %arg16[%get3A_302, %get3A_303] {strides = array<i32>} : memref<40x128xf32, #tpu.memory_space<vmem>>, vector<1x16xf32>,
          %get3A_305 = vector.shape_cast %get3A_304 : vector<1x16xf32> to vector<16xf32>
          %get3A_306 = arith.index_cast %add3A_277 : i32 to index
          %get3A_307 = arith.constant 32 : index
          %get3A_308 = tpu.vector_load %arg16[%get3A_306, %get3A_307] {strides = array<i32>} : memref<40x128xf32, #tpu.memory_space<vmem>>, vector<1x16xf32>,
          %get3A_309 = vector.shape_cast %get3A_308 : vector<1x16xf32> to vector<16xf32>
          %get3A_310 = arith.index_cast %add3A_277 : i32 to index
          %get3A_311 = arith.constant 48 : index
          %get3A_312 = tpu.vector_load %arg16[%get3A_310, %get3A_311] {strides = array<i32>} : memref<40x128xf32, #tpu.memory_space<vmem>>, vector<1x16xf32>,
          %get3A_313 = vector.shape_cast %get3A_312 : vector<1x16xf32> to vector<16xf32>
          %get3A_314 = arith.index_cast %add3A_277 : i32 to index
          %get3A_315 = arith.constant 64 : index
          %get3A_316 = tpu.vector_load %arg16[%get3A_314, %get3A_315] {strides = array<i32>} : memref<40x128xf32, #tpu.memory_space<vmem>>, vector<1x16xf32>,
          %get3A_317 = vector.shape_cast %get3A_316 : vector<1x16xf32> to vector<16xf32>
          %get3A_318 = arith.index_cast %add3A_277 : i32 to index
          %get3A_319 = arith.constant 80 : index
          %get3A_320 = tpu.vector_load %arg16[%get3A_318, %get3A_319] {strides = array<i32>} : memref<40x128xf32, #tpu.memory_space<vmem>>, vector<1x16xf32>,
          %get3A_321 = vector.shape_cast %get3A_320 : vector<1x16xf32> to vector<16xf32>
          %get3A_322 = arith.index_cast %add3A_277 : i32 to index
          %get3A_323 = arith.constant 96 : index
          %get3A_324 = tpu.vector_load %arg16[%get3A_322, %get3A_323] {strides = array<i32>} : memref<40x128xf32, #tpu.memory_space<vmem>>, vector<1x16xf32>,
          %get3A_325 = vector.shape_cast %get3A_324 : vector<1x16xf32> to vector<16xf32>
          %get3A_326 = arith.index_cast %add3A_277 : i32 to index
          %get3A_327 = arith.constant 112 : index
          %get3A_328 = tpu.vector_load %arg16[%get3A_326, %get3A_327] {strides = array<i32>} : memref<40x128xf32, #tpu.memory_space<vmem>>, vector<1x16xf32>,
          %get3A_329 = vector.shape_cast %get3A_328 : vector<1x16xf32> to vector<16xf32>
          %get3A_330 = arith.index_cast %add3A_277 : i32 to index
          %get3A_331 = arith.constant 0 : index
          %get3A_332 = tpu.vector_load %arg14[%get3A_330, %get3A_331] {strides = array<i32>} : memref<40x16xf32, #tpu.memory_space<vmem>>, vector<1x16xf32>,
          %get3A_333 = vector.shape_cast %get3A_332 : vector<1x16xf32> to vector<16xf32>
          %mul3A_334 = arith.mulf %get3A_281, %get3A_301 : vector<16xf32>
          %mul3A_335 = arith.mulf %get3A_285, %get3A_305 : vector<16xf32>
          %add3A_336 = arith.addf %mul3A_334, %mul3A_335 : vector<16xf32>
          %mul3A_337 = arith.mulf %get3A_289, %get3A_309 : vector<16xf32>
          %add3A_338 = arith.addf %add3A_336, %mul3A_337 : vector<16xf32>
          %mul3A_339 = arith.mulf %get3A_293, %get3A_313 : vector<16xf32>
          %add3A_340 = arith.addf %add3A_338, %mul3A_339 : vector<16xf32>
          %mul3A_341 = arith.mulf %get3A_333, %get3A_297 : vector<16xf32>
          %add3A_342 = arith.addf %add3A_340, %mul3A_341 : vector<16xf32>
          %gather3A_343 = vector.shape_cast %broadcast_in_dim3A : vector<16x1xi32> to vector<16xi32>
          %gather3A_344 = tpu.dynamic_gather %add3A_342[%gather3A_343] in [0] : vector<16xf32>, vector<16xi32> -> vector<16xf32>
          %add3A_345 = arith.addf %add3A_342, %gather3A_344 : vector<16xf32>
          %gather3A_346 = vector.shape_cast %broadcast_in_dim3A_5 : vector<16x1xi32> to vector<16xi32>
          %gather3A_347 = tpu.dynamic_gather %add3A_345[%gather3A_346] in [0] : vector<16xf32>, vector<16xi32> -> vector<16xf32>
          %add3A_348 = arith.addf %add3A_345, %gather3A_347 : vector<16xf32>
          %add3A_349 = arith.constant 3 : i32
          %add3A_350 = arith.addi %mul3A_131, %add3A_349 : i32
          %get3A_351 = arith.index_cast %add3A_350 : i32 to index
          %get3A_352 = arith.constant 0 : index
          %get3A_353 = tpu.vector_load %arg18[%get3A_351, %get3A_352] {strides = array<i32>} : memref<40x80xf32, #tpu.memory_space<vmem>>, vector<1x16xf32>,
          %get3A_354 = vector.shape_cast %get3A_353 : vector<1x16xf32> to vector<16xf32>
          %get3A_355 = arith.index_cast %add3A_350 : i32 to index
          %get3A_356 = arith.constant 16 : index
          %get3A_357 = tpu.vector_load %arg18[%get3A_355, %get3A_356] {strides = array<i32>} : memref<40x80xf32, #tpu.memory_space<vmem>>, vector<1x16xf32>,
          %get3A_358 = vector.shape_cast %get3A_357 : vector<1x16xf32> to vector<16xf32>
          %get3A_359 = arith.index_cast %add3A_350 : i32 to index
          %get3A_360 = arith.constant 32 : index
          %get3A_361 = tpu.vector_load %arg18[%get3A_359, %get3A_360] {strides = array<i32>} : memref<40x80xf32, #tpu.memory_space<vmem>>, vector<1x16xf32>,
          %get3A_362 = vector.shape_cast %get3A_361 : vector<1x16xf32> to vector<16xf32>
          %get3A_363 = arith.index_cast %add3A_350 : i32 to index
          %get3A_364 = arith.constant 48 : index
          %get3A_365 = tpu.vector_load %arg18[%get3A_363, %get3A_364] {strides = array<i32>} : memref<40x80xf32, #tpu.memory_space<vmem>>, vector<1x16xf32>,
          %get3A_366 = vector.shape_cast %get3A_365 : vector<1x16xf32> to vector<16xf32>
          %get3A_367 = arith.index_cast %add3A_350 : i32 to index
          %get3A_368 = arith.constant 64 : index
          %get3A_369 = tpu.vector_load %arg18[%get3A_367, %get3A_368] {strides = array<i32>} : memref<40x80xf32, #tpu.memory_space<vmem>>, vector<1x16xf32>,
          %get3A_370 = vector.shape_cast %get3A_369 : vector<1x16xf32> to vector<16xf32>
          %get3A_371 = arith.index_cast %add3A_350 : i32 to index
          %get3A_372 = arith.constant 0 : index
          %get3A_373 = tpu.vector_load %arg16[%get3A_371, %get3A_372] {strides = array<i32>} : memref<40x128xf32, #tpu.memory_space<vmem>>, vector<1x16xf32>,
          %get3A_374 = vector.shape_cast %get3A_373 : vector<1x16xf32> to vector<16xf32>
          %get3A_375 = arith.index_cast %add3A_350 : i32 to index
          %get3A_376 = arith.constant 16 : index
          %get3A_377 = tpu.vector_load %arg16[%get3A_375, %get3A_376] {strides = array<i32>} : memref<40x128xf32, #tpu.memory_space<vmem>>, vector<1x16xf32>,
          %get3A_378 = vector.shape_cast %get3A_377 : vector<1x16xf32> to vector<16xf32>
          %get3A_379 = arith.index_cast %add3A_350 : i32 to index
          %get3A_380 = arith.constant 32 : index
          %get3A_381 = tpu.vector_load %arg16[%get3A_379, %get3A_380] {strides = array<i32>} : memref<40x128xf32, #tpu.memory_space<vmem>>, vector<1x16xf32>,
          %get3A_382 = vector.shape_cast %get3A_381 : vector<1x16xf32> to vector<16xf32>
          %get3A_383 = arith.index_cast %add3A_350 : i32 to index
          %get3A_384 = arith.constant 48 : index
          %get3A_385 = tpu.vector_load %arg16[%get3A_383, %get3A_384] {strides = array<i32>} : memref<40x128xf32, #tpu.memory_space<vmem>>, vector<1x16xf32>,
          %get3A_386 = vector.shape_cast %get3A_385 : vector<1x16xf32> to vector<16xf32>
          %get3A_387 = arith.index_cast %add3A_350 : i32 to index
          %get3A_388 = arith.constant 64 : index
          %get3A_389 = tpu.vector_load %arg16[%get3A_387, %get3A_388] {strides = array<i32>} : memref<40x128xf32, #tpu.memory_space<vmem>>, vector<1x16xf32>,
          %get3A_390 = vector.shape_cast %get3A_389 : vector<1x16xf32> to vector<16xf32>
          %get3A_391 = arith.index_cast %add3A_350 : i32 to index
          %get3A_392 = arith.constant 80 : index
          %get3A_393 = tpu.vector_load %arg16[%get3A_391, %get3A_392] {strides = array<i32>} : memref<40x128xf32, #tpu.memory_space<vmem>>, vector<1x16xf32>,
          %get3A_394 = vector.shape_cast %get3A_393 : vector<1x16xf32> to vector<16xf32>
          %get3A_395 = arith.index_cast %add3A_350 : i32 to index
          %get3A_396 = arith.constant 96 : index
          %get3A_397 = tpu.vector_load %arg16[%get3A_395, %get3A_396] {strides = array<i32>} : memref<40x128xf32, #tpu.memory_space<vmem>>, vector<1x16xf32>,
          %get3A_398 = vector.shape_cast %get3A_397 : vector<1x16xf32> to vector<16xf32>
          %get3A_399 = arith.index_cast %add3A_350 : i32 to index
          %get3A_400 = arith.constant 112 : index
          %get3A_401 = tpu.vector_load %arg16[%get3A_399, %get3A_400] {strides = array<i32>} : memref<40x128xf32, #tpu.memory_space<vmem>>, vector<1x16xf32>,
          %get3A_402 = vector.shape_cast %get3A_401 : vector<1x16xf32> to vector<16xf32>
          %get3A_403 = arith.index_cast %add3A_350 : i32 to index
          %get3A_404 = arith.constant 0 : index
          %get3A_405 = tpu.vector_load %arg14[%get3A_403, %get3A_404] {strides = array<i32>} : memref<40x16xf32, #tpu.memory_space<vmem>>, vector<1x16xf32>,
          %get3A_406 = vector.shape_cast %get3A_405 : vector<1x16xf32> to vector<16xf32>
          %mul3A_407 = arith.mulf %get3A_354, %get3A_374 : vector<16xf32>
          %mul3A_408 = arith.mulf %get3A_358, %get3A_378 : vector<16xf32>
          %add3A_409 = arith.addf %mul3A_407, %mul3A_408 : vector<16xf32>
          %mul3A_410 = arith.mulf %get3A_362, %get3A_382 : vector<16xf32>
          %add3A_411 = arith.addf %add3A_409, %mul3A_410 : vector<16xf32>
          %mul3A_412 = arith.mulf %get3A_366, %get3A_386 : vector<16xf32>
          %add3A_413 = arith.addf %add3A_411, %mul3A_412 : vector<16xf32>
          %mul3A_414 = arith.mulf %get3A_406, %get3A_370 : vector<16xf32>
          %add3A_415 = arith.addf %add3A_413, %mul3A_414 : vector<16xf32>
          %gather3A_416 = vector.shape_cast %broadcast_in_dim3A : vector<16x1xi32> to vector<16xi32>
          %gather3A_417 = tpu.dynamic_gather %add3A_415[%gather3A_416] in [0] : vector<16xf32>, vector<16xi32> -> vector<16xf32>
          %add3A_418 = arith.addf %add3A_415, %gather3A_417 : vector<16xf32>
          %gather3A_419 = vector.shape_cast %broadcast_in_dim3A_5 : vector<16x1xi32> to vector<16xi32>
          %gather3A_420 = tpu.dynamic_gather %add3A_418[%gather3A_419] in [0] : vector<16xf32>, vector<16xi32> -> vector<16xf32>
          %add3A_421 = arith.addf %add3A_418, %gather3A_420 : vector<16xf32>
          %add3A_422 = arith.constant 4 : i32
          %add3A_423 = arith.addi %mul3A_131, %add3A_422 : i32
          %get3A_424 = arith.index_cast %add3A_423 : i32 to index
          %get3A_425 = arith.constant 0 : index
          %get3A_426 = tpu.vector_load %arg18[%get3A_424, %get3A_425] {strides = array<i32>} : memref<40x80xf32, #tpu.memory_space<vmem>>, vector<1x16xf32>,
          %get3A_427 = vector.shape_cast %get3A_426 : vector<1x16xf32> to vector<16xf32>
          %get3A_428 = arith.index_cast %add3A_423 : i32 to index
          %get3A_429 = arith.constant 16 : index
          %get3A_430 = tpu.vector_load %arg18[%get3A_428, %get3A_429] {strides = array<i32>} : memref<40x80xf32, #tpu.memory_space<vmem>>, vector<1x16xf32>,
          %get3A_431 = vector.shape_cast %get3A_430 : vector<1x16xf32> to vector<16xf32>
          %get3A_432 = arith.index_cast %add3A_423 : i32 to index
          %get3A_433 = arith.constant 32 : index
          %get3A_434 = tpu.vector_load %arg18[%get3A_432, %get3A_433] {strides = array<i32>} : memref<40x80xf32, #tpu.memory_space<vmem>>, vector<1x16xf32>,
          %get3A_435 = vector.shape_cast %get3A_434 : vector<1x16xf32> to vector<16xf32>
          %get3A_436 = arith.index_cast %add3A_423 : i32 to index
          %get3A_437 = arith.constant 48 : index
          %get3A_438 = tpu.vector_load %arg18[%get3A_436, %get3A_437] {strides = array<i32>} : memref<40x80xf32, #tpu.memory_space<vmem>>, vector<1x16xf32>,
          %get3A_439 = vector.shape_cast %get3A_438 : vector<1x16xf32> to vector<16xf32>
          %get3A_440 = arith.index_cast %add3A_423 : i32 to index
          %get3A_441 = arith.constant 64 : index
          %get3A_442 = tpu.vector_load %arg18[%get3A_440, %get3A_441] {strides = array<i32>} : memref<40x80xf32, #tpu.memory_space<vmem>>, vector<1x16xf32>,
          %get3A_443 = vector.shape_cast %get3A_442 : vector<1x16xf32> to vector<16xf32>
          %get3A_444 = arith.index_cast %add3A_423 : i32 to index
          %get3A_445 = arith.constant 0 : index
          %get3A_446 = tpu.vector_load %arg16[%get3A_444, %get3A_445] {strides = array<i32>} : memref<40x128xf32, #tpu.memory_space<vmem>>, vector<1x16xf32>,
          %get3A_447 = vector.shape_cast %get3A_446 : vector<1x16xf32> to vector<16xf32>
          %get3A_448 = arith.index_cast %add3A_423 : i32 to index
          %get3A_449 = arith.constant 16 : index
          %get3A_450 = tpu.vector_load %arg16[%get3A_448, %get3A_449] {strides = array<i32>} : memref<40x128xf32, #tpu.memory_space<vmem>>, vector<1x16xf32>,
          %get3A_451 = vector.shape_cast %get3A_450 : vector<1x16xf32> to vector<16xf32>
          %get3A_452 = arith.index_cast %add3A_423 : i32 to index
          %get3A_453 = arith.constant 32 : index
          %get3A_454 = tpu.vector_load %arg16[%get3A_452, %get3A_453] {strides = array<i32>} : memref<40x128xf32, #tpu.memory_space<vmem>>, vector<1x16xf32>,
          %get3A_455 = vector.shape_cast %get3A_454 : vector<1x16xf32> to vector<16xf32>
          %get3A_456 = arith.index_cast %add3A_423 : i32 to index
          %get3A_457 = arith.constant 48 : index
          %get3A_458 = tpu.vector_load %arg16[%get3A_456, %get3A_457] {strides = array<i32>} : memref<40x128xf32, #tpu.memory_space<vmem>>, vector<1x16xf32>,
          %get3A_459 = vector.shape_cast %get3A_458 : vector<1x16xf32> to vector<16xf32>
          %get3A_460 = arith.index_cast %add3A_423 : i32 to index
          %get3A_461 = arith.constant 64 : index
          %get3A_462 = tpu.vector_load %arg16[%get3A_460, %get3A_461] {strides = array<i32>} : memref<40x128xf32, #tpu.memory_space<vmem>>, vector<1x16xf32>,
          %get3A_463 = vector.shape_cast %get3A_462 : vector<1x16xf32> to vector<16xf32>
          %get3A_464 = arith.index_cast %add3A_423 : i32 to index
          %get3A_465 = arith.constant 80 : index
          %get3A_466 = tpu.vector_load %arg16[%get3A_464, %get3A_465] {strides = array<i32>} : memref<40x128xf32, #tpu.memory_space<vmem>>, vector<1x16xf32>,
          %get3A_467 = vector.shape_cast %get3A_466 : vector<1x16xf32> to vector<16xf32>
          %get3A_468 = arith.index_cast %add3A_423 : i32 to index
          %get3A_469 = arith.constant 96 : index
          %get3A_470 = tpu.vector_load %arg16[%get3A_468, %get3A_469] {strides = array<i32>} : memref<40x128xf32, #tpu.memory_space<vmem>>, vector<1x16xf32>,
          %get3A_471 = vector.shape_cast %get3A_470 : vector<1x16xf32> to vector<16xf32>
          %get3A_472 = arith.index_cast %add3A_423 : i32 to index
          %get3A_473 = arith.constant 112 : index
          %get3A_474 = tpu.vector_load %arg16[%get3A_472, %get3A_473] {strides = array<i32>} : memref<40x128xf32, #tpu.memory_space<vmem>>, vector<1x16xf32>,
          %get3A_475 = vector.shape_cast %get3A_474 : vector<1x16xf32> to vector<16xf32>
          %get3A_476 = arith.index_cast %add3A_423 : i32 to index
          %get3A_477 = arith.constant 0 : index
          %get3A_478 = tpu.vector_load %arg14[%get3A_476, %get3A_477] {strides = array<i32>} : memref<40x16xf32, #tpu.memory_space<vmem>>, vector<1x16xf32>,
          %get3A_479 = vector.shape_cast %get3A_478 : vector<1x16xf32> to vector<16xf32>
          %mul3A_480 = arith.mulf %get3A_427, %get3A_447 : vector<16xf32>
          %mul3A_481 = arith.mulf %get3A_431, %get3A_451 : vector<16xf32>
          %add3A_482 = arith.addf %mul3A_480, %mul3A_481 : vector<16xf32>
          %mul3A_483 = arith.mulf %get3A_435, %get3A_455 : vector<16xf32>
          %add3A_484 = arith.addf %add3A_482, %mul3A_483 : vector<16xf32>
          %mul3A_485 = arith.mulf %get3A_439, %get3A_459 : vector<16xf32>
          %add3A_486 = arith.addf %add3A_484, %mul3A_485 : vector<16xf32>
          %mul3A_487 = arith.mulf %get3A_479, %get3A_443 : vector<16xf32>
          %add3A_488 = arith.addf %add3A_486, %mul3A_487 : vector<16xf32>
          %gather3A_489 = vector.shape_cast %broadcast_in_dim3A : vector<16x1xi32> to vector<16xi32>
          %gather3A_490 = tpu.dynamic_gather %add3A_488[%gather3A_489] in [0] : vector<16xf32>, vector<16xi32> -> vector<16xf32>
          %add3A_491 = arith.addf %add3A_488, %gather3A_490 : vector<16xf32>
          %gather3A_492 = vector.shape_cast %broadcast_in_dim3A_5 : vector<16x1xi32> to vector<16xi32>
          %gather3A_493 = tpu.dynamic_gather %add3A_491[%gather3A_492] in [0] : vector<16xf32>, vector<16xi32> -> vector<16xf32>
          %add3A_494 = arith.addf %add3A_491, %gather3A_493 : vector<16xf32>
          %add3A_495 = arith.constant 5 : i32
          %add3A_496 = arith.addi %mul3A_131, %add3A_495 : i32
          %get3A_497 = arith.index_cast %add3A_496 : i32 to index
          %get3A_498 = arith.constant 0 : index
          %get3A_499 = tpu.vector_load %arg18[%get3A_497, %get3A_498] {strides = array<i32>} : memref<40x80xf32, #tpu.memory_space<vmem>>, vector<1x16xf32>,
          %get3A_500 = vector.shape_cast %get3A_499 : vector<1x16xf32> to vector<16xf32>
          %get3A_501 = arith.index_cast %add3A_496 : i32 to index
          %get3A_502 = arith.constant 16 : index
          %get3A_503 = tpu.vector_load %arg18[%get3A_501, %get3A_502] {strides = array<i32>} : memref<40x80xf32, #tpu.memory_space<vmem>>, vector<1x16xf32>,
          %get3A_504 = vector.shape_cast %get3A_503 : vector<1x16xf32> to vector<16xf32>
          %get3A_505 = arith.index_cast %add3A_496 : i32 to index
          %get3A_506 = arith.constant 32 : index
          %get3A_507 = tpu.vector_load %arg18[%get3A_505, %get3A_506] {strides = array<i32>} : memref<40x80xf32, #tpu.memory_space<vmem>>, vector<1x16xf32>,
          %get3A_508 = vector.shape_cast %get3A_507 : vector<1x16xf32> to vector<16xf32>
          %get3A_509 = arith.index_cast %add3A_496 : i32 to index
          %get3A_510 = arith.constant 48 : index
          %get3A_511 = tpu.vector_load %arg18[%get3A_509, %get3A_510] {strides = array<i32>} : memref<40x80xf32, #tpu.memory_space<vmem>>, vector<1x16xf32>,
          %get3A_512 = vector.shape_cast %get3A_511 : vector<1x16xf32> to vector<16xf32>
          %get3A_513 = arith.index_cast %add3A_496 : i32 to index
          %get3A_514 = arith.constant 64 : index
          %get3A_515 = tpu.vector_load %arg18[%get3A_513, %get3A_514] {strides = array<i32>} : memref<40x80xf32, #tpu.memory_space<vmem>>, vector<1x16xf32>,
          %get3A_516 = vector.shape_cast %get3A_515 : vector<1x16xf32> to vector<16xf32>
          %get3A_517 = arith.index_cast %add3A_496 : i32 to index
          %get3A_518 = arith.constant 0 : index
          %get3A_519 = tpu.vector_load %arg16[%get3A_517, %get3A_518] {strides = array<i32>} : memref<40x128xf32, #tpu.memory_space<vmem>>, vector<1x16xf32>,
          %get3A_520 = vector.shape_cast %get3A_519 : vector<1x16xf32> to vector<16xf32>
          %get3A_521 = arith.index_cast %add3A_496 : i32 to index
          %get3A_522 = arith.constant 16 : index
          %get3A_523 = tpu.vector_load %arg16[%get3A_521, %get3A_522] {strides = array<i32>} : memref<40x128xf32, #tpu.memory_space<vmem>>, vector<1x16xf32>,
          %get3A_524 = vector.shape_cast %get3A_523 : vector<1x16xf32> to vector<16xf32>
          %get3A_525 = arith.index_cast %add3A_496 : i32 to index
          %get3A_526 = arith.constant 32 : index
          %get3A_527 = tpu.vector_load %arg16[%get3A_525, %get3A_526] {strides = array<i32>} : memref<40x128xf32, #tpu.memory_space<vmem>>, vector<1x16xf32>,
          %get3A_528 = vector.shape_cast %get3A_527 : vector<1x16xf32> to vector<16xf32>
          %get3A_529 = arith.index_cast %add3A_496 : i32 to index
          %get3A_530 = arith.constant 48 : index
          %get3A_531 = tpu.vector_load %arg16[%get3A_529, %get3A_530] {strides = array<i32>} : memref<40x128xf32, #tpu.memory_space<vmem>>, vector<1x16xf32>,
          %get3A_532 = vector.shape_cast %get3A_531 : vector<1x16xf32> to vector<16xf32>
          %get3A_533 = arith.index_cast %add3A_496 : i32 to index
          %get3A_534 = arith.constant 64 : index
          %get3A_535 = tpu.vector_load %arg16[%get3A_533, %get3A_534] {strides = array<i32>} : memref<40x128xf32, #tpu.memory_space<vmem>>, vector<1x16xf32>,
          %get3A_536 = vector.shape_cast %get3A_535 : vector<1x16xf32> to vector<16xf32>
          %get3A_537 = arith.index_cast %add3A_496 : i32 to index
          %get3A_538 = arith.constant 80 : index
          %get3A_539 = tpu.vector_load %arg16[%get3A_537, %get3A_538] {strides = array<i32>} : memref<40x128xf32, #tpu.memory_space<vmem>>, vector<1x16xf32>,
          %get3A_540 = vector.shape_cast %get3A_539 : vector<1x16xf32> to vector<16xf32>
          %get3A_541 = arith.index_cast %add3A_496 : i32 to index
          %get3A_542 = arith.constant 96 : index
          %get3A_543 = tpu.vector_load %arg16[%get3A_541, %get3A_542] {strides = array<i32>} : memref<40x128xf32, #tpu.memory_space<vmem>>, vector<1x16xf32>,
          %get3A_544 = vector.shape_cast %get3A_543 : vector<1x16xf32> to vector<16xf32>
          %get3A_545 = arith.index_cast %add3A_496 : i32 to index
          %get3A_546 = arith.constant 112 : index
          %get3A_547 = tpu.vector_load %arg16[%get3A_545, %get3A_546] {strides = array<i32>} : memref<40x128xf32, #tpu.memory_space<vmem>>, vector<1x16xf32>,
          %get3A_548 = vector.shape_cast %get3A_547 : vector<1x16xf32> to vector<16xf32>
          %get3A_549 = arith.index_cast %add3A_496 : i32 to index
          %get3A_550 = arith.constant 0 : index
          %get3A_551 = tpu.vector_load %arg14[%get3A_549, %get3A_550] {strides = array<i32>} : memref<40x16xf32, #tpu.memory_space<vmem>>, vector<1x16xf32>,
          %get3A_552 = vector.shape_cast %get3A_551 : vector<1x16xf32> to vector<16xf32>
          %mul3A_553 = arith.mulf %get3A_500, %get3A_520 : vector<16xf32>
          %mul3A_554 = arith.mulf %get3A_504, %get3A_524 : vector<16xf32>
          %add3A_555 = arith.addf %mul3A_553, %mul3A_554 : vector<16xf32>
          %mul3A_556 = arith.mulf %get3A_508, %get3A_528 : vector<16xf32>
          %add3A_557 = arith.addf %add3A_555, %mul3A_556 : vector<16xf32>
          %mul3A_558 = arith.mulf %get3A_512, %get3A_532 : vector<16xf32>
          %add3A_559 = arith.addf %add3A_557, %mul3A_558 : vector<16xf32>
          %mul3A_560 = arith.mulf %get3A_552, %get3A_516 : vector<16xf32>
          %add3A_561 = arith.addf %add3A_559, %mul3A_560 : vector<16xf32>
          %gather3A_562 = vector.shape_cast %broadcast_in_dim3A : vector<16x1xi32> to vector<16xi32>
          %gather3A_563 = tpu.dynamic_gather %add3A_561[%gather3A_562] in [0] : vector<16xf32>, vector<16xi32> -> vector<16xf32>
          %add3A_564 = arith.addf %add3A_561, %gather3A_563 : vector<16xf32>
          %gather3A_565 = vector.shape_cast %broadcast_in_dim3A_5 : vector<16x1xi32> to vector<16xi32>
          %gather3A_566 = tpu.dynamic_gather %add3A_564[%gather3A_565] in [0] : vector<16xf32>, vector<16xi32> -> vector<16xf32>
          %add3A_567 = arith.addf %add3A_564, %gather3A_566 : vector<16xf32>
          %add3A_568 = arith.constant 6 : i32
          %add3A_569 = arith.addi %mul3A_131, %add3A_568 : i32
          %get3A_570 = arith.index_cast %add3A_569 : i32 to index
          %get3A_571 = arith.constant 0 : index
          %get3A_572 = tpu.vector_load %arg18[%get3A_570, %get3A_571] {strides = array<i32>} : memref<40x80xf32, #tpu.memory_space<vmem>>, vector<1x16xf32>,
          %get3A_573 = vector.shape_cast %get3A_572 : vector<1x16xf32> to vector<16xf32>
          %get3A_574 = arith.index_cast %add3A_569 : i32 to index
          %get3A_575 = arith.constant 16 : index
          %get3A_576 = tpu.vector_load %arg18[%get3A_574, %get3A_575] {strides = array<i32>} : memref<40x80xf32, #tpu.memory_space<vmem>>, vector<1x16xf32>,
          %get3A_577 = vector.shape_cast %get3A_576 : vector<1x16xf32> to vector<16xf32>
          %get3A_578 = arith.index_cast %add3A_569 : i32 to index
          %get3A_579 = arith.constant 32 : index
          %get3A_580 = tpu.vector_load %arg18[%get3A_578, %get3A_579] {strides = array<i32>} : memref<40x80xf32, #tpu.memory_space<vmem>>, vector<1x16xf32>,
          %get3A_581 = vector.shape_cast %get3A_580 : vector<1x16xf32> to vector<16xf32>
          %get3A_582 = arith.index_cast %add3A_569 : i32 to index
          %get3A_583 = arith.constant 48 : index
          %get3A_584 = tpu.vector_load %arg18[%get3A_582, %get3A_583] {strides = array<i32>} : memref<40x80xf32, #tpu.memory_space<vmem>>, vector<1x16xf32>,
          %get3A_585 = vector.shape_cast %get3A_584 : vector<1x16xf32> to vector<16xf32>
          %get3A_586 = arith.index_cast %add3A_569 : i32 to index
          %get3A_587 = arith.constant 64 : index
          %get3A_588 = tpu.vector_load %arg18[%get3A_586, %get3A_587] {strides = array<i32>} : memref<40x80xf32, #tpu.memory_space<vmem>>, vector<1x16xf32>,
          %get3A_589 = vector.shape_cast %get3A_588 : vector<1x16xf32> to vector<16xf32>
          %get3A_590 = arith.index_cast %add3A_569 : i32 to index
          %get3A_591 = arith.constant 0 : index
          %get3A_592 = tpu.vector_load %arg16[%get3A_590, %get3A_591] {strides = array<i32>} : memref<40x128xf32, #tpu.memory_space<vmem>>, vector<1x16xf32>,
          %get3A_593 = vector.shape_cast %get3A_592 : vector<1x16xf32> to vector<16xf32>
          %get3A_594 = arith.index_cast %add3A_569 : i32 to index
          %get3A_595 = arith.constant 16 : index
          %get3A_596 = tpu.vector_load %arg16[%get3A_594, %get3A_595] {strides = array<i32>} : memref<40x128xf32, #tpu.memory_space<vmem>>, vector<1x16xf32>,
          %get3A_597 = vector.shape_cast %get3A_596 : vector<1x16xf32> to vector<16xf32>
          %get3A_598 = arith.index_cast %add3A_569 : i32 to index
          %get3A_599 = arith.constant 32 : index
          %get3A_600 = tpu.vector_load %arg16[%get3A_598, %get3A_599] {strides = array<i32>} : memref<40x128xf32, #tpu.memory_space<vmem>>, vector<1x16xf32>,
          %get3A_601 = vector.shape_cast %get3A_600 : vector<1x16xf32> to vector<16xf32>
          %get3A_602 = arith.index_cast %add3A_569 : i32 to index
          %get3A_603 = arith.constant 48 : index
          %get3A_604 = tpu.vector_load %arg16[%get3A_602, %get3A_603] {strides = array<i32>} : memref<40x128xf32, #tpu.memory_space<vmem>>, vector<1x16xf32>,
          %get3A_605 = vector.shape_cast %get3A_604 : vector<1x16xf32> to vector<16xf32>
          %get3A_606 = arith.index_cast %add3A_569 : i32 to index
          %get3A_607 = arith.constant 64 : index
          %get3A_608 = tpu.vector_load %arg16[%get3A_606, %get3A_607] {strides = array<i32>} : memref<40x128xf32, #tpu.memory_space<vmem>>, vector<1x16xf32>,
          %get3A_609 = vector.shape_cast %get3A_608 : vector<1x16xf32> to vector<16xf32>
          %get3A_610 = arith.index_cast %add3A_569 : i32 to index
          %get3A_611 = arith.constant 80 : index
          %get3A_612 = tpu.vector_load %arg16[%get3A_610, %get3A_611] {strides = array<i32>} : memref<40x128xf32, #tpu.memory_space<vmem>>, vector<1x16xf32>,
          %get3A_613 = vector.shape_cast %get3A_612 : vector<1x16xf32> to vector<16xf32>
          %get3A_614 = arith.index_cast %add3A_569 : i32 to index
          %get3A_615 = arith.constant 96 : index
          %get3A_616 = tpu.vector_load %arg16[%get3A_614, %get3A_615] {strides = array<i32>} : memref<40x128xf32, #tpu.memory_space<vmem>>, vector<1x16xf32>,
          %get3A_617 = vector.shape_cast %get3A_616 : vector<1x16xf32> to vector<16xf32>
          %get3A_618 = arith.index_cast %add3A_569 : i32 to index
          %get3A_619 = arith.constant 112 : index
          %get3A_620 = tpu.vector_load %arg16[%get3A_618, %get3A_619] {strides = array<i32>} : memref<40x128xf32, #tpu.memory_space<vmem>>, vector<1x16xf32>,
          %get3A_621 = vector.shape_cast %get3A_620 : vector<1x16xf32> to vector<16xf32>
          %get3A_622 = arith.index_cast %add3A_569 : i32 to index
          %get3A_623 = arith.constant 0 : index
          %get3A_624 = tpu.vector_load %arg14[%get3A_622, %get3A_623] {strides = array<i32>} : memref<40x16xf32, #tpu.memory_space<vmem>>, vector<1x16xf32>,
          %get3A_625 = vector.shape_cast %get3A_624 : vector<1x16xf32> to vector<16xf32>
          %mul3A_626 = arith.mulf %get3A_573, %get3A_593 : vector<16xf32>
          %mul3A_627 = arith.mulf %get3A_577, %get3A_597 : vector<16xf32>
          %add3A_628 = arith.addf %mul3A_626, %mul3A_627 : vector<16xf32>
          %mul3A_629 = arith.mulf %get3A_581, %get3A_601 : vector<16xf32>
          %add3A_630 = arith.addf %add3A_628, %mul3A_629 : vector<16xf32>
          %mul3A_631 = arith.mulf %get3A_585, %get3A_605 : vector<16xf32>
          %add3A_632 = arith.addf %add3A_630, %mul3A_631 : vector<16xf32>
          %mul3A_633 = arith.mulf %get3A_625, %get3A_589 : vector<16xf32>
          %add3A_634 = arith.addf %add3A_632, %mul3A_633 : vector<16xf32>
          %gather3A_635 = vector.shape_cast %broadcast_in_dim3A : vector<16x1xi32> to vector<16xi32>
          %gather3A_636 = tpu.dynamic_gather %add3A_634[%gather3A_635] in [0] : vector<16xf32>, vector<16xi32> -> vector<16xf32>
          %add3A_637 = arith.addf %add3A_634, %gather3A_636 : vector<16xf32>
          %gather3A_638 = vector.shape_cast %broadcast_in_dim3A_5 : vector<16x1xi32> to vector<16xi32>
          %gather3A_639 = tpu.dynamic_gather %add3A_637[%gather3A_638] in [0] : vector<16xf32>, vector<16xi32> -> vector<16xf32>
          %add3A_640 = arith.addf %add3A_637, %gather3A_639 : vector<16xf32>
          %add3A_641 = arith.constant 7 : i32
          %add3A_642 = arith.addi %mul3A_131, %add3A_641 : i32
          %get3A_643 = arith.index_cast %add3A_642 : i32 to index
          %get3A_644 = arith.constant 0 : index
          %get3A_645 = tpu.vector_load %arg18[%get3A_643, %get3A_644] {strides = array<i32>} : memref<40x80xf32, #tpu.memory_space<vmem>>, vector<1x16xf32>,
          %get3A_646 = vector.shape_cast %get3A_645 : vector<1x16xf32> to vector<16xf32>
          %get3A_647 = arith.index_cast %add3A_642 : i32 to index
          %get3A_648 = arith.constant 16 : index
          %get3A_649 = tpu.vector_load %arg18[%get3A_647, %get3A_648] {strides = array<i32>} : memref<40x80xf32, #tpu.memory_space<vmem>>, vector<1x16xf32>,
          %get3A_650 = vector.shape_cast %get3A_649 : vector<1x16xf32> to vector<16xf32>
          %get3A_651 = arith.index_cast %add3A_642 : i32 to index
          %get3A_652 = arith.constant 32 : index
          %get3A_653 = tpu.vector_load %arg18[%get3A_651, %get3A_652] {strides = array<i32>} : memref<40x80xf32, #tpu.memory_space<vmem>>, vector<1x16xf32>,
          %get3A_654 = vector.shape_cast %get3A_653 : vector<1x16xf32> to vector<16xf32>
          %get3A_655 = arith.index_cast %add3A_642 : i32 to index
          %get3A_656 = arith.constant 48 : index
          %get3A_657 = tpu.vector_load %arg18[%get3A_655, %get3A_656] {strides = array<i32>} : memref<40x80xf32, #tpu.memory_space<vmem>>, vector<1x16xf32>,
          %get3A_658 = vector.shape_cast %get3A_657 : vector<1x16xf32> to vector<16xf32>
          %get3A_659 = arith.index_cast %add3A_642 : i32 to index
          %get3A_660 = arith.constant 64 : index
          %get3A_661 = tpu.vector_load %arg18[%get3A_659, %get3A_660] {strides = array<i32>} : memref<40x80xf32, #tpu.memory_space<vmem>>, vector<1x16xf32>,
          %get3A_662 = vector.shape_cast %get3A_661 : vector<1x16xf32> to vector<16xf32>
          %get3A_663 = arith.index_cast %add3A_642 : i32 to index
          %get3A_664 = arith.constant 0 : index
          %get3A_665 = tpu.vector_load %arg16[%get3A_663, %get3A_664] {strides = array<i32>} : memref<40x128xf32, #tpu.memory_space<vmem>>, vector<1x16xf32>,
          %get3A_666 = vector.shape_cast %get3A_665 : vector<1x16xf32> to vector<16xf32>
          %get3A_667 = arith.index_cast %add3A_642 : i32 to index
          %get3A_668 = arith.constant 16 : index
          %get3A_669 = tpu.vector_load %arg16[%get3A_667, %get3A_668] {strides = array<i32>} : memref<40x128xf32, #tpu.memory_space<vmem>>, vector<1x16xf32>,
          %get3A_670 = vector.shape_cast %get3A_669 : vector<1x16xf32> to vector<16xf32>
          %get3A_671 = arith.index_cast %add3A_642 : i32 to index
          %get3A_672 = arith.constant 32 : index
          %get3A_673 = tpu.vector_load %arg16[%get3A_671, %get3A_672] {strides = array<i32>} : memref<40x128xf32, #tpu.memory_space<vmem>>, vector<1x16xf32>,
          %get3A_674 = vector.shape_cast %get3A_673 : vector<1x16xf32> to vector<16xf32>
          %get3A_675 = arith.index_cast %add3A_642 : i32 to index
          %get3A_676 = arith.constant 48 : index
          %get3A_677 = tpu.vector_load %arg16[%get3A_675, %get3A_676] {strides = array<i32>} : memref<40x128xf32, #tpu.memory_space<vmem>>, vector<1x16xf32>,
          %get3A_678 = vector.shape_cast %get3A_677 : vector<1x16xf32> to vector<16xf32>
          %get3A_679 = arith.index_cast %add3A_642 : i32 to index
          %get3A_680 = arith.constant 64 : index
          %get3A_681 = tpu.vector_load %arg16[%get3A_679, %get3A_680] {strides = array<i32>} : memref<40x128xf32, #tpu.memory_space<vmem>>, vector<1x16xf32>,
          %get3A_682 = vector.shape_cast %get3A_681 : vector<1x16xf32> to vector<16xf32>
          %get3A_683 = arith.index_cast %add3A_642 : i32 to index
          %get3A_684 = arith.constant 80 : index
          %get3A_685 = tpu.vector_load %arg16[%get3A_683, %get3A_684] {strides = array<i32>} : memref<40x128xf32, #tpu.memory_space<vmem>>, vector<1x16xf32>,
          %get3A_686 = vector.shape_cast %get3A_685 : vector<1x16xf32> to vector<16xf32>
          %get3A_687 = arith.index_cast %add3A_642 : i32 to index
          %get3A_688 = arith.constant 96 : index
          %get3A_689 = tpu.vector_load %arg16[%get3A_687, %get3A_688] {strides = array<i32>} : memref<40x128xf32, #tpu.memory_space<vmem>>, vector<1x16xf32>,
          %get3A_690 = vector.shape_cast %get3A_689 : vector<1x16xf32> to vector<16xf32>
          %get3A_691 = arith.index_cast %add3A_642 : i32 to index
          %get3A_692 = arith.constant 112 : index
          %get3A_693 = tpu.vector_load %arg16[%get3A_691, %get3A_692] {strides = array<i32>} : memref<40x128xf32, #tpu.memory_space<vmem>>, vector<1x16xf32>,
          %get3A_694 = vector.shape_cast %get3A_693 : vector<1x16xf32> to vector<16xf32>
          %get3A_695 = arith.index_cast %add3A_642 : i32 to index
          %get3A_696 = arith.constant 0 : index
          %get3A_697 = tpu.vector_load %arg14[%get3A_695, %get3A_696] {strides = array<i32>} : memref<40x16xf32, #tpu.memory_space<vmem>>, vector<1x16xf32>,
          %get3A_698 = vector.shape_cast %get3A_697 : vector<1x16xf32> to vector<16xf32>
          %mul3A_699 = arith.mulf %get3A_646, %get3A_666 : vector<16xf32>
          %mul3A_700 = arith.mulf %get3A_650, %get3A_670 : vector<16xf32>
          %add3A_701 = arith.addf %mul3A_699, %mul3A_700 : vector<16xf32>
          %mul3A_702 = arith.mulf %get3A_654, %get3A_674 : vector<16xf32>
          %add3A_703 = arith.addf %add3A_701, %mul3A_702 : vector<16xf32>
          %mul3A_704 = arith.mulf %get3A_658, %get3A_678 : vector<16xf32>
          %add3A_705 = arith.addf %add3A_703, %mul3A_704 : vector<16xf32>
          %mul3A_706 = arith.mulf %get3A_698, %get3A_662 : vector<16xf32>
          %add3A_707 = arith.addf %add3A_705, %mul3A_706 : vector<16xf32>
          %gather3A_708 = vector.shape_cast %broadcast_in_dim3A : vector<16x1xi32> to vector<16xi32>
          %gather3A_709 = tpu.dynamic_gather %add3A_707[%gather3A_708] in [0] : vector<16xf32>, vector<16xi32> -> vector<16xf32>
          %add3A_710 = arith.addf %add3A_707, %gather3A_709 : vector<16xf32>
          %gather3A_711 = vector.shape_cast %broadcast_in_dim3A_5 : vector<16x1xi32> to vector<16xi32>
          %gather3A_712 = tpu.dynamic_gather %add3A_710[%gather3A_711] in [0] : vector<16xf32>, vector<16xi32> -> vector<16xf32>
          %add3A_713 = arith.addf %add3A_710, %gather3A_712 : vector<16xf32>
          %select_n3A = arith.select %lt3A_24, %add3A_348, %add3A_421 : vector<16xi1>, vector<16xf32>
          %select_n3A_714 = arith.select %lt3A_21, %add3A_275, %select_n3A : vector<16xi1>, vector<16xf32>
          %select_n3A_715 = arith.select %lt3A_18, %add3A_202, %select_n3A_714 : vector<16xi1>, vector<16xf32>
          %gather3A_716 = vector.shape_cast %broadcast_in_dim3A_9 : vector<16x1xi32> to vector<16xi32>
          %gather3A_717 = tpu.dynamic_gather %select_n3A_715[%gather3A_716] in [0] : vector<16xf32>, vector<16xi32> -> vector<16xf32>
          %add3A_718 = arith.addf %select_n3A_715, %gather3A_717 : vector<16xf32>
          %gather3A_719 = vector.shape_cast %broadcast_in_dim3A_13 : vector<16x1xi32> to vector<16xi32>
          %gather3A_720 = tpu.dynamic_gather %add3A_718[%gather3A_719] in [0] : vector<16xf32>, vector<16xi32> -> vector<16xf32>
          %add3A_721 = arith.addf %add3A_718, %gather3A_720 : vector<16xf32>
          %exp3A = math.exp %add3A_721 : vector<16xf32>
          %select_n3A_722 = arith.select %lt3A_24, %add3A_640, %add3A_713 : vector<16xi1>, vector<16xf32>
          %select_n3A_723 = arith.select %lt3A_21, %add3A_567, %select_n3A_722 : vector<16xi1>, vector<16xf32>
          %select_n3A_724 = arith.select %lt3A_18, %add3A_494, %select_n3A_723 : vector<16xi1>, vector<16xf32>
          %gather3A_725 = vector.shape_cast %broadcast_in_dim3A_9 : vector<16x1xi32> to vector<16xi32>
          %gather3A_726 = tpu.dynamic_gather %select_n3A_724[%gather3A_725] in [0] : vector<16xf32>, vector<16xi32> -> vector<16xf32>
          %add3A_727 = arith.addf %select_n3A_724, %gather3A_726 : vector<16xf32>
          %gather3A_728 = vector.shape_cast %broadcast_in_dim3A_13 : vector<16x1xi32> to vector<16xi32>
          %gather3A_729 = tpu.dynamic_gather %add3A_727[%gather3A_728] in [0] : vector<16xf32>, vector<16xi32> -> vector<16xf32>
          %add3A_730 = arith.addf %add3A_727, %gather3A_729 : vector<16xf32>
          %exp3A_731 = math.exp %add3A_730 : vector<16xf32>
          %add3A_732 = arith.constant 0 : i32
          %add3A_733 = arith.addi %mul3A_131, %add3A_732 : i32
          %gather3A_734 = vector.shape_cast %broadcast_in_dim3A_26 : vector<16x1xi32> to vector<16xi32>
          %gather3A_735 = tpu.dynamic_gather %exp3A[%gather3A_734] in [0] : vector<16xf32>, vector<16xi32> -> vector<16xf32>
          %mul3A_736 = arith.mulf %gather3A_735, %get3A_172 : vector<16xf32>
          %swap3A = arith.index_cast %add3A_733 : i32 to index
          %swap3A_737 = arith.constant 0 : index
          %swap3A_738 = tpu.vector_load %arg20[%swap3A, %swap3A_737] {strides = array<i32>} : memref<40x80xf32, #tpu.memory_space<vmem>>, vector<1x16xf32>,
          %swap3A_739 = vector.shape_cast %swap3A_738 : vector<1x16xf32> to vector<16xf32>
          %swap3A_740 = vector.shape_cast %mul3A_736 : vector<16xf32> to vector<1x16xf32>
          tpu.vector_store %arg20[%swap3A, %swap3A_737], %swap3A_740 {strides = array<i32>} : memref<40x80xf32, #tpu.memory_space<vmem>>, vector<1x16xf32>,
          %mul3A_741 = arith.mulf %gather3A_735, %get3A_176 : vector<16xf32>
          %swap3A_742 = arith.index_cast %add3A_733 : i32 to index
          %swap3A_743 = arith.constant 16 : index
          %swap3A_744 = tpu.vector_load %arg20[%swap3A_742, %swap3A_743] {strides = array<i32>} : memref<40x80xf32, #tpu.memory_space<vmem>>, vector<1x16xf32>,
          %swap3A_745 = vector.shape_cast %swap3A_744 : vector<1x16xf32> to vector<16xf32>
          %swap3A_746 = vector.shape_cast %mul3A_741 : vector<16xf32> to vector<1x16xf32>
          tpu.vector_store %arg20[%swap3A_742, %swap3A_743], %swap3A_746 {strides = array<i32>} : memref<40x80xf32, #tpu.memory_space<vmem>>, vector<1x16xf32>,
          %mul3A_747 = arith.mulf %gather3A_735, %get3A_180 : vector<16xf32>
          %swap3A_748 = arith.index_cast %add3A_733 : i32 to index
          %swap3A_749 = arith.constant 32 : index
          %swap3A_750 = tpu.vector_load %arg20[%swap3A_748, %swap3A_749] {strides = array<i32>} : memref<40x80xf32, #tpu.memory_space<vmem>>, vector<1x16xf32>,
          %swap3A_751 = vector.shape_cast %swap3A_750 : vector<1x16xf32> to vector<16xf32>
          %swap3A_752 = vector.shape_cast %mul3A_747 : vector<16xf32> to vector<1x16xf32>
          tpu.vector_store %arg20[%swap3A_748, %swap3A_749], %swap3A_752 {strides = array<i32>} : memref<40x80xf32, #tpu.memory_space<vmem>>, vector<1x16xf32>,
          %mul3A_753 = arith.mulf %gather3A_735, %get3A_184 : vector<16xf32>
          %swap3A_754 = arith.index_cast %add3A_733 : i32 to index
          %swap3A_755 = arith.constant 48 : index
          %swap3A_756 = tpu.vector_load %arg20[%swap3A_754, %swap3A_755] {strides = array<i32>} : memref<40x80xf32, #tpu.memory_space<vmem>>, vector<1x16xf32>,
          %swap3A_757 = vector.shape_cast %swap3A_756 : vector<1x16xf32> to vector<16xf32>
          %swap3A_758 = vector.shape_cast %mul3A_753 : vector<16xf32> to vector<1x16xf32>
          tpu.vector_store %arg20[%swap3A_754, %swap3A_755], %swap3A_758 {strides = array<i32>} : memref<40x80xf32, #tpu.memory_space<vmem>>, vector<1x16xf32>,
          %mul3A_759 = arith.mulf %gather3A_735, %get3A_188 : vector<16xf32>
          %swap3A_760 = arith.index_cast %add3A_733 : i32 to index
          %swap3A_761 = arith.constant 64 : index
          %swap3A_762 = tpu.vector_load %arg20[%swap3A_760, %swap3A_761] {strides = array<i32>} : memref<40x80xf32, #tpu.memory_space<vmem>>, vector<1x16xf32>,
          %swap3A_763 = vector.shape_cast %swap3A_762 : vector<1x16xf32> to vector<16xf32>
          %swap3A_764 = vector.shape_cast %mul3A_759 : vector<16xf32> to vector<1x16xf32>
          tpu.vector_store %arg20[%swap3A_760, %swap3A_761], %swap3A_764 {strides = array<i32>} : memref<40x80xf32, #tpu.memory_space<vmem>>, vector<1x16xf32>,
          %add3A_765 = arith.constant 1 : i32
          %add3A_766 = arith.addi %mul3A_131, %add3A_765 : i32
          %gather3A_767 = vector.shape_cast %broadcast_in_dim3A_28 : vector<16x1xi32> to vector<16xi32>
          %gather3A_768 = tpu.dynamic_gather %exp3A[%gather3A_767] in [0] : vector<16xf32>, vector<16xi32> -> vector<16xf32>
          %mul3A_769 = arith.mulf %gather3A_768, %get3A_244 : vector<16xf32>
          %swap3A_770 = arith.index_cast %add3A_766 : i32 to index
          %swap3A_771 = arith.constant 0 : index
          %swap3A_772 = tpu.vector_load %arg20[%swap3A_770, %swap3A_771] {strides = array<i32>} : memref<40x80xf32, #tpu.memory_space<vmem>>, vector<1x16xf32>,
          %swap3A_773 = vector.shape_cast %swap3A_772 : vector<1x16xf32> to vector<16xf32>
          %swap3A_774 = vector.shape_cast %mul3A_769 : vector<16xf32> to vector<1x16xf32>
          tpu.vector_store %arg20[%swap3A_770, %swap3A_771], %swap3A_774 {strides = array<i32>} : memref<40x80xf32, #tpu.memory_space<vmem>>, vector<1x16xf32>,
          %mul3A_775 = arith.mulf %gather3A_768, %get3A_248 : vector<16xf32>
          %swap3A_776 = arith.index_cast %add3A_766 : i32 to index
          %swap3A_777 = arith.constant 16 : index
          %swap3A_778 = tpu.vector_load %arg20[%swap3A_776, %swap3A_777] {strides = array<i32>} : memref<40x80xf32, #tpu.memory_space<vmem>>, vector<1x16xf32>,
          %swap3A_779 = vector.shape_cast %swap3A_778 : vector<1x16xf32> to vector<16xf32>
          %swap3A_780 = vector.shape_cast %mul3A_775 : vector<16xf32> to vector<1x16xf32>
          tpu.vector_store %arg20[%swap3A_776, %swap3A_777], %swap3A_780 {strides = array<i32>} : memref<40x80xf32, #tpu.memory_space<vmem>>, vector<1x16xf32>,
          %mul3A_781 = arith.mulf %gather3A_768, %get3A_252 : vector<16xf32>
          %swap3A_782 = arith.index_cast %add3A_766 : i32 to index
          %swap3A_783 = arith.constant 32 : index
          %swap3A_784 = tpu.vector_load %arg20[%swap3A_782, %swap3A_783] {strides = array<i32>} : memref<40x80xf32, #tpu.memory_space<vmem>>, vector<1x16xf32>,
          %swap3A_785 = vector.shape_cast %swap3A_784 : vector<1x16xf32> to vector<16xf32>
          %swap3A_786 = vector.shape_cast %mul3A_781 : vector<16xf32> to vector<1x16xf32>
          tpu.vector_store %arg20[%swap3A_782, %swap3A_783], %swap3A_786 {strides = array<i32>} : memref<40x80xf32, #tpu.memory_space<vmem>>, vector<1x16xf32>,
          %mul3A_787 = arith.mulf %gather3A_768, %get3A_256 : vector<16xf32>
          %swap3A_788 = arith.index_cast %add3A_766 : i32 to index
          %swap3A_789 = arith.constant 48 : index
          %swap3A_790 = tpu.vector_load %arg20[%swap3A_788, %swap3A_789] {strides = array<i32>} : memref<40x80xf32, #tpu.memory_space<vmem>>, vector<1x16xf32>,
          %swap3A_791 = vector.shape_cast %swap3A_790 : vector<1x16xf32> to vector<16xf32>
          %swap3A_792 = vector.shape_cast %mul3A_787 : vector<16xf32> to vector<1x16xf32>
          tpu.vector_store %arg20[%swap3A_788, %swap3A_789], %swap3A_792 {strides = array<i32>} : memref<40x80xf32, #tpu.memory_space<vmem>>, vector<1x16xf32>,
          %mul3A_793 = arith.mulf %gather3A_768, %get3A_260 : vector<16xf32>
          %swap3A_794 = arith.index_cast %add3A_766 : i32 to index
          %swap3A_795 = arith.constant 64 : index
          %swap3A_796 = tpu.vector_load %arg20[%swap3A_794, %swap3A_795] {strides = array<i32>} : memref<40x80xf32, #tpu.memory_space<vmem>>, vector<1x16xf32>,
          %swap3A_797 = vector.shape_cast %swap3A_796 : vector<1x16xf32> to vector<16xf32>
          %swap3A_798 = vector.shape_cast %mul3A_793 : vector<16xf32> to vector<1x16xf32>
          tpu.vector_store %arg20[%swap3A_794, %swap3A_795], %swap3A_798 {strides = array<i32>} : memref<40x80xf32, #tpu.memory_space<vmem>>, vector<1x16xf32>,
          %add3A_799 = arith.constant 2 : i32
          %add3A_800 = arith.addi %mul3A_131, %add3A_799 : i32
          %gather3A_801 = vector.shape_cast %broadcast_in_dim3A_30 : vector<16x1xi32> to vector<16xi32>
          %gather3A_802 = tpu.dynamic_gather %exp3A[%gather3A_801] in [0] : vector<16xf32>, vector<16xi32> -> vector<16xf32>
          %mul3A_803 = arith.mulf %gather3A_802, %get3A_317 : vector<16xf32>
          %swap3A_804 = arith.index_cast %add3A_800 : i32 to index
          %swap3A_805 = arith.constant 0 : index
          %swap3A_806 = tpu.vector_load %arg20[%swap3A_804, %swap3A_805] {strides = array<i32>} : memref<40x80xf32, #tpu.memory_space<vmem>>, vector<1x16xf32>,
          %swap3A_807 = vector.shape_cast %swap3A_806 : vector<1x16xf32> to vector<16xf32>
          %swap3A_808 = vector.shape_cast %mul3A_803 : vector<16xf32> to vector<1x16xf32>
          tpu.vector_store %arg20[%swap3A_804, %swap3A_805], %swap3A_808 {strides = array<i32>} : memref<40x80xf32, #tpu.memory_space<vmem>>, vector<1x16xf32>,
          %mul3A_809 = arith.mulf %gather3A_802, %get3A_321 : vector<16xf32>
          %swap3A_810 = arith.index_cast %add3A_800 : i32 to index
          %swap3A_811 = arith.constant 16 : index
          %swap3A_812 = tpu.vector_load %arg20[%swap3A_810, %swap3A_811] {strides = array<i32>} : memref<40x80xf32, #tpu.memory_space<vmem>>, vector<1x16xf32>,
          %swap3A_813 = vector.shape_cast %swap3A_812 : vector<1x16xf32> to vector<16xf32>
          %swap3A_814 = vector.shape_cast %mul3A_809 : vector<16xf32> to vector<1x16xf32>
          tpu.vector_store %arg20[%swap3A_810, %swap3A_811], %swap3A_814 {strides = array<i32>} : memref<40x80xf32, #tpu.memory_space<vmem>>, vector<1x16xf32>,
          %mul3A_815 = arith.mulf %gather3A_802, %get3A_325 : vector<16xf32>
          %swap3A_816 = arith.index_cast %add3A_800 : i32 to index
          %swap3A_817 = arith.constant 32 : index
          %swap3A_818 = tpu.vector_load %arg20[%swap3A_816, %swap3A_817] {strides = array<i32>} : memref<40x80xf32, #tpu.memory_space<vmem>>, vector<1x16xf32>,
          %swap3A_819 = vector.shape_cast %swap3A_818 : vector<1x16xf32> to vector<16xf32>
          %swap3A_820 = vector.shape_cast %mul3A_815 : vector<16xf32> to vector<1x16xf32>
          tpu.vector_store %arg20[%swap3A_816, %swap3A_817], %swap3A_820 {strides = array<i32>} : memref<40x80xf32, #tpu.memory_space<vmem>>, vector<1x16xf32>,
          %mul3A_821 = arith.mulf %gather3A_802, %get3A_329 : vector<16xf32>
          %swap3A_822 = arith.index_cast %add3A_800 : i32 to index
          %swap3A_823 = arith.constant 48 : index
          %swap3A_824 = tpu.vector_load %arg20[%swap3A_822, %swap3A_823] {strides = array<i32>} : memref<40x80xf32, #tpu.memory_space<vmem>>, vector<1x16xf32>,
          %swap3A_825 = vector.shape_cast %swap3A_824 : vector<1x16xf32> to vector<16xf32>
          %swap3A_826 = vector.shape_cast %mul3A_821 : vector<16xf32> to vector<1x16xf32>
          tpu.vector_store %arg20[%swap3A_822, %swap3A_823], %swap3A_826 {strides = array<i32>} : memref<40x80xf32, #tpu.memory_space<vmem>>, vector<1x16xf32>,
          %mul3A_827 = arith.mulf %gather3A_802, %get3A_333 : vector<16xf32>
          %swap3A_828 = arith.index_cast %add3A_800 : i32 to index
          %swap3A_829 = arith.constant 64 : index
          %swap3A_830 = tpu.vector_load %arg20[%swap3A_828, %swap3A_829] {strides = array<i32>} : memref<40x80xf32, #tpu.memory_space<vmem>>, vector<1x16xf32>,
          %swap3A_831 = vector.shape_cast %swap3A_830 : vector<1x16xf32> to vector<16xf32>
          %swap3A_832 = vector.shape_cast %mul3A_827 : vector<16xf32> to vector<1x16xf32>
          tpu.vector_store %arg20[%swap3A_828, %swap3A_829], %swap3A_832 {strides = array<i32>} : memref<40x80xf32, #tpu.memory_space<vmem>>, vector<1x16xf32>,
          %add3A_833 = arith.constant 3 : i32
          %add3A_834 = arith.addi %mul3A_131, %add3A_833 : i32
          %gather3A_835 = vector.shape_cast %broadcast_in_dim3A_32 : vector<16x1xi32> to vector<16xi32>
          %gather3A_836 = tpu.dynamic_gather %exp3A[%gather3A_835] in [0] : vector<16xf32>, vector<16xi32> -> vector<16xf32>
          %mul3A_837 = arith.mulf %gather3A_836, %get3A_390 : vector<16xf32>
          %swap3A_838 = arith.index_cast %add3A_834 : i32 to index
          %swap3A_839 = arith.constant 0 : index
          %swap3A_840 = tpu.vector_load %arg20[%swap3A_838, %swap3A_839] {strides = array<i32>} : memref<40x80xf32, #tpu.memory_space<vmem>>, vector<1x16xf32>,
          %swap3A_841 = vector.shape_cast %swap3A_840 : vector<1x16xf32> to vector<16xf32>
          %swap3A_842 = vector.shape_cast %mul3A_837 : vector<16xf32> to vector<1x16xf32>
          tpu.vector_store %arg20[%swap3A_838, %swap3A_839], %swap3A_842 {strides = array<i32>} : memref<40x80xf32, #tpu.memory_space<vmem>>, vector<1x16xf32>,
          %mul3A_843 = arith.mulf %gather3A_836, %get3A_394 : vector<16xf32>
          %swap3A_844 = arith.index_cast %add3A_834 : i32 to index
          %swap3A_845 = arith.constant 16 : index
          %swap3A_846 = tpu.vector_load %arg20[%swap3A_844, %swap3A_845] {strides = array<i32>} : memref<40x80xf32, #tpu.memory_space<vmem>>, vector<1x16xf32>,
          %swap3A_847 = vector.shape_cast %swap3A_846 : vector<1x16xf32> to vector<16xf32>
          %swap3A_848 = vector.shape_cast %mul3A_843 : vector<16xf32> to vector<1x16xf32>
          tpu.vector_store %arg20[%swap3A_844, %swap3A_845], %swap3A_848 {strides = array<i32>} : memref<40x80xf32, #tpu.memory_space<vmem>>, vector<1x16xf32>,
          %mul3A_849 = arith.mulf %gather3A_836, %get3A_398 : vector<16xf32>
          %swap3A_850 = arith.index_cast %add3A_834 : i32 to index
          %swap3A_851 = arith.constant 32 : index
          %swap3A_852 = tpu.vector_load %arg20[%swap3A_850, %swap3A_851] {strides = array<i32>} : memref<40x80xf32, #tpu.memory_space<vmem>>, vector<1x16xf32>,
          %swap3A_853 = vector.shape_cast %swap3A_852 : vector<1x16xf32> to vector<16xf32>
          %swap3A_854 = vector.shape_cast %mul3A_849 : vector<16xf32> to vector<1x16xf32>
          tpu.vector_store %arg20[%swap3A_850, %swap3A_851], %swap3A_854 {strides = array<i32>} : memref<40x80xf32, #tpu.memory_space<vmem>>, vector<1x16xf32>,
          %mul3A_855 = arith.mulf %gather3A_836, %get3A_402 : vector<16xf32>
          %swap3A_856 = arith.index_cast %add3A_834 : i32 to index
          %swap3A_857 = arith.constant 48 : index
          %swap3A_858 = tpu.vector_load %arg20[%swap3A_856, %swap3A_857] {strides = array<i32>} : memref<40x80xf32, #tpu.memory_space<vmem>>, vector<1x16xf32>,
          %swap3A_859 = vector.shape_cast %swap3A_858 : vector<1x16xf32> to vector<16xf32>
          %swap3A_860 = vector.shape_cast %mul3A_855 : vector<16xf32> to vector<1x16xf32>
          tpu.vector_store %arg20[%swap3A_856, %swap3A_857], %swap3A_860 {strides = array<i32>} : memref<40x80xf32, #tpu.memory_space<vmem>>, vector<1x16xf32>,
          %mul3A_861 = arith.mulf %gather3A_836, %get3A_406 : vector<16xf32>
          %swap3A_862 = arith.index_cast %add3A_834 : i32 to index
          %swap3A_863 = arith.constant 64 : index
          %swap3A_864 = tpu.vector_load %arg20[%swap3A_862, %swap3A_863] {strides = array<i32>} : memref<40x80xf32, #tpu.memory_space<vmem>>, vector<1x16xf32>,
          %swap3A_865 = vector.shape_cast %swap3A_864 : vector<1x16xf32> to vector<16xf32>
          %swap3A_866 = vector.shape_cast %mul3A_861 : vector<16xf32> to vector<1x16xf32>
          tpu.vector_store %arg20[%swap3A_862, %swap3A_863], %swap3A_866 {strides = array<i32>} : memref<40x80xf32, #tpu.memory_space<vmem>>, vector<1x16xf32>,
          %add3A_867 = arith.constant 4 : i32
          %add3A_868 = arith.addi %mul3A_131, %add3A_867 : i32
          %gather3A_869 = vector.shape_cast %broadcast_in_dim3A_26 : vector<16x1xi32> to vector<16xi32>
          %gather3A_870 = tpu.dynamic_gather %exp3A_731[%gather3A_869] in [0] : vector<16xf32>, vector<16xi32> -> vector<16xf32>
          %mul3A_871 = arith.mulf %gather3A_870, %get3A_463 : vector<16xf32>
          %swap3A_872 = arith.index_cast %add3A_868 : i32 to index
          %swap3A_873 = arith.constant 0 : index
          %swap3A_874 = tpu.vector_load %arg20[%swap3A_872, %swap3A_873] {strides = array<i32>} : memref<40x80xf32, #tpu.memory_space<vmem>>, vector<1x16xf32>,
          %swap3A_875 = vector.shape_cast %swap3A_874 : vector<1x16xf32> to vector<16xf32>
          %swap3A_876 = vector.shape_cast %mul3A_871 : vector<16xf32> to vector<1x16xf32>
          tpu.vector_store %arg20[%swap3A_872, %swap3A_873], %swap3A_876 {strides = array<i32>} : memref<40x80xf32, #tpu.memory_space<vmem>>, vector<1x16xf32>,
          %mul3A_877 = arith.mulf %gather3A_870, %get3A_467 : vector<16xf32>
          %swap3A_878 = arith.index_cast %add3A_868 : i32 to index
          %swap3A_879 = arith.constant 16 : index
          %swap3A_880 = tpu.vector_load %arg20[%swap3A_878, %swap3A_879] {strides = array<i32>} : memref<40x80xf32, #tpu.memory_space<vmem>>, vector<1x16xf32>,
          %swap3A_881 = vector.shape_cast %swap3A_880 : vector<1x16xf32> to vector<16xf32>
          %swap3A_882 = vector.shape_cast %mul3A_877 : vector<16xf32> to vector<1x16xf32>
          tpu.vector_store %arg20[%swap3A_878, %swap3A_879], %swap3A_882 {strides = array<i32>} : memref<40x80xf32, #tpu.memory_space<vmem>>, vector<1x16xf32>,
          %mul3A_883 = arith.mulf %gather3A_870, %get3A_471 : vector<16xf32>
          %swap3A_884 = arith.index_cast %add3A_868 : i32 to index
          %swap3A_885 = arith.constant 32 : index
          %swap3A_886 = tpu.vector_load %arg20[%swap3A_884, %swap3A_885] {strides = array<i32>} : memref<40x80xf32, #tpu.memory_space<vmem>>, vector<1x16xf32>,
          %swap3A_887 = vector.shape_cast %swap3A_886 : vector<1x16xf32> to vector<16xf32>
          %swap3A_888 = vector.shape_cast %mul3A_883 : vector<16xf32> to vector<1x16xf32>
          tpu.vector_store %arg20[%swap3A_884, %swap3A_885], %swap3A_888 {strides = array<i32>} : memref<40x80xf32, #tpu.memory_space<vmem>>, vector<1x16xf32>,
          %mul3A_889 = arith.mulf %gather3A_870, %get3A_475 : vector<16xf32>
          %swap3A_890 = arith.index_cast %add3A_868 : i32 to index
          %swap3A_891 = arith.constant 48 : index
          %swap3A_892 = tpu.vector_load %arg20[%swap3A_890, %swap3A_891] {strides = array<i32>} : memref<40x80xf32, #tpu.memory_space<vmem>>, vector<1x16xf32>,
          %swap3A_893 = vector.shape_cast %swap3A_892 : vector<1x16xf32> to vector<16xf32>
          %swap3A_894 = vector.shape_cast %mul3A_889 : vector<16xf32> to vector<1x16xf32>
          tpu.vector_store %arg20[%swap3A_890, %swap3A_891], %swap3A_894 {strides = array<i32>} : memref<40x80xf32, #tpu.memory_space<vmem>>, vector<1x16xf32>,
          %mul3A_895 = arith.mulf %gather3A_870, %get3A_479 : vector<16xf32>
          %swap3A_896 = arith.index_cast %add3A_868 : i32 to index
          %swap3A_897 = arith.constant 64 : index
          %swap3A_898 = tpu.vector_load %arg20[%swap3A_896, %swap3A_897] {strides = array<i32>} : memref<40x80xf32, #tpu.memory_space<vmem>>, vector<1x16xf32>,
          %swap3A_899 = vector.shape_cast %swap3A_898 : vector<1x16xf32> to vector<16xf32>
          %swap3A_900 = vector.shape_cast %mul3A_895 : vector<16xf32> to vector<1x16xf32>
          tpu.vector_store %arg20[%swap3A_896, %swap3A_897], %swap3A_900 {strides = array<i32>} : memref<40x80xf32, #tpu.memory_space<vmem>>, vector<1x16xf32>,
          %add3A_901 = arith.constant 5 : i32
          %add3A_902 = arith.addi %mul3A_131, %add3A_901 : i32
          %gather3A_903 = vector.shape_cast %broadcast_in_dim3A_28 : vector<16x1xi32> to vector<16xi32>
          %gather3A_904 = tpu.dynamic_gather %exp3A_731[%gather3A_903] in [0] : vector<16xf32>, vector<16xi32> -> vector<16xf32>
          %mul3A_905 = arith.mulf %gather3A_904, %get3A_536 : vector<16xf32>
          %swap3A_906 = arith.index_cast %add3A_902 : i32 to index
          %swap3A_907 = arith.constant 0 : index
          %swap3A_908 = tpu.vector_load %arg20[%swap3A_906, %swap3A_907] {strides = array<i32>} : memref<40x80xf32, #tpu.memory_space<vmem>>, vector<1x16xf32>,
          %swap3A_909 = vector.shape_cast %swap3A_908 : vector<1x16xf32> to vector<16xf32>
          %swap3A_910 = vector.shape_cast %mul3A_905 : vector<16xf32> to vector<1x16xf32>
          tpu.vector_store %arg20[%swap3A_906, %swap3A_907], %swap3A_910 {strides = array<i32>} : memref<40x80xf32, #tpu.memory_space<vmem>>, vector<1x16xf32>,
          %mul3A_911 = arith.mulf %gather3A_904, %get3A_540 : vector<16xf32>
          %swap3A_912 = arith.index_cast %add3A_902 : i32 to index
          %swap3A_913 = arith.constant 16 : index
          %swap3A_914 = tpu.vector_load %arg20[%swap3A_912, %swap3A_913] {strides = array<i32>} : memref<40x80xf32, #tpu.memory_space<vmem>>, vector<1x16xf32>,
          %swap3A_915 = vector.shape_cast %swap3A_914 : vector<1x16xf32> to vector<16xf32>
          %swap3A_916 = vector.shape_cast %mul3A_911 : vector<16xf32> to vector<1x16xf32>
          tpu.vector_store %arg20[%swap3A_912, %swap3A_913], %swap3A_916 {strides = array<i32>} : memref<40x80xf32, #tpu.memory_space<vmem>>, vector<1x16xf32>,
          %mul3A_917 = arith.mulf %gather3A_904, %get3A_544 : vector<16xf32>
          %swap3A_918 = arith.index_cast %add3A_902 : i32 to index
          %swap3A_919 = arith.constant 32 : index
          %swap3A_920 = tpu.vector_load %arg20[%swap3A_918, %swap3A_919] {strides = array<i32>} : memref<40x80xf32, #tpu.memory_space<vmem>>, vector<1x16xf32>,
          %swap3A_921 = vector.shape_cast %swap3A_920 : vector<1x16xf32> to vector<16xf32>
          %swap3A_922 = vector.shape_cast %mul3A_917 : vector<16xf32> to vector<1x16xf32>
          tpu.vector_store %arg20[%swap3A_918, %swap3A_919], %swap3A_922 {strides = array<i32>} : memref<40x80xf32, #tpu.memory_space<vmem>>, vector<1x16xf32>,
          %mul3A_923 = arith.mulf %gather3A_904, %get3A_548 : vector<16xf32>
          %swap3A_924 = arith.index_cast %add3A_902 : i32 to index
          %swap3A_925 = arith.constant 48 : index
          %swap3A_926 = tpu.vector_load %arg20[%swap3A_924, %swap3A_925] {strides = array<i32>} : memref<40x80xf32, #tpu.memory_space<vmem>>, vector<1x16xf32>,
          %swap3A_927 = vector.shape_cast %swap3A_926 : vector<1x16xf32> to vector<16xf32>
          %swap3A_928 = vector.shape_cast %mul3A_923 : vector<16xf32> to vector<1x16xf32>
          tpu.vector_store %arg20[%swap3A_924, %swap3A_925], %swap3A_928 {strides = array<i32>} : memref<40x80xf32, #tpu.memory_space<vmem>>, vector<1x16xf32>,
          %mul3A_929 = arith.mulf %gather3A_904, %get3A_552 : vector<16xf32>
          %swap3A_930 = arith.index_cast %add3A_902 : i32 to index
          %swap3A_931 = arith.constant 64 : index
          %swap3A_932 = tpu.vector_load %arg20[%swap3A_930, %swap3A_931] {strides = array<i32>} : memref<40x80xf32, #tpu.memory_space<vmem>>, vector<1x16xf32>,
          %swap3A_933 = vector.shape_cast %swap3A_932 : vector<1x16xf32> to vector<16xf32>
          %swap3A_934 = vector.shape_cast %mul3A_929 : vector<16xf32> to vector<1x16xf32>
          tpu.vector_store %arg20[%swap3A_930, %swap3A_931], %swap3A_934 {strides = array<i32>} : memref<40x80xf32, #tpu.memory_space<vmem>>, vector<1x16xf32>,
          %add3A_935 = arith.constant 6 : i32
          %add3A_936 = arith.addi %mul3A_131, %add3A_935 : i32
          %gather3A_937 = vector.shape_cast %broadcast_in_dim3A_30 : vector<16x1xi32> to vector<16xi32>
          %gather3A_938 = tpu.dynamic_gather %exp3A_731[%gather3A_937] in [0] : vector<16xf32>, vector<16xi32> -> vector<16xf32>
          %mul3A_939 = arith.mulf %gather3A_938, %get3A_609 : vector<16xf32>
          %swap3A_940 = arith.index_cast %add3A_936 : i32 to index
          %swap3A_941 = arith.constant 0 : index
          %swap3A_942 = tpu.vector_load %arg20[%swap3A_940, %swap3A_941] {strides = array<i32>} : memref<40x80xf32, #tpu.memory_space<vmem>>, vector<1x16xf32>,
          %swap3A_943 = vector.shape_cast %swap3A_942 : vector<1x16xf32> to vector<16xf32>
          %swap3A_944 = vector.shape_cast %mul3A_939 : vector<16xf32> to vector<1x16xf32>
          tpu.vector_store %arg20[%swap3A_940, %swap3A_941], %swap3A_944 {strides = array<i32>} : memref<40x80xf32, #tpu.memory_space<vmem>>, vector<1x16xf32>,
          %mul3A_945 = arith.mulf %gather3A_938, %get3A_613 : vector<16xf32>
          %swap3A_946 = arith.index_cast %add3A_936 : i32 to index
          %swap3A_947 = arith.constant 16 : index
          %swap3A_948 = tpu.vector_load %arg20[%swap3A_946, %swap3A_947] {strides = array<i32>} : memref<40x80xf32, #tpu.memory_space<vmem>>, vector<1x16xf32>,
          %swap3A_949 = vector.shape_cast %swap3A_948 : vector<1x16xf32> to vector<16xf32>
          %swap3A_950 = vector.shape_cast %mul3A_945 : vector<16xf32> to vector<1x16xf32>
          tpu.vector_store %arg20[%swap3A_946, %swap3A_947], %swap3A_950 {strides = array<i32>} : memref<40x80xf32, #tpu.memory_space<vmem>>, vector<1x16xf32>,
          %mul3A_951 = arith.mulf %gather3A_938, %get3A_617 : vector<16xf32>
          %swap3A_952 = arith.index_cast %add3A_936 : i32 to index
          %swap3A_953 = arith.constant 32 : index
          %swap3A_954 = tpu.vector_load %arg20[%swap3A_952, %swap3A_953] {strides = array<i32>} : memref<40x80xf32, #tpu.memory_space<vmem>>, vector<1x16xf32>,
          %swap3A_955 = vector.shape_cast %swap3A_954 : vector<1x16xf32> to vector<16xf32>
          %swap3A_956 = vector.shape_cast %mul3A_951 : vector<16xf32> to vector<1x16xf32>
          tpu.vector_store %arg20[%swap3A_952, %swap3A_953], %swap3A_956 {strides = array<i32>} : memref<40x80xf32, #tpu.memory_space<vmem>>, vector<1x16xf32>,
          %mul3A_957 = arith.mulf %gather3A_938, %get3A_621 : vector<16xf32>
          %swap3A_958 = arith.index_cast %add3A_936 : i32 to index
          %swap3A_959 = arith.constant 48 : index
          %swap3A_960 = tpu.vector_load %arg20[%swap3A_958, %swap3A_959] {strides = array<i32>} : memref<40x80xf32, #tpu.memory_space<vmem>>, vector<1x16xf32>,
          %swap3A_961 = vector.shape_cast %swap3A_960 : vector<1x16xf32> to vector<16xf32>
          %swap3A_962 = vector.shape_cast %mul3A_957 : vector<16xf32> to vector<1x16xf32>
          tpu.vector_store %arg20[%swap3A_958, %swap3A_959], %swap3A_962 {strides = array<i32>} : memref<40x80xf32, #tpu.memory_space<vmem>>, vector<1x16xf32>,
          %mul3A_963 = arith.mulf %gather3A_938, %get3A_625 : vector<16xf32>
          %swap3A_964 = arith.index_cast %add3A_936 : i32 to index
          %swap3A_965 = arith.constant 64 : index
          %swap3A_966 = tpu.vector_load %arg20[%swap3A_964, %swap3A_965] {strides = array<i32>} : memref<40x80xf32, #tpu.memory_space<vmem>>, vector<1x16xf32>,
          %swap3A_967 = vector.shape_cast %swap3A_966 : vector<1x16xf32> to vector<16xf32>
          %swap3A_968 = vector.shape_cast %mul3A_963 : vector<16xf32> to vector<1x16xf32>
          tpu.vector_store %arg20[%swap3A_964, %swap3A_965], %swap3A_968 {strides = array<i32>} : memref<40x80xf32, #tpu.memory_space<vmem>>, vector<1x16xf32>,
          %add3A_969 = arith.constant 7 : i32
          %add3A_970 = arith.addi %mul3A_131, %add3A_969 : i32
          %gather3A_971 = vector.shape_cast %broadcast_in_dim3A_32 : vector<16x1xi32> to vector<16xi32>
          %gather3A_972 = tpu.dynamic_gather %exp3A_731[%gather3A_971] in [0] : vector<16xf32>, vector<16xi32> -> vector<16xf32>
          %mul3A_973 = arith.mulf %gather3A_972, %get3A_682 : vector<16xf32>
          %swap3A_974 = arith.index_cast %add3A_970 : i32 to index
          %swap3A_975 = arith.constant 0 : index
          %swap3A_976 = tpu.vector_load %arg20[%swap3A_974, %swap3A_975] {strides = array<i32>} : memref<40x80xf32, #tpu.memory_space<vmem>>, vector<1x16xf32>,
          %swap3A_977 = vector.shape_cast %swap3A_976 : vector<1x16xf32> to vector<16xf32>
          %swap3A_978 = vector.shape_cast %mul3A_973 : vector<16xf32> to vector<1x16xf32>
          tpu.vector_store %arg20[%swap3A_974, %swap3A_975], %swap3A_978 {strides = array<i32>} : memref<40x80xf32, #tpu.memory_space<vmem>>, vector<1x16xf32>,
          %mul3A_979 = arith.mulf %gather3A_972, %get3A_686 : vector<16xf32>
          %swap3A_980 = arith.index_cast %add3A_970 : i32 to index
          %swap3A_981 = arith.constant 16 : index
          %swap3A_982 = tpu.vector_load %arg20[%swap3A_980, %swap3A_981] {strides = array<i32>} : memref<40x80xf32, #tpu.memory_space<vmem>>, vector<1x16xf32>,
          %swap3A_983 = vector.shape_cast %swap3A_982 : vector<1x16xf32> to vector<16xf32>
          %swap3A_984 = vector.shape_cast %mul3A_979 : vector<16xf32> to vector<1x16xf32>
          tpu.vector_store %arg20[%swap3A_980, %swap3A_981], %swap3A_984 {strides = array<i32>} : memref<40x80xf32, #tpu.memory_space<vmem>>, vector<1x16xf32>,
          %mul3A_985 = arith.mulf %gather3A_972, %get3A_690 : vector<16xf32>
          %swap3A_986 = arith.index_cast %add3A_970 : i32 to index
          %swap3A_987 = arith.constant 32 : index
          %swap3A_988 = tpu.vector_load %arg20[%swap3A_986, %swap3A_987] {strides = array<i32>} : memref<40x80xf32, #tpu.memory_space<vmem>>, vector<1x16xf32>,
          %swap3A_989 = vector.shape_cast %swap3A_988 : vector<1x16xf32> to vector<16xf32>
          %swap3A_990 = vector.shape_cast %mul3A_985 : vector<16xf32> to vector<1x16xf32>
          tpu.vector_store %arg20[%swap3A_986, %swap3A_987], %swap3A_990 {strides = array<i32>} : memref<40x80xf32, #tpu.memory_space<vmem>>, vector<1x16xf32>,
          %mul3A_991 = arith.mulf %gather3A_972, %get3A_694 : vector<16xf32>
          %swap3A_992 = arith.index_cast %add3A_970 : i32 to index
          %swap3A_993 = arith.constant 48 : index
          %swap3A_994 = tpu.vector_load %arg20[%swap3A_992, %swap3A_993] {strides = array<i32>} : memref<40x80xf32, #tpu.memory_space<vmem>>, vector<1x16xf32>,
          %swap3A_995 = vector.shape_cast %swap3A_994 : vector<1x16xf32> to vector<16xf32>
          %swap3A_996 = vector.shape_cast %mul3A_991 : vector<16xf32> to vector<1x16xf32>
          tpu.vector_store %arg20[%swap3A_992, %swap3A_993], %swap3A_996 {strides = array<i32>} : memref<40x80xf32, #tpu.memory_space<vmem>>, vector<1x16xf32>,
          %mul3A_997 = arith.mulf %gather3A_972, %get3A_698 : vector<16xf32>
          %swap3A_998 = arith.index_cast %add3A_970 : i32 to index
          %swap3A_999 = arith.constant 64 : index
          %swap3A_1000 = tpu.vector_load %arg20[%swap3A_998, %swap3A_999] {strides = array<i32>} : memref<40x80xf32, #tpu.memory_space<vmem>>, vector<1x16xf32>,
          %swap3A_1001 = vector.shape_cast %swap3A_1000 : vector<1x16xf32> to vector<16xf32>
          %swap3A_1002 = vector.shape_cast %mul3A_997 : vector<16xf32> to vector<1x16xf32>
          tpu.vector_store %arg20[%swap3A_998, %swap3A_999], %swap3A_1002 {strides = array<i32>} : memref<40x80xf32, #tpu.memory_space<vmem>>, vector<1x16xf32>,
        }
        %scan3A_122 = arith.constant 5 : i32
        %dma_start3A_123 = arith.constant 0 : i32
        %dma_start3A_124 = tpu.memref_slice %arg12[%add3A_82, %dma_start3A_123] : memref<500x40xi32, #tpu.memory_space<vmem>> -> memref<1x40xi32, #tpu.memory_space<vmem>>
        %dma_start3A_125 = tpu.memref_squeeze %dma_start3A_124 : memref<1x40xi32, #tpu.memory_space<vmem>> -> memref<40xi32, #tpu.memory_space<vmem>>
        %dma_start3A_126 = arith.constant 0 : i32
        %dma_start3A_127 = arith.constant 0 : i32
        %dma_start3A_128 = tpu.memref_slice %arg29[%dma_start3A_126, %dma_start3A_127] : memref<10240x80xf32, #tpu.memory_space<vmem_shared>> -> memref<10240x80xf32, #tpu.memory_space<vmem_shared>>
        tpu.enqueue_indirect_dma source(%arg20 : memref<40x80xf32, #tpu.memory_space<vmem>>) target(%dma_start3A_128 : memref<10240x80xf32, #tpu.memory_space<vmem_shared>>) offsets(%dma_start3A_125 : memref<40xi32, #tpu.memory_space<vmem>>) semaphore(%arg28 : memref<!tpu.dma_semaphore, #tpu.memory_space<semaphore_mem>>) {add = true}
      } else {
      }
    }
    %scan3A_48 = arith.constant 250 : i32
    %dma_wait3A = arith.constant 0 : i32
    %dma_wait3A_49 = arith.constant 0 : i32
    %dma_wait3A_50 = tpu.memref_slice %arg10[%dma_wait3A, %dma_wait3A_49] : memref<20480x80xf32, #tpu.memory_space<hbm>> -> memref<40x80xf32, #tpu.memory_space<hbm>>
    %dma_wait3A_51 = arith.constant 0 : i32
    %dma_wait3A_52 = arith.constant 0 : i32
    %dma_wait3A_53 = tpu.memref_slice %arg10[%dma_wait3A_51, %dma_wait3A_52] : memref<20480x80xf32, #tpu.memory_space<hbm>> -> memref<40x80xf32, #tpu.memory_space<hbm>>
    tpu.wait_dma2 semaphore(%arg27 : memref<!tpu.dma_semaphore, #tpu.memory_space<semaphore_mem>>) src(%dma_wait3A_53 : memref<40x80xf32, #tpu.memory_space<hbm>>) dst(%arg19 : memref<40x80xf32, #tpu.memory_space<vmem>>)
    %dma_wait3A_54 = arith.constant 0 : i32
    %dma_wait3A_55 = arith.constant 0 : i32
    %dma_wait3A_56 = tpu.memref_slice %arg10[%dma_wait3A_54, %dma_wait3A_55] : memref<20480x80xf32, #tpu.memory_space<hbm>> -> memref<40x80xf32, #tpu.memory_space<hbm>>
    %dma_wait3A_57 = arith.constant 0 : i32
    %dma_wait3A_58 = arith.constant 0 : i32
    %dma_wait3A_59 = tpu.memref_slice %arg10[%dma_wait3A_57, %dma_wait3A_58] : memref<20480x80xf32, #tpu.memory_space<hbm>> -> memref<40x80xf32, #tpu.memory_space<hbm>>
    tpu.wait_dma2 semaphore(%arg28 : memref<!tpu.dma_semaphore, #tpu.memory_space<semaphore_mem>>) src(%dma_wait3A_59 : memref<40x80xf32, #tpu.memory_space<hbm>>) dst(%arg20 : memref<40x80xf32, #tpu.memory_space<vmem>>)
    %barrier3A_60 = arith.constant 0 : index
    tpu.barrier barrier_id(%barrier3A_60)
    %mul3A_61 = arith.constant 10240 : i32
    %mul3A_62 = arith.muli %arg0, %mul3A_61 : i32
    %add3A_63 = arith.addi %mul3A_62, %mul3A_14 : i32
    "tpu.region"() ({
      %run_scoped3A = tpu.sem_alloc : memref<!tpu.dma_semaphore, #tpu.memory_space<semaphore_mem>>
      %dma_start3A_64 = arith.constant 0 : i32
      %dma_start3A_65 = tpu.memref_slice %arg10[%add3A_63, %dma_start3A_64] : memref<20480x80xf32, #tpu.memory_space<hbm>> -> memref<640x80xf32, #tpu.memory_space<hbm>>
      %dma_start3A_66 = arith.constant 0 : i32
      %dma_start3A_67 = tpu.memref_slice %arg29[%mul3A_14, %dma_start3A_66] : memref<10240x80xf32, #tpu.memory_space<vmem_shared>> -> memref<640x80xf32, #tpu.memory_space<vmem_shared>>
      tpu.enqueue_dma source(%dma_start3A_67 : memref<640x80xf32, #tpu.memory_space<vmem_shared>>) target(%dma_start3A_65 : memref<640x80xf32, #tpu.memory_space<hbm>>) target_semaphore(%run_scoped3A : memref<!tpu.dma_semaphore, #tpu.memory_space<semaphore_mem>>)
      %dma_wait3A_68 = arith.constant 0 : i32
      %dma_wait3A_69 = tpu.memref_slice %arg10[%add3A_63, %dma_wait3A_68] : memref<20480x80xf32, #tpu.memory_space<hbm>> -> memref<640x80xf32, #tpu.memory_space<hbm>>
      %dma_wait3A_70 = arith.constant 0 : i32
      %dma_wait3A_71 = tpu.memref_slice %arg29[%mul3A_14, %dma_wait3A_70] : memref<10240x80xf32, #tpu.memory_space<vmem_shared>> -> memref<640x80xf32, #tpu.memory_space<vmem_shared>>
      tpu.wait_dma2 semaphore(%run_scoped3A : memref<!tpu.dma_semaphore, #tpu.memory_space<semaphore_mem>>) src(%dma_wait3A_71 : memref<640x80xf32, #tpu.memory_space<vmem_shared>>) dst(%dma_wait3A_69 : memref<640x80xf32, #tpu.memory_space<hbm>>)
      tpu.yield
    }) : () -> ()
    return
  }
}

module attributes {stable_mosaic.version = 14 : i64} {
  func.func @_proj_body(%arg0: i32, %arg1: memref<1000x128xf32, #tpu.memory_space<vmem>>, %arg2: memref<128x544xf32, #tpu.memory_space<vmem>>, %arg3: memref<1x544xf32, #tpu.memory_space<vmem>>, %arg4: memref<1000x128xf32, #tpu.memory_space<vmem>>, %arg5: memref<1000x128xf32, #tpu.memory_space<vmem>>, %arg6: memref<1000x80xf32, #tpu.memory_space<vmem>>, %arg7: memref<1000x80xf32, #tpu.memory_space<vmem>>, %arg8: memref<1000x64xf32, #tpu.memory_space<vmem>>, %arg9: memref<1000x64xf32, #tpu.memory_space<vmem>>) attributes {dimension_semantics = [#tpu.dimension_semantics<arbitrary>], iteration_bounds = array<i64: 10>, scalar_prefetch = 0 : i64, scratch_operands = 0 : i64, tpu.core_type = #tpu.core_type<tc>, window_params = [{transform_indices = @transform_0, window_bounds = array<i64: 1000, 128>}, {pipeline_mode = #tpu.pipeline_mode<synchronous>, transform_indices = @transform_1, window_bounds = array<i64: 128, 544>}, {pipeline_mode = #tpu.pipeline_mode<synchronous>, transform_indices = @transform_2, window_bounds = array<i64: 1, 544>}, {transform_indices = @transform_3, window_bounds = array<i64: 1000, 128>}, {transform_indices = @transform_4, window_bounds = array<i64: 1000, 128>}, {transform_indices = @transform_5, window_bounds = array<i64: 1000, 80>}, {transform_indices = @transform_6, window_bounds = array<i64: 1000, 80>}, {transform_indices = @transform_7, window_bounds = array<i64: 1000, 64>}, {transform_indices = @transform_8, window_bounds = array<i64: 1000, 64>}]} {
    %get3A = arith.constant 0 : index
    %get3A_0 = arith.constant 0 : index
    %get3A_1 = vector.load %arg1[%get3A, %get3A_0] : memref<1000x128xf32, #tpu.memory_space<vmem>>, vector<1000x128xf32>
    %get3A_2 = arith.constant 0 : index
    %get3A_3 = arith.constant 0 : index
    %get3A_4 = vector.load %arg2[%get3A_2, %get3A_3] : memref<128x544xf32, #tpu.memory_space<vmem>>, vector<128x544xf32>
    %dot_general3A = arith.constant dense<0.000000e+00> : vector<1000x544xf32>
    %dot_general3A_5 = tpu.matmul %get3A_1, %get3A_4, %dot_general3A {dimension_numbers = #tpu.dot_dimension_numbers<[1], [0], [0], [1], [0, 0, 1, 1], [], []>, transpose_lhs_hint = false} : vector<1000x128xf32>, vector<128x544xf32>, vector<1000x544xf32> -> vector<1000x544xf32>
    %get3A_6 = arith.constant 0 : index
    %get3A_7 = arith.constant 0 : index
    %get3A_8 = vector.load %arg3[%get3A_6, %get3A_7] : memref<1x544xf32, #tpu.memory_space<vmem>>, vector<1x544xf32>
    %add3A = vector.broadcast %get3A_8 : vector<1x544xf32> to vector<1000x544xf32>
    %add3A_9 = arith.addf %dot_general3A_5, %add3A : vector<1000x544xf32>
    %slice3A = vector.extract_strided_slice %add3A_9 {offsets = [0, 0], sizes = [1000, 128], strides = [1, 1]} : vector<1000x544xf32> to vector<1000x128xf32>
    %swap3A = arith.constant 0 : index
    %swap3A_10 = arith.constant 0 : index
    %swap3A_11 = vector.load %arg4[%swap3A, %swap3A_10] : memref<1000x128xf32, #tpu.memory_space<vmem>>, vector<1000x128xf32>
    tpu.vector_store %arg4[%swap3A, %swap3A_10], %slice3A {strides = array<i32>} : memref<1000x128xf32, #tpu.memory_space<vmem>>, vector<1000x128xf32>,
    %slice3A_12 = vector.extract_strided_slice %add3A_9 {offsets = [0, 128], sizes = [1000, 128], strides = [1, 1]} : vector<1000x544xf32> to vector<1000x128xf32>
    %swap3A_13 = arith.constant 0 : index
    %swap3A_14 = arith.constant 0 : index
    %swap3A_15 = vector.load %arg5[%swap3A_13, %swap3A_14] : memref<1000x128xf32, #tpu.memory_space<vmem>>, vector<1000x128xf32>
    tpu.vector_store %arg5[%swap3A_13, %swap3A_14], %slice3A_12 {strides = array<i32>} : memref<1000x128xf32, #tpu.memory_space<vmem>>, vector<1000x128xf32>,
    %slice3A_16 = vector.extract_strided_slice %add3A_9 {offsets = [0, 256], sizes = [1000, 80], strides = [1, 1]} : vector<1000x544xf32> to vector<1000x80xf32>
    %swap3A_17 = arith.constant 0 : index
    %swap3A_18 = arith.constant 0 : index
    %swap3A_19 = vector.load %arg6[%swap3A_17, %swap3A_18] : memref<1000x80xf32, #tpu.memory_space<vmem>>, vector<1000x80xf32>
    tpu.vector_store %arg6[%swap3A_17, %swap3A_18], %slice3A_16 {strides = array<i32>} : memref<1000x80xf32, #tpu.memory_space<vmem>>, vector<1000x80xf32>,
    %slice3A_20 = vector.extract_strided_slice %add3A_9 {offsets = [0, 336], sizes = [1000, 80], strides = [1, 1]} : vector<1000x544xf32> to vector<1000x80xf32>
    %swap3A_21 = arith.constant 0 : index
    %swap3A_22 = arith.constant 0 : index
    %swap3A_23 = vector.load %arg7[%swap3A_21, %swap3A_22] : memref<1000x80xf32, #tpu.memory_space<vmem>>, vector<1000x80xf32>
    tpu.vector_store %arg7[%swap3A_21, %swap3A_22], %slice3A_20 {strides = array<i32>} : memref<1000x80xf32, #tpu.memory_space<vmem>>, vector<1000x80xf32>,
    %slice3A_24 = vector.extract_strided_slice %add3A_9 {offsets = [0, 416], sizes = [1000, 64], strides = [1, 1]} : vector<1000x544xf32> to vector<1000x64xf32>
    %swap3A_25 = arith.constant 0 : index
    %swap3A_26 = arith.constant 0 : index
    %swap3A_27 = vector.load %arg8[%swap3A_25, %swap3A_26] : memref<1000x64xf32, #tpu.memory_space<vmem>>, vector<1000x64xf32>
    tpu.vector_store %arg8[%swap3A_25, %swap3A_26], %slice3A_24 {strides = array<i32>} : memref<1000x64xf32, #tpu.memory_space<vmem>>, vector<1000x64xf32>,
    %slice3A_28 = vector.extract_strided_slice %add3A_9 {offsets = [0, 480], sizes = [1000, 64], strides = [1, 1]} : vector<1000x544xf32> to vector<1000x64xf32>
    %swap3A_29 = arith.constant 0 : index
    %swap3A_30 = arith.constant 0 : index
    %swap3A_31 = vector.load %arg9[%swap3A_29, %swap3A_30] : memref<1000x64xf32, #tpu.memory_space<vmem>>, vector<1000x64xf32>
    tpu.vector_store %arg9[%swap3A_29, %swap3A_30], %slice3A_28 {strides = array<i32>} : memref<1000x64xf32, #tpu.memory_space<vmem>>, vector<1000x64xf32>,
    return
  }
  func.func @transform_0(%arg0: i32) -> (i32, i32) {
    %c0_i32 = arith.constant 0 : i32
    %c0_i32_0 = arith.constant 0 : i32
    return %arg0, %c0_i32 : i32, i32
  }
  func.func @transform_1(%arg0: i32) -> (i32, i32) {
    %c0_i32 = arith.constant 0 : i32
    %c0_i32_0 = arith.constant 0 : i32
    %c0_i32_1 = arith.constant 0 : i32
    return %c0_i32, %c0_i32_0 : i32, i32
  }
  func.func @transform_2(%arg0: i32) -> (i32, i32) {
    %c0_i32 = arith.constant 0 : i32
    %c0_i32_0 = arith.constant 0 : i32
    %c0_i32_1 = arith.constant 0 : i32
    return %c0_i32, %c0_i32_0 : i32, i32
  }
  func.func @transform_3(%arg0: i32) -> (i32, i32) {
    %c0_i32 = arith.constant 0 : i32
    %c0_i32_0 = arith.constant 0 : i32
    return %arg0, %c0_i32 : i32, i32
  }
  func.func @transform_4(%arg0: i32) -> (i32, i32) {
    %c0_i32 = arith.constant 0 : i32
    %c0_i32_0 = arith.constant 0 : i32
    return %arg0, %c0_i32 : i32, i32
  }
  func.func @transform_5(%arg0: i32) -> (i32, i32) {
    %c0_i32 = arith.constant 0 : i32
    %c0_i32_0 = arith.constant 0 : i32
    return %arg0, %c0_i32 : i32, i32
  }
  func.func @transform_6(%arg0: i32) -> (i32, i32) {
    %c0_i32 = arith.constant 0 : i32
    %c0_i32_0 = arith.constant 0 : i32
    return %arg0, %c0_i32 : i32, i32
  }
  func.func @transform_7(%arg0: i32) -> (i32, i32) {
    %c0_i32 = arith.constant 0 : i32
    %c0_i32_0 = arith.constant 0 : i32
    return %arg0, %c0_i32 : i32, i32
  }
  func.func @transform_8(%arg0: i32) -> (i32, i32) {
    %c0_i32 = arith.constant 0 : i32
    %c0_i32_0 = arith.constant 0 : i32
    return %arg0, %c0_i32 : i32, i32
  }
}

module attributes {stable_mosaic.version = 14 : i64} {
  func.func @_fin_body(%arg0: i32, %arg1: memref<1x1000x80xf32, #tpu.memory_space<vmem>>, %arg2: memref<1x1000x80xf32, #tpu.memory_space<vmem>>, %arg3: memref<1000x64xf32, #tpu.memory_space<vmem>>, %arg4: memref<1000x64xf32, #tpu.memory_space<vmem>>, %arg5: memref<4x64xf32, #tpu.memory_space<vmem>>, %arg6: memref<4x64xf32, #tpu.memory_space<vmem>>, %arg7: memref<64x1xf32, #tpu.memory_space<vmem>>, %arg8: memref<64x1xf32, #tpu.memory_space<vmem>>, %arg9: memref<64x1xf32, #tpu.memory_space<vmem>>, %arg10: memref<64x1xf32, #tpu.memory_space<vmem>>, %arg11: memref<64x128xf32, #tpu.memory_space<vmem>>, %arg12: memref<64x128xf32, #tpu.memory_space<vmem>>, %arg13: memref<1x128xf32, #tpu.memory_space<vmem>>, %arg14: memref<1000x128xf32, #tpu.memory_space<vmem>>) attributes {dimension_semantics = [#tpu.dimension_semantics<arbitrary>], iteration_bounds = array<i64: 10>, scalar_prefetch = 0 : i64, scratch_operands = 0 : i64, tpu.core_type = #tpu.core_type<tc>, window_params = [{transform_indices = @transform_0, window_bounds = array<i64: 1, 1000, 80>}, {transform_indices = @transform_1, window_bounds = array<i64: 1, 1000, 80>}, {transform_indices = @transform_2, window_bounds = array<i64: 1000, 64>}, {transform_indices = @transform_3, window_bounds = array<i64: 1000, 64>}, {pipeline_mode = #tpu.pipeline_mode<synchronous>, transform_indices = @transform_4, window_bounds = array<i64: 4, 64>}, {pipeline_mode = #tpu.pipeline_mode<synchronous>, transform_indices = @transform_5, window_bounds = array<i64: 4, 64>}, {pipeline_mode = #tpu.pipeline_mode<synchronous>, transform_indices = @transform_6, window_bounds = array<i64: 64, 1>}, {pipeline_mode = #tpu.pipeline_mode<synchronous>, transform_indices = @transform_7, window_bounds = array<i64: 64, 1>}, {pipeline_mode = #tpu.pipeline_mode<synchronous>, transform_indices = @transform_8, window_bounds = array<i64: 64, 1>}, {pipeline_mode = #tpu.pipeline_mode<synchronous>, transform_indices = @transform_9, window_bounds = array<i64: 64, 1>}, {pipeline_mode = #tpu.pipeline_mode<synchronous>, transform_indices = @transform_10, window_bounds = array<i64: 64, 128>}, {pipeline_mode = #tpu.pipeline_mode<synchronous>, transform_indices = @transform_11, window_bounds = array<i64: 64, 128>}, {pipeline_mode = #tpu.pipeline_mode<synchronous>, transform_indices = @transform_12, window_bounds = array<i64: 1, 128>}, {transform_indices = @transform_13, window_bounds = array<i64: 1000, 128>}]} {
    %get3A = arith.constant 0 : index
    %get3A_0 = arith.constant 0 : index
    %get3A_1 = arith.constant 0 : index
    %get3A_2 = vector.load %arg1[%get3A, %get3A_0, %get3A_1] : memref<1x1000x80xf32, #tpu.memory_space<vmem>>, vector<1x1000x80xf32>
    %get3A_3 = vector.shape_cast %get3A_2 : vector<1x1000x80xf32> to vector<1000x80xf32>
    %get3A_4 = arith.constant 0 : index
    %get3A_5 = arith.constant 0 : index
    %get3A_6 = arith.constant 0 : index
    %get3A_7 = vector.load %arg2[%get3A_4, %get3A_5, %get3A_6] : memref<1x1000x80xf32, #tpu.memory_space<vmem>>, vector<1x1000x80xf32>
    %get3A_8 = vector.shape_cast %get3A_7 : vector<1x1000x80xf32> to vector<1000x80xf32>
    %slice3A = vector.extract_strided_slice %get3A_3 {offsets = [0, 0], sizes = [1000, 64], strides = [1, 1]} : vector<1000x80xf32> to vector<1000x64xf32>
    %slice3A_9 = vector.extract_strided_slice %get3A_8 {offsets = [0, 0], sizes = [1000, 64], strides = [1, 1]} : vector<1000x80xf32> to vector<1000x64xf32>
    %slice3A_10 = vector.extract_strided_slice %get3A_3 {offsets = [0, 64], sizes = [1000, 4], strides = [1, 1]} : vector<1000x80xf32> to vector<1000x4xf32>
    %slice3A_11 = vector.extract_strided_slice %get3A_8 {offsets = [0, 64], sizes = [1000, 4], strides = [1, 1]} : vector<1000x80xf32> to vector<1000x4xf32>
    %slice3A_12 = vector.extract_strided_slice %get3A_3 {offsets = [0, 68], sizes = [1000, 1], strides = [1, 1]} : vector<1000x80xf32> to vector<1000x1xf32>
    %slice3A_13 = vector.extract_strided_slice %get3A_8 {offsets = [0, 68], sizes = [1000, 1], strides = [1, 1]} : vector<1000x80xf32> to vector<1000x1xf32>
    %get3A_14 = arith.constant 0 : index
    %get3A_15 = arith.constant 0 : index
    %get3A_16 = vector.load %arg5[%get3A_14, %get3A_15] : memref<4x64xf32, #tpu.memory_space<vmem>>, vector<4x64xf32>
    %dot_general3A = arith.constant dense<0.000000e+00> : vector<1000x64xf32>
    %dot_general3A_17 = tpu.matmul %slice3A_10, %get3A_16, %dot_general3A {dimension_numbers = #tpu.dot_dimension_numbers<[1], [0], [0], [1], [0, 0, 1, 1], [], []>, transpose_lhs_hint = false} : vector<1000x4xf32>, vector<4x64xf32>, vector<1000x64xf32> -> vector<1000x64xf32>
    %add3A = arith.addf %slice3A, %dot_general3A_17 : vector<1000x64xf32>
    %add3A_18 = arith.constant 1.000000e-16 : f32
    %add3A_19 = vector.broadcast %add3A_18 : f32 to vector<1000x1xf32>
    %add3A_20 = arith.addf %slice3A_12, %add3A_19 : vector<1000x1xf32>
    %div3A = vector.broadcast %add3A_20 : vector<1000x1xf32> to vector<1000x64xf32>
    %div3A_21 = arith.divf %add3A, %div3A : vector<1000x64xf32>
    %get3A_22 = arith.constant 0 : index
    %get3A_23 = arith.constant 0 : index
    %get3A_24 = vector.load %arg6[%get3A_22, %get3A_23] : memref<4x64xf32, #tpu.memory_space<vmem>>, vector<4x64xf32>
    %dot_general3A_25 = arith.constant dense<0.000000e+00> : vector<1000x64xf32>
    %dot_general3A_26 = tpu.matmul %slice3A_11, %get3A_24, %dot_general3A_25 {dimension_numbers = #tpu.dot_dimension_numbers<[1], [0], [0], [1], [0, 0, 1, 1], [], []>, transpose_lhs_hint = false} : vector<1000x4xf32>, vector<4x64xf32>, vector<1000x64xf32> -> vector<1000x64xf32>
    %add3A_27 = arith.addf %slice3A_9, %dot_general3A_26 : vector<1000x64xf32>
    %add3A_28 = arith.constant 1.000000e-16 : f32
    %add3A_29 = vector.broadcast %add3A_28 : f32 to vector<1000x1xf32>
    %add3A_30 = arith.addf %slice3A_13, %add3A_29 : vector<1000x1xf32>
    %div3A_31 = vector.broadcast %add3A_30 : vector<1000x1xf32> to vector<1000x64xf32>
    %div3A_32 = arith.divf %add3A_27, %div3A_31 : vector<1000x64xf32>
    %get3A_33 = arith.constant 0 : index
    %get3A_34 = arith.constant 0 : index
    %get3A_35 = vector.load %arg3[%get3A_33, %get3A_34] : memref<1000x64xf32, #tpu.memory_space<vmem>>, vector<1000x64xf32>
    %get3A_36 = arith.constant 0 : index
    %get3A_37 = arith.constant 0 : index
    %get3A_38 = vector.load %arg4[%get3A_36, %get3A_37] : memref<1000x64xf32, #tpu.memory_space<vmem>>, vector<1000x64xf32>
    %get3A_39 = arith.constant 0 : index
    %get3A_40 = arith.constant 0 : index
    %get3A_41 = vector.load %arg7[%get3A_39, %get3A_40] : memref<64x1xf32, #tpu.memory_space<vmem>>, vector<64x1xf32>
    %dot_general3A_42 = arith.constant dense<0.000000e+00> : vector<1000x1xf32>
    %dot_general3A_43 = tpu.matmul %div3A_21, %get3A_41, %dot_general3A_42 {dimension_numbers = #tpu.dot_dimension_numbers<[1], [0], [0], [1], [0, 0, 1, 1], [], []>, transpose_lhs_hint = false} : vector<1000x64xf32>, vector<64x1xf32>, vector<1000x1xf32> -> vector<1000x1xf32>
    %get3A_44 = arith.constant 0 : index
    %get3A_45 = arith.constant 0 : index
    %get3A_46 = vector.load %arg8[%get3A_44, %get3A_45] : memref<64x1xf32, #tpu.memory_space<vmem>>, vector<64x1xf32>
    %dot_general3A_47 = arith.constant dense<0.000000e+00> : vector<1000x1xf32>
    %dot_general3A_48 = tpu.matmul %get3A_35, %get3A_46, %dot_general3A_47 {dimension_numbers = #tpu.dot_dimension_numbers<[1], [0], [0], [1], [0, 0, 1, 1], [], []>, transpose_lhs_hint = false} : vector<1000x64xf32>, vector<64x1xf32>, vector<1000x1xf32> -> vector<1000x1xf32>
    %add3A_49 = arith.addf %dot_general3A_43, %dot_general3A_48 : vector<1000x1xf32>
    %logistic3A = arith.negf %add3A_49 : vector<1000x1xf32>
    %logistic3A_50 = math.exp %logistic3A : vector<1000x1xf32>
    %logistic3A_51 = arith.constant 1.000000e+00 : f32
    %logistic3A_52 = vector.broadcast %logistic3A_51 : f32 to vector<1000x1xf32>
    %logistic3A_53 = arith.addf %logistic3A_52, %logistic3A_50 : vector<1000x1xf32>
    %logistic3A_54 = arith.divf %logistic3A_52, %logistic3A_53 : vector<1000x1xf32>
    %get3A_55 = arith.constant 0 : index
    %get3A_56 = arith.constant 0 : index
    %get3A_57 = vector.load %arg9[%get3A_55, %get3A_56] : memref<64x1xf32, #tpu.memory_space<vmem>>, vector<64x1xf32>
    %dot_general3A_58 = arith.constant dense<0.000000e+00> : vector<1000x1xf32>
    %dot_general3A_59 = tpu.matmul %div3A_32, %get3A_57, %dot_general3A_58 {dimension_numbers = #tpu.dot_dimension_numbers<[1], [0], [0], [1], [0, 0, 1, 1], [], []>, transpose_lhs_hint = false} : vector<1000x64xf32>, vector<64x1xf32>, vector<1000x1xf32> -> vector<1000x1xf32>
    %get3A_60 = arith.constant 0 : index
    %get3A_61 = arith.constant 0 : index
    %get3A_62 = vector.load %arg10[%get3A_60, %get3A_61] : memref<64x1xf32, #tpu.memory_space<vmem>>, vector<64x1xf32>
    %dot_general3A_63 = arith.constant dense<0.000000e+00> : vector<1000x1xf32>
    %dot_general3A_64 = tpu.matmul %get3A_38, %get3A_62, %dot_general3A_63 {dimension_numbers = #tpu.dot_dimension_numbers<[1], [0], [0], [1], [0, 0, 1, 1], [], []>, transpose_lhs_hint = false} : vector<1000x64xf32>, vector<64x1xf32>, vector<1000x1xf32> -> vector<1000x1xf32>
    %add3A_65 = arith.addf %dot_general3A_59, %dot_general3A_64 : vector<1000x1xf32>
    %logistic3A_66 = arith.negf %add3A_65 : vector<1000x1xf32>
    %logistic3A_67 = math.exp %logistic3A_66 : vector<1000x1xf32>
    %logistic3A_68 = arith.constant 1.000000e+00 : f32
    %logistic3A_69 = vector.broadcast %logistic3A_68 : f32 to vector<1000x1xf32>
    %logistic3A_70 = arith.addf %logistic3A_69, %logistic3A_67 : vector<1000x1xf32>
    %logistic3A_71 = arith.divf %logistic3A_69, %logistic3A_70 : vector<1000x1xf32>
    %mul3A = vector.broadcast %logistic3A_54 : vector<1000x1xf32> to vector<1000x64xf32>
    %mul3A_72 = arith.mulf %mul3A, %get3A_35 : vector<1000x64xf32>
    %sub3A = arith.constant 1.000000e+00 : f32
    %sub3A_73 = vector.broadcast %sub3A : f32 to vector<1000x1xf32>
    %sub3A_74 = arith.subf %sub3A_73, %logistic3A_54 : vector<1000x1xf32>
    %mul3A_75 = vector.broadcast %sub3A_74 : vector<1000x1xf32> to vector<1000x64xf32>
    %mul3A_76 = arith.mulf %mul3A_75, %div3A_21 : vector<1000x64xf32>
    %add3A_77 = arith.addf %mul3A_72, %mul3A_76 : vector<1000x64xf32>
    %mul3A_78 = vector.broadcast %logistic3A_71 : vector<1000x1xf32> to vector<1000x64xf32>
    %mul3A_79 = arith.mulf %mul3A_78, %get3A_38 : vector<1000x64xf32>
    %sub3A_80 = arith.constant 1.000000e+00 : f32
    %sub3A_81 = vector.broadcast %sub3A_80 : f32 to vector<1000x1xf32>
    %sub3A_82 = arith.subf %sub3A_81, %logistic3A_71 : vector<1000x1xf32>
    %mul3A_83 = vector.broadcast %sub3A_82 : vector<1000x1xf32> to vector<1000x64xf32>
    %mul3A_84 = arith.mulf %mul3A_83, %div3A_32 : vector<1000x64xf32>
    %add3A_85 = arith.addf %mul3A_79, %mul3A_84 : vector<1000x64xf32>
    %get3A_86 = arith.constant 0 : index
    %get3A_87 = arith.constant 0 : index
    %get3A_88 = vector.load %arg11[%get3A_86, %get3A_87] : memref<64x128xf32, #tpu.memory_space<vmem>>, vector<64x128xf32>
    %dot_general3A_89 = arith.constant dense<0.000000e+00> : vector<1000x128xf32>
    %dot_general3A_90 = tpu.matmul %add3A_77, %get3A_88, %dot_general3A_89 {dimension_numbers = #tpu.dot_dimension_numbers<[1], [0], [0], [1], [0, 0, 1, 1], [], []>, transpose_lhs_hint = false} : vector<1000x64xf32>, vector<64x128xf32>, vector<1000x128xf32> -> vector<1000x128xf32>
    %get3A_91 = arith.constant 0 : index
    %get3A_92 = arith.constant 0 : index
    %get3A_93 = vector.load %arg12[%get3A_91, %get3A_92] : memref<64x128xf32, #tpu.memory_space<vmem>>, vector<64x128xf32>
    %dot_general3A_94 = arith.constant dense<0.000000e+00> : vector<1000x128xf32>
    %dot_general3A_95 = tpu.matmul %add3A_85, %get3A_93, %dot_general3A_94 {dimension_numbers = #tpu.dot_dimension_numbers<[1], [0], [0], [1], [0, 0, 1, 1], [], []>, transpose_lhs_hint = false} : vector<1000x64xf32>, vector<64x128xf32>, vector<1000x128xf32> -> vector<1000x128xf32>
    %add3A_96 = arith.addf %dot_general3A_90, %dot_general3A_95 : vector<1000x128xf32>
    %get3A_97 = arith.constant 0 : index
    %get3A_98 = arith.constant 0 : index
    %get3A_99 = vector.load %arg13[%get3A_97, %get3A_98] : memref<1x128xf32, #tpu.memory_space<vmem>>, vector<1x128xf32>
    %add3A_100 = vector.broadcast %get3A_99 : vector<1x128xf32> to vector<1000x128xf32>
    %add3A_101 = arith.addf %add3A_96, %add3A_100 : vector<1000x128xf32>
    %swap3A = arith.constant 0 : index
    %swap3A_102 = arith.constant 0 : index
    %swap3A_103 = vector.load %arg14[%swap3A, %swap3A_102] : memref<1000x128xf32, #tpu.memory_space<vmem>>, vector<1000x128xf32>
    tpu.vector_store %arg14[%swap3A, %swap3A_102], %add3A_101 {strides = array<i32>} : memref<1000x128xf32, #tpu.memory_space<vmem>>, vector<1000x128xf32>,
    return
  }
  func.func @transform_0(%arg0: i32) -> (i32, i32, i32) {
    %c0_i32 = arith.constant 0 : i32
    %c0_i32_0 = arith.constant 0 : i32
    %c0_i32_1 = arith.constant 0 : i32
    return %c0_i32, %arg0, %c0_i32_0 : i32, i32, i32
  }
  func.func @transform_1(%arg0: i32) -> (i32, i32, i32) {
    %c1_i32 = arith.constant 1 : i32
    %c0_i32 = arith.constant 0 : i32
    %c0_i32_0 = arith.constant 0 : i32
    return %c1_i32, %arg0, %c0_i32 : i32, i32, i32
  }
  func.func @transform_2(%arg0: i32) -> (i32, i32) {
    %c0_i32 = arith.constant 0 : i32
    %c0_i32_0 = arith.constant 0 : i32
    return %arg0, %c0_i32 : i32, i32
  }
  func.func @transform_3(%arg0: i32) -> (i32, i32) {
    %c0_i32 = arith.constant 0 : i32
    %c0_i32_0 = arith.constant 0 : i32
    return %arg0, %c0_i32 : i32, i32
  }
  func.func @transform_4(%arg0: i32) -> (i32, i32) {
    %c0_i32 = arith.constant 0 : i32
    %c0_i32_0 = arith.constant 0 : i32
    %c0_i32_1 = arith.constant 0 : i32
    return %c0_i32, %c0_i32_0 : i32, i32
  }
  func.func @transform_5(%arg0: i32) -> (i32, i32) {
    %c0_i32 = arith.constant 0 : i32
    %c0_i32_0 = arith.constant 0 : i32
    %c0_i32_1 = arith.constant 0 : i32
    return %c0_i32, %c0_i32_0 : i32, i32
  }
  func.func @transform_6(%arg0: i32) -> (i32, i32) {
    %c0_i32 = arith.constant 0 : i32
    %c0_i32_0 = arith.constant 0 : i32
    %c0_i32_1 = arith.constant 0 : i32
    return %c0_i32, %c0_i32_0 : i32, i32
  }
  func.func @transform_7(%arg0: i32) -> (i32, i32) {
    %c0_i32 = arith.constant 0 : i32
    %c0_i32_0 = arith.constant 0 : i32
    %c0_i32_1 = arith.constant 0 : i32
    return %c0_i32, %c0_i32_0 : i32, i32
  }
  func.func @transform_8(%arg0: i32) -> (i32, i32) {
    %c0_i32 = arith.constant 0 : i32
    %c0_i32_0 = arith.constant 0 : i32
    %c0_i32_1 = arith.constant 0 : i32
    return %c0_i32, %c0_i32_0 : i32, i32
  }
  func.func @transform_9(%arg0: i32) -> (i32, i32) {
    %c0_i32 = arith.constant 0 : i32
    %c0_i32_0 = arith.constant 0 : i32
    %c0_i32_1 = arith.constant 0 : i32
    return %c0_i32, %c0_i32_0 : i32, i32
  }
  func.func @transform_10(%arg0: i32) -> (i32, i32) {
    %c0_i32 = arith.constant 0 : i32
    %c0_i32_0 = arith.constant 0 : i32
    %c0_i32_1 = arith.constant 0 : i32
    return %c0_i32, %c0_i32_0 : i32, i32
  }
  func.func @transform_11(%arg0: i32) -> (i32, i32) {
    %c0_i32 = arith.constant 0 : i32
    %c0_i32_0 = arith.constant 0 : i32
    %c0_i32_1 = arith.constant 0 : i32
    return %c0_i32, %c0_i32_0 : i32, i32
  }
  func.func @transform_12(%arg0: i32) -> (i32, i32) {
    %c0_i32 = arith.constant 0 : i32
    %c0_i32_0 = arith.constant 0 : i32
    %c0_i32_1 = arith.constant 0 : i32
    return %c0_i32, %c0_i32_0 : i32, i32
  }
  func.func @transform_13(%arg0: i32) -> (i32, i32) {
    %c0_i32 = arith.constant 0 : i32
    %c0_i32_0 = arith.constant 0 : i32
    return %arg0, %c0_i32 : i32, i32
  }
}

</mosaic_0001>

<sc_bundles>
// kernel: kernel.5.cloned.1.call-start
scs
__scs_entry_jumppad:
0x0: {  	(pc) =	sbr.rel $0x88, $3  }
0x1: {  	(tag) =	ssettag $0x0;
	lr =	simm.s32 $0x1  }
0x2: {  	[smem:$0x3F88] =	sst lr;
	_ =	strace $0xD0000000  }
0x3: {  	_ = 	snop  }
0x4: {  	_ = 	snop  }
0x5: {  	_ = 	snop  }
0x6: {  	_ = 	snop  }
0x7: {  	_ = 	snop  }
__scs_overlays_trampoline_lowered:
0x8: {  	[smem:$0x3F97] =	sst s0  }
0x9: {  	[smem:$0x3F98] =	sst s1  }
0xa: {  	[smem:$0x3F99] =	sst s2  }
0xb: {  	[smem:$0x3F9A] =	sst s3  }
0xc: {  	[smem:$0x3F9B] =	sst s4  }
0xd: {  	[smem:$0x3F9C] =	sst s5  }
0xe: {  	[smem:$0x3F9D] =	sst s6  }
0xf: {  	[smem:$0x3F9E] =	sst s7  }
0x10: {  	[smem:$0x3F9F] =	sst s8  }
0x11: {  	[smem:$0x3FA0] =	sst s9;
	s0 =	simm.s32 @!p0 $0x0  }
0x12: {  	s1 =	sld [smem:$0x3F86];
	s0 =	simm.s32 @p0 $0x1  }
0x13: {  	[smem:$0x3FA1] =	sst s0;
	s0 =	simm.s32 @!p1 $0x0  }
0x14: {  	s2 =	sld [smem:$0x3F85];
	s0 =	simm.s32 @p1 $0x1  }
0x15: {  	[smem:$0x3FA2] =	sst s0;
	s0 =	simm.s32 @!p2 $0x0  }
0x16: {  	s3 =	sld [smem:$0x3FDB];
	s0 =	simm.s32 @p2 $0x1  }
0x17: {  	s4 =	simm.s32 $0x1BF5;
	[smem:$0x3FA4] =	sst s0  }
0x18: {  	s0 =	sld [smem:$0x3F87];
	_ =	swait.ge [sflag:s4], $0x0  }
0x19: {  	s7 =	sld [smem:$0x3F88]  }
0x1a: {  	s8 =	sadd.s32 $0xFFFFE003, lr  }
0x1b: {  	s9 =	sadd.s32 $0xFFFFFEF7, lr;
	s5 =	simm.s32 $0xFFFFFFFF;
	p2 =	slt.u32 s8, $0xFFFFF086  }
0x1c: {  	p1 =	slt.u32 s9, $0xF7A;
	s5 =	simm.s32 @!p2 $0x0  }
0x1d: {  	s5 =	simm.s32 @p1 $0x1;
	p0 =	seq.s32 s7, s2  }
0x1e: {  	s7 =	smul.u32 @!p0 $0xF7A, s2;
	p2 =	seq.s32 @!p0 s5, $0x0  }
0x1f: {  	s9 =	smul.u32 $0xF7A, s1;
	s8 =	simm.s32 @!p0 $0x1BF5;
	p2 =	por !p2, p0  }
0x20: {  	[sflag:s8] =	ssyncset.s32 @!p0 $0xFFFFF086;
	s6 =	sadd.s32 @!p0 s3, s7;
	s7 =	simm.s32 @!p0 $0x108  }
0x21: {  	s3 =	sadd.s32 s3, s9;
	s6 =	sadd.s32 @!p0 $0x88, s6;
	s7 =	simm.s32 @p2 $0x1082  }
0x22: {  	[simem:s7], [sflag:s8] =	dma.local @!p0 [hbm:s6], $0xF7A  }
0x23: {  	s9 =	sor.u32 $0xD0000000, s2;
	s6 =	simm.s32 $0x108;
	_ =	swait.ge @!p0 [sflag:s8], $0x0  }
0x24: {  	s3 =	sadd.s32 $0x88, s3;
	s6 =	simm.s32 @!p1 $0x1082;
	[sflag:s4] =	ssyncset.s32 $0xFFFFF086  }
0x25: {  	[simem:s6], [sflag:s4] =	dma.local [hbm:s3], $0xF7A  }
0x26: {  	[smem:$0x3F88] =	sst s1;
	(tag) =	ssettag s2;
	_ =	strace s9  }
0x27: {  	s1 =	sld [smem:$0x3F98]  }
0x28: {  	s2 =	sld [smem:$0x3F99]  }
0x29: {  	s4 =	sld [smem:$0x3F9B]  }
0x2a: {  	p0 =	seq.s32 s5, $0x0;
	s5 =	sld [smem:$0x3F9C]  }
0x2b: {  	s6 =	sld [smem:$0x3F9D]  }
0x2c: {  	s7 =	sld [smem:$0x3F9E]  }
0x2d: {  	s3 =	simm.s32 $0x108;
	s8 =	sld [smem:$0x3F9F]  }
0x2e: {  	s3 =	simm.s32 @!p0 $0x1082;
	s9 =	sld [smem:$0x3FA0]  }
0x2f: {  	lr =	sadd.s32 s0, s3;
	s0 =	sld [smem:$0x3F97]  }
0x30: {  	s3 =	sld [smem:$0x3F9A]  }
0x31: {  	[smem:$0x3FA3] =	sst s10  }
0x32: {  	s10 =	sld [smem:$0x3FA1];
	_ =	sdelay $0x3  }
0x33: {  	p0 =	seq.s32 s10, $0x1;
	s10 =	sld [smem:$0x3FA3];
	_ =	sdelay $0x3  }
0x34: {  	[smem:$0x3FA3] =	sst s10  }
0x35: {  	s10 =	sld [smem:$0x3FA2];
	_ =	sdelay $0x3  }
0x36: {  	p1 =	seq.s32 s10, $0x1;
	s10 =	sld [smem:$0x3FA3];
	_ =	sdelay $0x3  }
0x37: {  	[smem:$0x3FA3] =	sst s10  }
0x38: {  	s10 =	sld [smem:$0x3FA4]  }
0x39: {  	_ = 	snop;
	(pc) =	sbr.ind lr, $3  }
0x3a: {  	_ = 	snop  }
0x3b: {  	_ = 	snop  }
0x3c: {  	p2 =	seq.s32 s10, $0x1;
	s10 =	sld [smem:$0x3FA3]  }
0x3d: {  	_ =	shalt  }
0x3e: {  	_ =	shalt  }
0x3f: {  	_ =	shalt  }
0x40: {  	_ =	shalt  }
0x41: {  	_ =	shalt  }
0x42: {  	_ =	shalt  }
0x43: {  	_ =	shalt  }
0x44: {  	_ =	shalt  }
0x45: {  	_ =	shalt  }
0x46: {  	_ =	shalt  }
0x47: {  	_ =	shalt  }
0x48: {  	_ =	shalt  }
0x49: {  	_ =	shalt  }
0x4a: {  	_ =	shalt  }
0x4b: {  	_ =	shalt  }
0x4c: {  	_ =	shalt  }
0x4d: {  	_ =	shalt  }
0x4e: {  	_ =	shalt  }
0x4f: {  	_ =	shalt  }
0x50: {  	_ =	shalt  }
0x51: {  	_ =	shalt  }
0x52: {  	_ =	shalt  }
0x53: {  	_ =	shalt  }
0x54: {  	_ =	shalt  }
0x55: {  	_ =	shalt  }
0x56: {  	_ =	shalt  }
0x57: {  	_ =	shalt  }
0x58: {  	_ =	shalt  }
0x59: {  	_ =	shalt  }
0x5a: {  	_ =	shalt  }
0x5b: {  	_ =	shalt  }
0x5c: {  	_ =	shalt  }
0x5d: {  	_ =	shalt  }
0x5e: {  	_ =	shalt  }
0x5f: {  	_ =	shalt  }
0x60: {  	_ =	shalt  }
0x61: {  	_ =	shalt  }
0x62: {  	_ =	shalt  }
0x63: {  	_ =	shalt  }
0x64: {  	_ =	shalt  }
0x65: {  	_ =	shalt  }
0x66: {  	_ =	shalt  }
0x67: {  	_ =	shalt  }
0x68: {  	_ =	shalt  }
0x69: {  	_ =	shalt  }
0x6a: {  	_ =	shalt  }
0x6b: {  	_ =	shalt  }
0x6c: {  	_ =	shalt  }
0x6d: {  	_ =	shalt  }
0x6e: {  	_ =	shalt  }
0x6f: {  	_ =	shalt  }
0x70: {  	_ =	shalt  }
0x71: {  	_ =	shalt  }
0x72: {  	_ =	shalt  }
0x73: {  	_ =	shalt  }
0x74: {  	_ =	shalt  }
0x75: {  	_ =	shalt  }
0x76: {  	_ =	shalt  }
0x77: {  	_ =	shalt  }
0x78: {  	_ =	shalt  }
0x79: {  	_ =	shalt  }
0x7a: {  	_ =	shalt  }
0x7b: {  	_ =	shalt  }
0x7c: {  	_ =	shalt  }
0x7d: {  	_ =	shalt  }
0x7e: {  	_ =	shalt  }
0x7f: {  	_ =	shalt  }
0x80: {  	_ =	shalt  }
0x81: {  	_ =	shalt  }
0x82: {  	_ =	shalt  }
0x83: {  	_ =	shalt  }
0x84: {  	_ =	shalt  }
0x85: {  	_ =	shalt  }
0x86: {  	_ =	shalt  }
0x87: {  	_ =	shalt  }
.Lfunc_end0:
.L_simem_size_0:
called_computation_lowered:
.L_overlay_start_0:
0x88: {  	s2 =	sld [smem:$0x3FD9]  }
0x89: {  	s3 =	sld [smem:$0x3FFE];
	_ =	sdelay $0x1  }
0x8a: {  	s1 =	srdreg.scid  }
0x8b: {  	s0 =	sand.u32 $0x1, s1  }
0x8c: {  	s16 =	sshll.u32 s0, $0xA;
	s2 =	sadd.s32 s3, s2  }
0x8d: {  	s2 =	sadd.s32 s2, s16  }
0x8e: {  	[smem:$0x3FAF] =	sst s2  }
0x8f: {  	_ = 	snop  }
0x90: {  	(tm) =	ssettm $0x1  }
0x91: {  	s17 =	sld [smem:$0x3FFB];
	_ =	sdelay $0x3  }
0x92: {  	_ =	strace s17  }
0x93: {  	s2 =	sld [smem:$0x3FFC];
	_ =	sdelay $0x3  }
0x94: {  	_ =	strace s2  }
0x95: {  	s2 =	sld [smem:$0x3FFD];
	_ =	sdelay $0x3  }
0x96: {  	_ =	strace s2  }
0x97: {  	_ =	strace $0x8FFFFFFF  }
0x98: {  	s18 =	sld [smem:$0x3FDB];
	_ =	sdelay $0x1  }
0x99: {  	s19 =	simm.s32 $_scs_section_size  }
0x9a: {  	s4 =	simm.s32 $_size__tile_overlayer_lowered;
	s5 =	simm.s32 $_tile_overlayer_lowered  }
0x9b: {  	s22 =	simm.s32 $0x1BFF;
	s21 =	sshll.u32 s5, $0x1;
	s2 =	sadd.s32 s19, s18  }
0x9c: {  	s6 =	simm.s32 $0x0;
	s20 =	sshll.u32 s4, $0x1;
	s4 =	sadd.s32 s21, s2  }
0x9d: {  	[timem:s6], [sflag:s22] =	dma.local [hbm:s4], s20  }
0x9e: {  	_ =	swait.ge [sflag:s22], s20  }
0x9f: {  	s3 =	ssub.s32 $0x0, s20;
	[sflag:s22] =	ssyncset.done $0x0  }
0xa0: {  	[sflag:s22] =	ssyncadd.s32 s3;
	_ =	sdelay $0x1  }
0xa1: {  	s23 =	simm.s32 $0x1B8B  }
0xa2: {  	_ =	swait.ge [sflag:s23], $0x1  }
0xa3: {  	[sflag:s23] =	ssyncset.done $0x0  }
0xa4: {  	s25 =	simm.s32 $0x1B8E;
	s24 =	sld [smem:$0x3FFE];
	[sflag:s23] =	ssyncadd.s32 $0xFFFFFFFF  }
0xa5: {  	s26 =	simm.s32 $execute0_lowered;
	[smem:$0x3FD2] =	sst s25  }
0xa6: {  	s4 =	sshll.u32 s26, $0x1;
	_ =	strace $0x80000046;
	[dreg:$0x1] =	wrdreg $0xFFFFFFFF  }
0xa7: {  	s28 =	simm.s32 $_size_execute0_lowered;
	s2 =	sadd.s32 s2, s4;
	[dreg:$0x0] =	wrdreg $0x0  }
0xa8: {  	s4 =	sshll.u32 s28, $0x1;
	[dreg:$0x2] =	wrdreg s2  }
0xa9: {  	[dreg:$0x3] =	wrdreg s4  }
0xaa: {  	[dreg:$0x4] =	wrdreg $0xC0  }
0xab: {  	_ =	task [dreg:s6], $0x5FFFF  }
0xac: {  	[dreg:$0x1] =	wrdreg $0xFFFFFFFF  }
0xad: {  	[dreg:$0x0] =	wrdreg $0x60  }
0xae: {  	[dreg:$0x2] =	wrdreg s24  }
0xaf: {  	[dreg:$0x3] =	wrdreg $0xFB400  }
0xb0: {  	[dreg:$0x4] =	wrdreg $0x9  }
0xb1: {  	_ =	task.clear_ibuf [dreg:s6], $0x5FFFF;
	_ =	strace $0x90000046  }
0xb2: {  	s29 =	simm.s32 $0x9;
	_ =	strace $0x80000048  }
0xb3: {  	_ =	swait.ge [sflag:s29], $0x1  }
0xb4: {  	[sflag:s29] =	ssyncadd.s32 $0xFFFFFFFF  }
0xb5: {  	_ =	strace $0x90000048  }
0xb6: {  	_ =	sfence  }
0xb7: {  	s30 =	sld [smem:$0x0];
	_ =	sdelay $0x2  }
0xb8: {  	s31 =	sshll.u32 s1, $0xD;
	s1 =	sshrl.u32 s1, $0x2  }
0xb9: {  	s3 =	sand.u32 $0x4000, s31;
	s1 =	sadd.s32 s1, s30  }
0xba: {  	s0 =	sor.u32 s3, s0;
	s1 =	sshll.u32 s1, $0x11  }
0xbb: {  	s0 =	sor.u32 s1, s0  }
0xbc: {  	s0 =	sadd.s32 $0x8F2B, s0  }
0xbd: {  	[sflag:s0] =	ssyncadd.remote.s32 $0x1  }
0xbe: {  	_ =	sfence.sel $0xFFFF  }
0xbf: {  	[dreg:$0x0] =	wrdreg $0xFFFFFFFF;
	(pc) =	sbr.abs _section_cstart, $3  }
0xc0: {  	[dreg:$0x1] =	wrdreg $0xFFFFFFFF  }
0xc1: {  	_ =	task.clear_ibuf [dreg:s6], $0x2FFFF;
	_ =	strace $0x9FFFFFFF  }
0xc2: {  	(tm) =	ssettm $0x7FFFFFFF  }
0xc3: {  	_ =	shalt  }
tec
execute0_lowered:
.L_overlay_start_1:
0x0: {  	(tag) =	ssettag $0x1  }
0x1: {  	s0 =	rddreg [dreg:$0x0]  }
0x2: {  	s1 =	rddreg [dreg:$0x1];
	s2 =	simm.s32 $0x0;
	s15 =	stileid.u32  }
0x3: {  	s7 =	srdreg.scid;
	s16 =	simm.s32 $0x9;
	s28 =	simm.s32 $0x5  }
0x4: {  	s29 =	simm.s32 $0xE240;
	s30 =	simm.s32 $0x2;
	s31 =	simm.s32 $0x4  }
0x5: {  	[smem:$0x7FF] =	sst s2;
	s3 =	sadd.s32 $0x2A400, s0;
	s5 =	smul.u32 $0x4E20, s15  }
0x6: {  	s4 =	sadd.s32 $0x51600, s0;
	s8 =	sadd.s32 $0x78800, s0;
	s9 =	smul.u32 $0x1900, s15  }
0x7: {  	s6 =	sadd.s32 $0x91000, s0;
	s10 =	sand.u32 $0x1, s7;
	s14 =	smul.u32 $0x32000, s15  }
0x8: {  	v0 =	vimm.s32 $0x76543210;
	s7 =	sadd.s32 $0x58B800, s0;
	s13 =	sadd.s32 $0xBD400, s0;
	s22 =	smul.u32 $0x9C40, s15  }
0x9: {  	v1 =	vimm.s32 $0xFEDCBA98;
	s20 =	sshll.u32 s15, $0x6;
	_ =	strace $0x80000047;
	s12 =	smul.u32 $0x19000, s10  }
0xa: {  	v2 =	vimm.s32 $0xBA98FEDC;
	v3 =	vimm.s32 $0x32107654;
	v4 =	vimm.s32 $0xDCFE98BA;
	[dreg:$0x3] =	wrdreg s13;
	s18 =	ssub.s32 $0x2, s10;
	p0 =	seq.s32 s10, $0x0  }
0xb: {  	v5 =	vimm.s32 $0x54761032;
	v6 =	vimm.s32 $0xEFCDAB89;
	v7 =	vimm.s32 $0x67452301;
	s11 =	sshrl.u32 s5, $0x3;
	s19 =	sshrl.u32 s18, $0x1;
	s21 =	sshrl.u32 s14, $0x2  }
0xc: {  	v1 =	vunpack.c.l.s4.s8 v1;
	v2 =	vunpack.c.l.s4.s8 v2;
	v3 =	vunpack.c.l.s4.s8 v3;
	s25 =	sadd.s32 s7, s22;
	s4 =	smov.u32 @p0 s3;
	s6 =	smov.u32 @p0 s8  }
0xd: {  	v0 =	vunpack.c.l.s4.s8 v0;
	v4 =	vunpack.c.l.s4.s8 v4;
	v5 =	vunpack.c.l.s4.s8 v5;
	s22 =	simm.s32 $0x9EC0;
	s3 =	simm.s32 $0xEEC0;
	s11 =	sadd.s32 s11, s0  }
0xe: {  	v1 =	vunpack.c.0.s8.s32 v1;
	v2 =	vunpack.c.0.s8.s32 v2;
	v3 =	vunpack.c.0.s8.s32 v3;
	s9 =	sadd.s32 s9, s12;
	s12 =	ssub.s32 s18, s19;
	s24 =	sadd.s32 s21, s1  }
0xf: {  	v6 =	vunpack.c.l.s4.s8 v6;
	v7 =	vunpack.c.l.s4.s8 v7;
	v0 =	vunpack.c.0.s8.s32 v0;
	[dreg:$0x7] =	wrdreg s25;
	s19 =	simm.s32 $0x28;
	s25 =	simm.s32 $0x1  }
0x10: {  	s18 =	simm.s32 $0x7;
	s21 =	simm.s32 $0x0;
	s0 =	sadd.s32 s9, s0;
	v1 =	vand.u32 $0xF, v1;
	v2 =	vcombine.low v3, v2;
	v3 =	vunpack.c.0.s8.s32 v4  }
0x11: {  	s9 =	sor.u32 $0x1C09, s20;
	s23 =	sadd.s32 $0xB3600, s11;
	s11 =	sadd.s32 $0xA9800, s11;
	v4 =	vunpack.c.0.s8.s32 v5;
	v5 =	vunpack.c.0.s8.s32 v6;
	v6 =	vunpack.c.0.s8.s32 v7  }
0x12: {  	s26 =	smax.u32 s12, $0x1;
	s15 =	sshrl.u32 s24, $0x3;
	[dreg:$0x4] =	wrdreg s23;
	v0 =	vcombine.low v1, v0  }
0x13: {  	s24 =	simm.s32 $0xD5C0;
	s20 =	simm.s32 $0x8;
	[dreg:$0x5] =	wrdreg s11;
	v1 =	vand.u32 $0xF, v2;
	v2 =	vcombine.low v4, v3;
	v3 =	vcombine.low v6, v5  }
0x14: {  	vm0 =	vcmask $0x2F20;
	vm1 =	vcmask $0x1F10;
	vm2 =	vmmov $0xf;
	s0 =	sadd.s32 $0xBEE00, s0;
	[dreg:$0x8] =	wrdreg s26;
	s23 =	simm.s32 $0xB540  }
0x15: {  	v7 =	vimm.s32 $0xC;
	s26 =	simm.s32 $0x3;
	[dreg:$0x6] =	wrdreg s0;
	s0 =	simm.s32 $0x6;
	v2 =	vand.u32 $0xF, v2;
	v3 =	vand.u32 $0xF, v3  }
.LBB2_1:
0x16: {  	s8 =	rddreg [dreg:$0x3]  }
0x17: {  	[spmem:s15], [sflag:s9] =	dma.local [hbm:s8], $0x1900  }
0x18: {  	_ =	swait.ge [sflag:s16], $0x1900  }
0x19: {  	[sflag:s16] =	ssyncset.done $0x0  }
0x1a: {  	s11 =	rddreg [dreg:$0x4];
	[sflag:s16] =	ssyncadd.s32 $0xFFFFE700  }
0x1b: {  	[tilespmem:s2], [sflag:$0x9] =	stream.linear.gather [hbm4b:s11+s2], $0x4E20, $0x38;
	[tilespmem:$0x1C340] =	vst v63  }
0x1c: {  	_ =	swait.ge [sflag:s16], $0x4E20  }
0x1d: {  	[sflag:s16] =	ssyncset.done $0x0  }
0x1e: {  	s10 =	simm.s32 $0x4E20;
	s12 =	rddreg [dreg:$0x5];
	[sflag:s16] =	ssyncadd.s32 $0xFFFFB1E0  }
0x1f: {  	[tilespmem:s10], [sflag:$0x9] =	stream.linear.gather [hbm4b:s12+s2], $0x4E20, $0x38;
	[tilespmem:$0x1C340] =	vst v63  }
0x20: {  	_ =	swait.ge [sflag:s16], $0x4E20  }
0x21: {  	[sflag:s16] =	ssyncset.done $0x0  }
0x22: {  	[sflag:s16] =	ssyncadd.s32 $0xFFFFB1E0  }
0x23: {  	[bflag:$0x0] =	sbarrier.arrive $0xFFFF  }
0x24: {  	s11 =	simm.s32 $0x9C40;
	s13 =	rddreg [dreg:$0x7]  }
0x25: {  	[tilespmem:s11], [sflag:$0x1] =	stream.linear.gather [hbm4b:s13+s2], $0x280, $0x38;
	[tilespmem:$0x1C340] =	vst v63  }
0x26: {  	s14 =	simm.s32 $0xA140  }
0x27: {  	[tilespmem:s14], [sflag:$0x3] =	stream.indirect.gather [hbm4b:s4+s19], $0x80, s2, s19, $0xb8;
	[tilespmem:$0x1C340] =	vst v63  }
0x28: {  	s17 =	simm.s32 $0xC940;
	s8 =	simm.s32 $0x0  }
0x29: {  	[tilespmem:s17], [sflag:$0x5] =	stream.indirect.gather [hbm4b:s6+s19], $0x50, s10, s19, $0xb8;
	[tilespmem:$0x1C340] =	vst v63  }
.LBB2_2:
0x2a: {  	s10 =	sshllo.u32 s8, $0x1  }
0x2b: {  	s11 =	smul.u32 $0x28, s10;
	_ =	sdelay $0x1  }
0x2c: {  	s12 =	sadd.s32 s5, s11  }
0x2d: {  	s12 =	sshll.u32 s12, $0x1  }
0x2e: {  	s12 =	sadd.s32 s7, s12  }
0x2f: {  	[tilespmem:s22], [sflag:$0x2] =	stream.linear.gather [hbm4b:s12+s2], $0x280, $0x38;
	[tilespmem:$0x1C340] =	vst v63  }
0x30: {  	_ = 	snop  }
0x31: {  	[tilespmem:s23], [sflag:$0x4] =	stream.indirect.gather [hbm4b:s4+s19], $0x80, s11, s19, $0xb8;
	[tilespmem:$0x1C340] =	vst v63  }
0x32: {  	s11 =	sadd.s32 $0x4E20, s11  }
0x33: {  	[tilespmem:s24], [sflag:$0x6] =	stream.indirect.gather [hbm4b:s6+s19], $0x50, s11, s19, $0xb8;
	[tilespmem:$0x1C340] =	vst v63  }
0x34: {  	_ =	swait.ge [sflag:s25], $0x280  }
0x35: {  	[sflag:s25] =	ssyncset.done $0x0  }
0x36: {  	[sflag:s25] =	ssyncadd.s32 $0xFFFFFD80  }
0x37: {  	_ =	swait.ge [sflag:s26], $0x1400  }
0x38: {  	[sflag:s26] =	ssyncset.done $0x0  }
0x39: {  	[sflag:s26] =	ssyncadd.s32 $0xFFFFEC00  }
0x3a: {  	_ =	swait.ge [sflag:s28], $0xC80  }
0x3b: {  	p0 =	seq.s32 s8, $0x0;
	[sflag:s28] =	ssyncset.done $0x0  }
0x3c: {  	s11 =	simm.s32 @!p0 $0x7;
	[sflag:s28] =	ssyncadd.s32 $0xFFFFF380  }
0x3d: {  	_ =	swait.ge @!p0 [sflag:s11], $0xC80  }
0x3e: {  	s13 =	simm.s32 $0xA340;
	[sflag:s11] =	ssyncset.done @!p0 $0x0  }
0x3f: {  	s12 =	simm.s32 $0x9C80;
	[sflag:s11] =	ssyncadd.s32 @!p0 $0xFFFFF380;
	s11 =	simm.s32 $0x0  }
.LBB2_3:
0x40: {  	v27 =	vld [tilespmem:s13+$0xFFFFFE00]  }
0x41: {  	v28 =	vld [tilespmem:s13+$0xFFFFFE10]  }
0x42: {  	v29 =	vld [tilespmem:s13+$0xFFFFFE20]  }
0x43: {  	v30 =	vld [tilespmem:s13+$0xFFFFFE30]  }
0x44: {  	v19 =	vld [tilespmem:s13+$0xFFFFFE40]  }
0x45: {  	v17 =	vld [tilespmem:s13+$0xFFFFFE50]  }
0x46: {  	v15 =	vld [tilespmem:s13+$0xFFFFFE60]  }
0x47: {  	v13 =	vld [tilespmem:s13+$0xFFFFFE70]  }
0x48: {  	v10 =	vld [tilespmem:s12+$0xFFFFFFC0]  }
0x49: {  	v36 =	vld [tilespmem:s13+$0xFFFFFE80]  }
0x4a: {  	v37 =	vld [tilespmem:s13+$0xFFFFFE90]  }
0x4b: {  	v38 =	vld [tilespmem:s13+$0xFFFFFEA0]  }
0x4c: {  	v39 =	vld [tilespmem:s13+$0xFFFFFEB0]  }
0x4d: {  	v20 =	vld [tilespmem:s13+$0xFFFFFEC0]  }
0x4e: {  	v18 =	vld [tilespmem:s13+$0xFFFFFED0]  }
0x4f: {  	v16 =	vld [tilespmem:s13+$0xFFFFFEE0]  }
0x50: {  	v14 =	vld [tilespmem:s13+$0xFFFFFEF0]  }
0x51: {  	v11 =	vld [tilespmem:s12+$0xFFFFFFD0]  }
0x52: {  	v45 =	vld [tilespmem:s13+$0xFFFFFF00]  }
0x53: {  	v46 =	vld [tilespmem:s13+$0xFFFFFF10]  }
0x54: {  	v47 =	vld [tilespmem:s13+$0xFFFFFF20]  }
0x55: {  	v48 =	vld [tilespmem:s13+$0xFFFFFF30]  }
0x56: {  	v12 =	vld [tilespmem:s12+$0xFFFFFFE0]  }
0x57: {  	v54 =	vld [tilespmem:s13+$0xFFFFFF80]  }
0x58: {  	v55 =	vld [tilespmem:s13+$0xFFFFFF90]  }
0x59: {  	v56 =	vld [tilespmem:s13+$0xFFFFFFA0]  }
0x5a: {  	v57 =	vld [tilespmem:s13+$0xFFFFFFB0]  }
0x5b: {  	v9 =	vld [tilespmem:s12+$0xFFFFFFF0]  }
0x5c: {  	v63 =	vld [tilespmem:s13+$0x0]  }
0x5d: {  	v4 =	vld [tilespmem:s13+$0x10]  }
0x5e: {  	v5 =	vld [tilespmem:s13+$0x20]  }
0x5f: {  	v6 =	vld [tilespmem:s13+$0x30]  }
0x60: {  	s17 =	sshra.s32 s11, $0x2;
	v8 =	vld [tilespmem:s12+$0x0]  }
0x61: {  	v22 =	vld [tilespmem:s17+$0xC940]  }
0x62: {  	v23 =	vld [tilespmem:s17+$0xC950]  }
0x63: {  	v24 =	vld [tilespmem:s17+$0xC960]  }
0x64: {  	v25 =	vld [tilespmem:s17+$0xC970]  }
0x65: {  	v26 =	vld [tilespmem:s17+$0xC980]  }
0x66: {  	v31 =	vld [tilespmem:s17+$0xC990]  }
0x67: {  	v32 =	vld [tilespmem:s17+$0xC9A0]  }
0x68: {  	v33 =	vld [tilespmem:s17+$0xC9B0]  }
0x69: {  	v34 =	vld [tilespmem:s17+$0xC9C0]  }
0x6a: {  	v35 =	vld [tilespmem:s17+$0xC9D0]  }
0x6b: {  	v40 =	vld [tilespmem:s17+$0xC9E0]  }
0x6c: {  	v41 =	vld [tilespmem:s17+$0xC9F0]  }
0x6d: {  	v42 =	vld [tilespmem:s17+$0xCA00]  }
0x6e: {  	v43 =	vld [tilespmem:s17+$0xCA10]  }
0x6f: {  	v44 =	vld [tilespmem:s17+$0xCA20]  }
0x70: {  	v49 =	vld [tilespmem:s17+$0xCA30]  }
0x71: {  	v50 =	vld [tilespmem:s17+$0xCA40]  }
0x72: {  	v51 =	vld [tilespmem:s17+$0xCA50]  }
0x73: {  	v52 =	vld [tilespmem:s17+$0xCA60]  }
0x74: {  	v53 =	vld [tilespmem:s17+$0xCA70]  }
0x75: {  	v58 =	vld [tilespmem:s17+$0xCA80]  }
0x76: {  	v59 =	vld [tilespmem:s17+$0xCA90]  }
0x77: {  	v60 =	vld [tilespmem:s17+$0xCAA0]  }
0x78: {  	v61 =	vld [tilespmem:s17+$0xCAB0]  }
0x79: {  	v62 =	vld [tilespmem:s17+$0xCAC0]  }
0x7a: {  	v22 =	vmul.f32 v27, v22;
	v27 =	vld [tilespmem:s17+$0xCAD0]  }
0x7b: {  	v23 =	vmul.f32 v28, v23;
	v28 =	vld [tilespmem:s17+$0xCAE0];
	v45 =	vmul.f32 v45, v40  }
0x7c: {  	v46 =	vmul.f32 v46, v41;
	v54 =	vmul.f32 v54, v49;
	v40 =	vld [tilespmem:s17+$0xCB30]  }
0x7d: {  	v55 =	vmul.f32 v55, v50;
	v26 =	vmul.f32 v10, v26;
	v41 =	vld [tilespmem:s17+$0xCB60]  }
0x7e: {  	v49 =	vmul.f32 v57, v52;
	v57 =	vmul.f32 v63, v58;
	v63 =	vld [tilespmem:s17+$0xCB70]  }
0x7f: {  	v35 =	vmul.f32 v11, v35;
	v22 =	vadd.f32 v23, v22;
	v23 =	vmul.f32 v29, v24;
	v24 =	vld [tilespmem:s17+$0xCAF0]  }
0x80: {  	v29 =	vmul.f32 v36, v31;
	v36 =	vmul.f32 v37, v32;
	v32 =	vld [tilespmem:s17+$0xCB00]  }
0x81: {  	v4 =	vmul.f32 v4, v59;
	v37 =	vmul.f32 v30, v25;
	v25 =	vld [tilespmem:s17+$0xCB10]  }
0x82: {  	v30 =	vmul.f32 v38, v33;
	v31 =	vmul.f32 v39, v34;
	v33 =	vld [tilespmem:s13+$0x80];
	v29 =	vadd.f32 v36, v29  }
0x83: {  	v38 =	vld [tilespmem:s13+$0xA0];
	v22 =	vadd.f32 v23, v22;
	v23 =	vadd.f32 v46, v45;
	v45 =	vmul.f32 v47, v42  }
0x84: {  	v39 =	vld [tilespmem:s13+$0xB0];
	v46 =	vmul.f32 v56, v51;
	v29 =	vadd.f32 v30, v29;
	v30 =	vadd.f32 v55, v54  }
0x85: {  	v34 =	vld [tilespmem:s17+$0xCB50];
	v4 =	vadd.f32 v4, v57;
	v57 =	vmul.f32 v8, v62;
	v22 =	vadd.f32 v37, v22  }
0x86: {  	v62 =	vld [tilespmem:s17+$0xCBB0];
	v47 =	vmul.f32 v48, v43;
	v23 =	vadd.f32 v45, v23;
	v48 =	vadd.f32 v46, v30  }
0x87: {  	v50 =	vmul.f32 v12, v44;
	v5 =	vmul.f32 v5, v60;
	v36 =	vld [tilespmem:s13+$0x90];
	v22 =	vadd.f32 v26, v22  }
0x88: {  	v51 =	vmul.f32 v9, v53;
	v43 =	vld [tilespmem:s13+$0x100];
	v23 =	vadd.f32 v47, v23;
	v26 =	vadd.f32 v49, v48  }
0x89: {  	v42 =	vld [tilespmem:s13+$0x120];
	v4 =	vadd.f32 v5, v4;
	v5 =	vmul.f32 v6, v61;
	v29 =	vadd.f32 v31, v29  }
0x8a: {  	v6 =	vld [tilespmem:s13+$0x190];
	v52 =	vperm.xlane v22, v0;
	v23 =	vadd.f32 v50, v23;
	v26 =	vadd.f32 v51, v26  }
0x8b: {  	v61 =	vld [tilespmem:s13+$0x1B0];
	v29 =	vadd.f32 v35, v29  }
0x8c: {  	v37 =	vld [tilespmem:s17+$0xCB20];
	v54 =	vadd.f32 v22, v52;
	v55 =	vperm.xlane v23, v0;
	v56 =	vperm.xlane v26, v0  }
0x8d: {  	v31 =	vld [tilespmem:s17+$0xCB40];
	v53 =	vperm.xlane v29, v0  }
0x8e: {  	v30 =	vld [tilespmem:s13+$0x110];
	v58 =	vperm.xlane v54, v1;
	v23 =	vadd.f32 v23, v55;
	v26 =	vadd.f32 v26, v56  }
0x8f: {  	v52 =	vld [tilespmem:s17+$0xCB80];
	v29 =	vadd.f32 v29, v53  }
0x90: {  	v35 =	vadd.f32 v54, v58;
	v53 =	vperm.xlane v23, v1;
	v54 =	vld [tilespmem:s13+$0x180];
	v55 =	vperm.xlane v26, v1  }
0x91: {  	v4 =	vadd.f32 v5, v4;
	v5 =	vld [tilespmem:s13+$0x1A0];
	v27 =	vmul.f32 v33, v27;
	v59 =	vperm.xlane v29, v1  }
0x92: {  	v32 =	vmul.f32 v39, v32;
	v56 =	vld [tilespmem:s17+$0xCB90];
	v23 =	vadd.f32 v23, v53;
	v26 =	vadd.f32 v26, v55  }
0x93: {  	v46 =	vld [tilespmem:s13+$0x130];
	v28 =	vmul.f32 v36, v28;
	v60 =	vmul.f32 v43, v37;
	v29 =	vadd.f32 v29, v59  }
0x94: {  	v30 =	vmul.f32 v30, v40;
	v31 =	vmul.f32 v42, v31;
	v59 =	vld [tilespmem:s17+$0xCBA0];
	v23 =	vsel vm0, v23, v26  }
0x95: {  	v22 =	vld [tilespmem:s12+$0x20];
	v6 =	vmul.f32 v6, v52;
	v63 =	vmul.f32 v54, v63;
	v29 =	vsel vm1, v29, v23  }
0x96: {  	v30 =	vadd.f32 v30, v60;
	v58 =	vmul.f32 v38, v24;
	v23 =	vld [tilespmem:s12+$0x30];
	v29 =	vsel vm2, v35, v29  }
0x97: {  	v24 =	vld [tilespmem:s12+$0x10];
	v5 =	vmul.f32 v5, v56;
	v6 =	vadd.f32 v6, v63;
	v44 =	vperm.xlane v29, v2  }
0x98: {  	v21 =	vld [tilespmem:s13+$0xFFFFFF40];
	v27 =	vadd.f32 v28, v27;
	v47 =	vmul.f32 v46, v34;
	v45 =	vadd.f32 v31, v30  }
0x99: {  	v33 =	vld [tilespmem:s13+$0xFFFFFF70];
	v5 =	vadd.f32 v5, v6;
	v6 =	vmul.f32 v61, v59;
	v29 =	vadd.f32 v44, v29  }
0x9a: {  	v39 =	vld [tilespmem:s13+$0xD0];
	v48 =	vmul.f32 v22, v41;
	v27 =	vadd.f32 v58, v27;
	v28 =	vadd.f32 v47, v45  }
0x9b: {  	v36 =	vld [tilespmem:s13+$0x50];
	v5 =	vadd.f32 v6, v5;
	v6 =	vmul.f32 v23, v62;
	v50 =	vperm.xlane v29, v3  }
0x9c: {  	v37 =	vld [tilespmem:s13+$0xFFFFFFD0];
	v27 =	vadd.f32 v32, v27;
	v25 =	vmul.f32 v24, v25;
	v28 =	vadd.f32 v48, v28  }
0x9d: {  	v43 =	vld [tilespmem:s13+$0xE0];
	v5 =	vadd.f32 v6, v5;
	v6 =	vadd.f32 v50, v29  }
0x9e: {  	v4 =	vadd.f32 v57, v4;
	v34 =	vld [tilespmem:s13+$0xFFFFFFC0];
	v25 =	vadd.f32 v25, v27;
	v51 =	vperm.xlane v28, v0  }
0x9f: {  	v40 =	vld [tilespmem:s13+$0x60];
	v52 =	vperm.xlane v5, v0;
	v6 =	vmul.f32 $1.442695020e+00, v6  }
0xa0: {  	v46 =	vld [tilespmem:s13+$0x1D0];
	v53 =	vperm.xlane v4, v0;
	v54 =	vperm.xlane v25, v0  }
0xa1: {  	v42 =	vld [tilespmem:s13+$0x1E0];
	v27 =	vadd.f32 v28, v51;
	v5 =	vadd.f32 v5, v52;
	(erf) = vpow2.f32 v6  }
0xa2: {  	v38 =	vld [tilespmem:s13+$0x140];
	v25 =	vadd.f32 v25, v54  }
0xa3: {  	v31 =	vld [tilespmem:s13+$0xFFFFFF60];
	v4 =	vadd.f32 v4, v53;
	v55 =	vperm.xlane v27, v1;
	v56 =	vperm.xlane v5, v1  }
0xa4: {  	v30 =	vld [tilespmem:s13+$0xFFFFFFE0];
	v57 =	vperm.xlane v25, v1  }
0xa5: {  	v47 =	vld [tilespmem:s13+$0x1F0];
	v58 =	vperm.xlane v4, v1;
	v27 =	vadd.f32 v27, v55;
	v5 =	vadd.f32 v5, v56  }
0xa6: {  	v32 =	vld [tilespmem:s13+$0xF0];
	v25 =	vadd.f32 v25, v57  }
0xa7: {  	v26 =	vld [tilespmem:s13+$0xFFFFFFF0];
	v4 =	vadd.f32 v4, v58;
	v5 =	vsel vm0, v27, v5  }
0xa8: {  	v35 =	vld [tilespmem:s13+$0xFFFFFF50];
	v5 =	vsel vm1, v25, v5  }
0xa9: {  	v28 =	vld [tilespmem:s13+$0xC0];
	v4 =	vsel vm2, v4, v5  }
0xaa: {  	v49 =	vimm.s32 $0x0;
	v44 =	vld [tilespmem:s13+$0x1C0];
	v60 =	vperm.xlane v4, v2;
	v59 =	vpop (erf)  }
0xab: {  	v29 =	vld [tilespmem:s13+$0x40];
	v61 =	vperm.xlane v59, v49  }
0xac: {  	v6 =	vld [tilespmem:s13+$0x70];
	v4 =	vadd.f32 v4, v60  }
0xad: {  	v27 =	vld [tilespmem:s13+$0x150];
	v19 =	vmul.f32 v61, v19  }
0xae: {  	v51 =	vimm.s32 $0x8;
	v25 =	vld [tilespmem:s13+$0x160];
	v62 =	vperm.xlane v4, v3;
	v17 =	vmul.f32 v61, v17  }
0xaf: {  	v5 =	vld [tilespmem:s13+$0x170];
	v52 =	vperm.xlane v59, v51;
	v15 =	vmul.f32 v61, v15;
	[tilespmem:s17+$0xE240] =	vst v19  }
0xb0: {  	v13 =	vmul.f32 v61, v13;
	v4 =	vadd.f32 v4, v62;
	[tilespmem:s17+$0xE250] =	vst v17  }
0xb1: {  	v10 =	vmul.f32 v61, v10;
	v53 =	vmul.f32 v52, v21;
	v19 =	vimm.s32 $0x4;
	[tilespmem:s17+$0xE260] =	vst v15  }
0xb2: {  	[tilespmem:s17+$0xE270] =	vst v13;
	v63 =	vperm.xlane v59, v19;
	v4 =	vmul.f32 $1.442695020e+00, v4  }
0xb3: {  	v54 =	vmul.f32 v52, v31;
	[tilespmem:s17+$0xE280] =	vst v10  }
0xb4: {  	[tilespmem:s17+$0xE2E0] =	vst v53;
	(erf) = vpow2.f32 v4;
	v4 =	vmul.f32 v63, v16  }
0xb5: {  	v55 =	vperm.xlane v59, v7;
	v56 =	vmul.f32 v52, v12;
	[tilespmem:s17+$0xE300] =	vst v54  }
0xb6: {  	[tilespmem:s17+$0xE2B0] =	vst v4;
	v4 =	vmul.f32 v63, v11  }
0xb7: {  	v57 =	vmul.f32 v55, v37;
	[tilespmem:s17+$0xE320] =	vst v56  }
0xb8: {  	[tilespmem:s17+$0xE2D0] =	vst v4;
	v4 =	vmul.f32 v52, v35  }
0xb9: {  	[tilespmem:s17+$0xE340] =	vst v57;
	v59 =	vmul.f32 v55, v26  }
0xba: {  	[tilespmem:s17+$0xE2F0] =	vst v4;
	v4 =	vmul.f32 v52, v33  }
0xbb: {  	v45 =	vmul.f32 v63, v20;
	[tilespmem:s17+$0xE360] =	vst v59  }
0xbc: {  	[tilespmem:s17+$0xE310] =	vst v4;
	v4 =	vmul.f32 v55, v34  }
0xbd: {  	v48 =	vmul.f32 v63, v18;
	[tilespmem:s17+$0xE290] =	vst v45  }
0xbe: {  	v58 =	vpop (erf);
	[tilespmem:s17+$0xE330] =	vst v4;
	v4 =	vmul.f32 v55, v30  }
0xbf: {  	v50 =	vmul.f32 v63, v14;
	[tilespmem:s17+$0xE2A0] =	vst v48;
	v60 =	vperm.xlane v58, v49  }
0xc0: {  	[tilespmem:s17+$0xE350] =	vst v4;
	v4 =	vmul.f32 v55, v9  }
0xc1: {  	[tilespmem:s17+$0xE2C0] =	vst v50;
	v61 =	vmul.f32 v60, v29  }
0xc2: {  	[tilespmem:s17+$0xE370] =	vst v4;
	v4 =	vmul.f32 v60, v36  }
0xc3: {  	v62 =	vmul.f32 v60, v40;
	[tilespmem:s17+$0xE380] =	vst v61  }
0xc4: {  	[tilespmem:s17+$0xE390] =	vst v4;
	v4 =	vmul.f32 v60, v6;
	v6 =	vperm.xlane v58, v19  }
0xc5: {  	v8 =	vmul.f32 v60, v8;
	[tilespmem:s17+$0xE3A0] =	vst v62  }
0xc6: {  	[tilespmem:s17+$0xE3B0] =	vst v4;
	v4 =	vmul.f32 v6, v28  }
0xc7: {  	[tilespmem:s17+$0xE3C0] =	vst v8;
	v8 =	vmul.f32 v6, v39  }
0xc8: {  	[tilespmem:s17+$0xE3D0] =	vst v4;
	v4 =	vmul.f32 v6, v43  }
0xc9: {  	v63 =	vperm.xlane v58, v51;
	[tilespmem:s17+$0xE3E0] =	vst v8;
	v8 =	vmul.f32 v6, v32  }
0xca: {  	[tilespmem:s17+$0xE3F0] =	vst v4;
	v4 =	vmul.f32 v6, v24  }
0xcb: {  	[tilespmem:s17+$0xE400] =	vst v8;
	v6 =	vmul.f32 v63, v38  }
0xcc: {  	[tilespmem:s17+$0xE410] =	vst v4;
	v4 =	vmul.f32 v63, v27  }
0xcd: {  	[tilespmem:s17+$0xE420] =	vst v6;
	v6 =	vmul.f32 v63, v25  }
0xce: {  	[tilespmem:s17+$0xE430] =	vst v4;
	v4 =	vmul.f32 v63, v5;
	v5 =	vperm.xlane v58, v7  }
0xcf: {  	[tilespmem:s17+$0xE440] =	vst v6;
	v6 =	vmul.f32 v63, v22  }
0xd0: {  	[tilespmem:s17+$0xE450] =	vst v4;
	v4 =	vmul.f32 v5, v44  }
0xd1: {  	p1 =	sne.s32 s11, $0x2800;
	[tilespmem:s17+$0xE460] =	vst v6;
	v6 =	vmul.f32 v5, v46  }
.Ltmp0:
0xd2: {  	[tilespmem:s17+$0xE470] =	vst v4;
	v4 =	vmul.f32 v5, v42;
	(pc) =	sbr.rel @p1 .LBB2_3-.Ltmp0, $4  }
0xd3: {  	[tilespmem:s17+$0xE480] =	vst v6;
	v6 =	vmul.f32 v5, v47  }
0xd4: {  	[tilespmem:s17+$0xE490] =	vst v4;
	v4 =	vmul.f32 v5, v23  }
0xd5: {  	[tilespmem:s17+$0xE4A0] =	vst v6  }
0xd6: {  	s11 =	sadd.s32 $0xA00, s11;
	s12 =	sadd.s32 $0x80, s12;
	s13 =	sadd.s32 $0x400, s13;
	[tilespmem:s17+$0xE4B0] =	vst v4  }
0xd7: {  	s11 =	smul.u32 $0x140, s8;
	_ =	sdelay $0x1  }
0xd8: {  	p1 =	seq.s32 s8, $0xF9;
	s11 =	sshra.s32 s11, $0x2  }
0xd9: {  	s12 =	smul.u32 @!p1 $0x50, s8;
	s11 =	sadd.s32 $0x4E20, s11  }
0xda: {  	[spmem:s1] =	stream.indirect.scatter.add.f32 [tilespmem:s29], [sflag:$0x7], $0x50, s11, s19, $0xb8;
	[tilespmem:$0x1C340] =	vst v63  }
0xdb: {  	s11 =	sadd.s32 @!p1 $0x50, s12  }
0xdc: {  	s13 =	sadd.s32 @!p1 s5, s11  }
0xdd: {  	s13 =	sshll.u32 @!p1 s13, $0x1  }
0xde: {  	s17 =	simm.s32 @!p1 $0x0;
	s14 =	simm.s32 @!p1 $0x9C40;
	s13 =	sadd.s32 @!p1 s7, s13  }
0xdf: {  	[tilespmem:s14], [sflag:$0x1] =	stream.linear.gather @!p1 [hbm4b:s13+s17], $0x280, $0x38;
	[tilespmem:$0x1C340] =	vst v63  }
0xe0: {  	s13 =	simm.s32 @!p1 $0x28;
	s14 =	simm.s32 @!p1 $0xA140  }
0xe1: {  	[tilespmem:s14], [sflag:$0x3] =	stream.indirect.gather @!p1 [hbm4b:s4+s13], $0x80, s11, s13, $0xb8;
	[tilespmem:$0x1C340] =	vst v63  }
0xe2: {  	s11 =	sadd.s32 @!p1 $0x4E70, s12;
	s12 =	simm.s32 @!p1 $0xC940  }
0xe3: {  	[tilespmem:s12], [sflag:$0x5] =	stream.indirect.gather @!p1 [hbm4b:s6+s13], $0x50, s11, s13, $0xb8;
	[tilespmem:$0x1C340] =	vst v63  }
0xe4: {  	_ =	swait.ge [sflag:s30], $0x280  }
0xe5: {  	[sflag:s30] =	ssyncset.done $0x0  }
0xe6: {  	[sflag:s30] =	ssyncadd.s32 $0xFFFFFD80  }
0xe7: {  	_ =	swait.ge [sflag:s31], $0x1400  }
0xe8: {  	[sflag:s31] =	ssyncset.done $0x0  }
0xe9: {  	[sflag:s31] =	ssyncadd.s32 $0xFFFFEC00  }
0xea: {  	_ =	swait.ge [sflag:s0], $0xC80  }
0xeb: {  	[sflag:s0] =	ssyncset.done $0x0  }
0xec: {  	s11 =	simm.s32 @!p0 $0x8;
	[sflag:s0] =	ssyncadd.s32 $0xFFFFF380  }
0xed: {  	_ =	swait.ge @!p0 [sflag:s11], $0xC80  }
0xee: {  	s12 =	simm.s32 $0x9F00;
	[sflag:s11] =	ssyncset.done @!p0 $0x0  }
0xef: {  	s13 =	simm.s32 $0xB740;
	[sflag:s11] =	ssyncadd.s32 @!p0 $0xFFFFF380;
	s11 =	simm.s32 $0x0  }
.LBB2_5:
0xf0: {  	v24 =	vld [tilespmem:s13+$0xFFFFFE00]  }
0xf1: {  	v25 =	vld [tilespmem:s13+$0xFFFFFE10]  }
0xf2: {  	v26 =	vld [tilespmem:s13+$0xFFFFFE20]  }
0xf3: {  	v27 =	vld [tilespmem:s13+$0xFFFFFE30]  }
0xf4: {  	v19 =	vld [tilespmem:s13+$0xFFFFFE40]  }
0xf5: {  	v17 =	vld [tilespmem:s13+$0xFFFFFE50]  }
0xf6: {  	v15 =	vld [tilespmem:s13+$0xFFFFFE60]  }
0xf7: {  	v13 =	vld [tilespmem:s13+$0xFFFFFE70]  }
0xf8: {  	v10 =	vld [tilespmem:s12+$0xFFFFFFC0]  }
0xf9: {  	v33 =	vld [tilespmem:s13+$0xFFFFFE80]  }
0xfa: {  	v34 =	vld [tilespmem:s13+$0xFFFFFE90]  }
0xfb: {  	v35 =	vld [tilespmem:s13+$0xFFFFFEA0]  }
0xfc: {  	v36 =	vld [tilespmem:s13+$0xFFFFFEB0]  }
0xfd: {  	v20 =	vld [tilespmem:s13+$0xFFFFFEC0]  }
0xfe: {  	v18 =	vld [tilespmem:s13+$0xFFFFFED0]  }
0xff: {  	v16 =	vld [tilespmem:s13+$0xFFFFFEE0]  }
0x100: {  	v14 =	vld [tilespmem:s13+$0xFFFFFEF0]  }
0x101: {  	v11 =	vld [tilespmem:s12+$0xFFFFFFD0]  }
0x102: {  	v42 =	vld [tilespmem:s13+$0xFFFFFF00]  }
0x103: {  	v43 =	vld [tilespmem:s13+$0xFFFFFF10]  }
0x104: {  	v44 =	vld [tilespmem:s13+$0xFFFFFF20]  }
0x105: {  	v45 =	vld [tilespmem:s13+$0xFFFFFF30]  }
0x106: {  	v12 =	vld [tilespmem:s12+$0xFFFFFFE0]  }
0x107: {  	v51 =	vld [tilespmem:s13+$0xFFFFFF80]  }
0x108: {  	v52 =	vld [tilespmem:s13+$0xFFFFFF90]  }
0x109: {  	v53 =	vld [tilespmem:s13+$0xFFFFFFA0]  }
0x10a: {  	v54 =	vld [tilespmem:s13+$0xFFFFFFB0]  }
0x10b: {  	v9 =	vld [tilespmem:s12+$0xFFFFFFF0]  }
0x10c: {  	v60 =	vld [tilespmem:s13+$0x0]  }
0x10d: {  	v61 =	vld [tilespmem:s13+$0x10]  }
0x10e: {  	v62 =	vld [tilespmem:s13+$0x20]  }
0x10f: {  	v63 =	vld [tilespmem:s13+$0x30]  }
0x110: {  	s17 =	sshra.s32 s11, $0x2;
	v8 =	vld [tilespmem:s12+$0x0]  }
0x111: {  	v4 =	vld [tilespmem:s17+$0xD5C0]  }
0x112: {  	v5 =	vld [tilespmem:s17+$0xD5D0]  }
0x113: {  	v6 =	vld [tilespmem:s17+$0xD5E0]  }
0x114: {  	v22 =	vld [tilespmem:s17+$0xD5F0]  }
0x115: {  	v23 =	vld [tilespmem:s17+$0xD600]  }
0x116: {  	v28 =	vld [tilespmem:s17+$0xD610]  }
0x117: {  	v29 =	vld [tilespmem:s17+$0xD620]  }
0x118: {  	v30 =	vld [tilespmem:s17+$0xD630]  }
0x119: {  	v31 =	vld [tilespmem:s17+$0xD640]  }
0x11a: {  	v32 =	vld [tilespmem:s17+$0xD650]  }
0x11b: {  	v37 =	vld [tilespmem:s17+$0xD660]  }
0x11c: {  	v38 =	vld [tilespmem:s17+$0xD670]  }
0x11d: {  	v39 =	vld [tilespmem:s17+$0xD680]  }
0x11e: {  	v40 =	vld [tilespmem:s17+$0xD690]  }
0x11f: {  	v41 =	vld [tilespmem:s17+$0xD6A0]  }
0x120: {  	v46 =	vld [tilespmem:s17+$0xD6B0]  }
0x121: {  	v47 =	vld [tilespmem:s17+$0xD6C0]  }
0x122: {  	v48 =	vld [tilespmem:s17+$0xD6D0]  }
0x123: {  	v49 =	vld [tilespmem:s17+$0xD6E0]  }
0x124: {  	v50 =	vld [tilespmem:s17+$0xD6F0]  }
0x125: {  	v55 =	vld [tilespmem:s17+$0xD700]  }
0x126: {  	v56 =	vld [tilespmem:s17+$0xD710]  }
0x127: {  	v57 =	vld [tilespmem:s17+$0xD720]  }
0x128: {  	v58 =	vld [tilespmem:s17+$0xD730]  }
0x129: {  	v59 =	vld [tilespmem:s17+$0xD740]  }
0x12a: {  	v4 =	vmul.f32 v24, v4;
	v24 =	vld [tilespmem:s17+$0xD750]  }
0x12b: {  	v5 =	vmul.f32 v25, v5;
	v25 =	vld [tilespmem:s17+$0xD760]  }
0x12c: {  	v34 =	vmul.f32 v34, v29;
	v29 =	vld [tilespmem:s17+$0xD780]  }
0x12d: {  	v33 =	vmul.f32 v33, v28;
	v28 =	vmul.f32 v36, v31;
	v36 =	vld [tilespmem:s13+$0xB0]  }
0x12e: {  	v31 =	vld [tilespmem:s17+$0xD7D0];
	v4 =	vadd.f32 v5, v4;
	v5 =	vmul.f32 v26, v6  }
0x12f: {  	v43 =	vmul.f32 v43, v38;
	v38 =	vld [tilespmem:s17+$0xD7E0]  }
0x130: {  	v46 =	vmul.f32 v51, v46;
	v6 =	vld [tilespmem:s17+$0xD770];
	v4 =	vadd.f32 v5, v4;
	v5 =	vmul.f32 v27, v22  }
0x131: {  	v51 =	vmul.f32 v52, v47;
	v26 =	vmul.f32 v35, v30;
	v30 =	vld [tilespmem:s13+$0x80];
	v22 =	vadd.f32 v34, v33  }
0x132: {  	v23 =	vmul.f32 v10, v23;
	v35 =	vld [tilespmem:s13+$0xA0];
	v4 =	vadd.f32 v5, v4;
	v5 =	vmul.f32 v42, v37  }
0x133: {  	v52 =	vmul.f32 v44, v39;
	v53 =	vmul.f32 v53, v48;
	v27 =	vld [tilespmem:s17+$0xD790];
	v22 =	vadd.f32 v26, v22  }
0x134: {  	v32 =	vmul.f32 v11, v32;
	v33 =	vld [tilespmem:s13+$0x90];
	v26 =	vadd.f32 v51, v46;
	v5 =	vadd.f32 v43, v5  }
0x135: {  	v44 =	vmul.f32 v54, v49;
	v57 =	vmul.f32 v62, v57;
	v34 =	vld [tilespmem:s17+$0xD7A0]  }
0x136: {  	v42 =	vmul.f32 v45, v40;
	v37 =	vld [tilespmem:s17+$0xD7B0];
	v43 =	vadd.f32 v53, v26;
	v5 =	vadd.f32 v52, v5  }
0x137: {  	v45 =	vmul.f32 v12, v41;
	v40 =	vld [tilespmem:s13+$0x100];
	v22 =	vadd.f32 v28, v22;
	v4 =	vadd.f32 v23, v4  }
0x138: {  	v46 =	vmul.f32 v9, v50;
	v41 =	vld [tilespmem:s17+$0xD7F0];
	v23 =	vadd.f32 v44, v43;
	v5 =	vadd.f32 v42, v5  }
0x139: {  	v63 =	vmul.f32 v63, v58;
	v29 =	vmul.f32 v36, v29;
	v28 =	vld [tilespmem:s17+$0xD7C0];
	v22 =	vadd.f32 v32, v22  }
0x13a: {  	v26 =	vld [tilespmem:s13+$0x110];
	v53 =	vmul.f32 v61, v56;
	v23 =	vadd.f32 v46, v23;
	v5 =	vadd.f32 v45, v5  }
0x13b: {  	v61 =	vld [tilespmem:s13+$0x180];
	v52 =	vmul.f32 v60, v55;
	v48 =	vperm.xlane v22, v0  }
0x13c: {  	v32 =	vld [tilespmem:s13+$0x120];
	v51 =	vperm.xlane v23, v0;
	v50 =	vperm.xlane v5, v0  }
0x13d: {  	v24 =	vmul.f32 v30, v24;
	v43 =	vld [tilespmem:s13+$0x130];
	v56 =	vadd.f32 v53, v52;
	v49 =	vadd.f32 v22, v48  }
0x13e: {  	v47 =	vperm.xlane v4, v0;
	v52 =	vld [tilespmem:s13+$0x190];
	v23 =	vadd.f32 v23, v51;
	v5 =	vadd.f32 v5, v50  }
0x13f: {  	v25 =	vmul.f32 v33, v25;
	v53 =	vld [tilespmem:s17+$0xD810];
	v55 =	vperm.xlane v49, v1  }
0x140: {  	v4 =	vadd.f32 v4, v47;
	v45 =	vld [tilespmem:s17+$0xD800];
	v62 =	vperm.xlane v23, v1;
	v60 =	vperm.xlane v5, v1  }
0x141: {  	v25 =	vadd.f32 v25, v24;
	v58 =	vmul.f32 v40, v34;
	v22 =	vld [tilespmem:s12+$0x20];
	v39 =	vadd.f32 v49, v55  }
0x142: {  	v54 =	vperm.xlane v4, v1;
	v55 =	vld [tilespmem:s13+$0x1A0];
	v23 =	vadd.f32 v23, v62;
	v5 =	vadd.f32 v5, v60  }
0x143: {  	v26 =	vmul.f32 v26, v37;
	v61 =	vmul.f32 v61, v41;
	v42 =	vadd.f32 v57, v56;
	v57 =	vld [tilespmem:s17+$0xD820]  }
0x144: {  	v56 =	vmul.f32 v8, v59;
	v59 =	vld [tilespmem:s13+$0x1B0];
	v4 =	vadd.f32 v4, v54;
	v5 =	vsel vm0, v5, v23  }
0x145: {  	v26 =	vadd.f32 v26, v58;
	v62 =	vmul.f32 v52, v45;
	v60 =	vld [tilespmem:s17+$0xD830];
	v5 =	vsel vm1, v39, v5  }
0x146: {  	v28 =	vmul.f32 v32, v28;
	v54 =	vadd.f32 v63, v42;
	v23 =	vld [tilespmem:s12+$0x30];
	v4 =	vsel vm2, v4, v5  }
0x147: {  	v24 =	vld [tilespmem:s12+$0x10];
	v30 =	vmul.f32 v55, v53;
	v5 =	vadd.f32 v62, v61;
	v63 =	vperm.xlane v4, v2  }
0x148: {  	v21 =	vld [tilespmem:s13+$0xFFFFFF40];
	v6 =	vmul.f32 v35, v6;
	v42 =	vmul.f32 v43, v31;
	v41 =	vadd.f32 v28, v26  }
0x149: {  	v36 =	vld [tilespmem:s13+$0x50];
	v43 =	vmul.f32 v59, v57;
	v5 =	vadd.f32 v30, v5;
	v4 =	vadd.f32 v63, v4  }
0x14a: {  	v35 =	vld [tilespmem:s13+$0xFFFFFFD0];
	v6 =	vadd.f32 v6, v25;
	v25 =	vadd.f32 v42, v41;
	v45 =	vmul.f32 v22, v38  }
0x14b: {  	v33 =	vld [tilespmem:s13+$0x40];
	v46 =	vmul.f32 v23, v60;
	v5 =	vadd.f32 v43, v5;
	v47 =	vperm.xlane v4, v3  }
0x14c: {  	v44 =	vld [tilespmem:s13+$0x1C0];
	v6 =	vadd.f32 v29, v6;
	v27 =	vmul.f32 v24, v27;
	v25 =	vadd.f32 v45, v25  }
0x14d: {  	v40 =	vld [tilespmem:s13+$0x60];
	v5 =	vadd.f32 v46, v5;
	v4 =	vadd.f32 v47, v4  }
0x14e: {  	v34 =	vld [tilespmem:s13+$0xF0];
	v48 =	vadd.f32 v56, v54;
	v6 =	vadd.f32 v27, v6;
	v50 =	vperm.xlane v25, v0  }
0x14f: {  	v37 =	vld [tilespmem:s13+$0x140];
	v51 =	vperm.xlane v5, v0;
	v4 =	vmul.f32 $1.442695020e+00, v4  }
0x150: {  	v32 =	vld [tilespmem:s13+$0xFFFFFFC0];
	v52 =	vperm.xlane v48, v0;
	v53 =	vperm.xlane v6, v0  }
0x151: {  	v29 =	vld [tilespmem:s13+$0xFFFFFFF0];
	v25 =	vadd.f32 v25, v50;
	v5 =	vadd.f32 v5, v51;
	(erf) = vpow2.f32 v4  }
0x152: {  	v31 =	vld [tilespmem:s13+$0xFFFFFF70];
	v6 =	vadd.f32 v6, v53  }
0x153: {  	v28 =	vld [tilespmem:s13+$0xFFFFFF60];
	v54 =	vadd.f32 v48, v52;
	v55 =	vperm.xlane v25, v1;
	v56 =	vperm.xlane v5, v1  }
0x154: {  	v26 =	vld [tilespmem:s13+$0xFFFFFFE0];
	v57 =	vperm.xlane v6, v1  }
0x155: {  	v42 =	vld [tilespmem:s13+$0x1E0];
	v58 =	vperm.xlane v54, v1;
	v25 =	vadd.f32 v25, v55;
	v5 =	vadd.f32 v5, v56  }
0x156: {  	v38 =	vld [tilespmem:s13+$0xD0];
	v6 =	vadd.f32 v6, v57  }
0x157: {  	v39 =	vld [tilespmem:s13+$0xFFFFFF50];
	v27 =	vadd.f32 v54, v58;
	v5 =	vsel vm0, v25, v5  }
0x158: {  	v30 =	vld [tilespmem:s13+$0xC0];
	v5 =	vsel vm1, v6, v5  }
0x159: {  	v43 =	vld [tilespmem:s13+$0xE0];
	v5 =	vsel vm2, v27, v5  }
0x15a: {  	v49 =	vimm.s32 $0x0;
	v46 =	vld [tilespmem:s13+$0x1D0];
	v60 =	vperm.xlane v5, v2;
	v59 =	vpop (erf)  }
0x15b: {  	v47 =	vld [tilespmem:s13+$0x1F0];
	v61 =	vperm.xlane v59, v49  }
0x15c: {  	v4 =	vld [tilespmem:s13+$0x70];
	v5 =	vadd.f32 v5, v60  }
0x15d: {  	v25 =	vld [tilespmem:s13+$0x150];
	v19 =	vmul.f32 v61, v19  }
0x15e: {  	v51 =	vimm.s32 $0x8;
	v6 =	vld [tilespmem:s13+$0x160];
	v62 =	vperm.xlane v5, v3;
	v17 =	vmul.f32 v61, v17  }
0x15f: {  	v27 =	vld [tilespmem:s13+$0x170];
	v52 =	vperm.xlane v59, v51;
	v15 =	vmul.f32 v61, v15;
	[tilespmem:s17+$0xEEC0] =	vst v19  }
0x160: {  	v13 =	vmul.f32 v61, v13;
	v5 =	vadd.f32 v5, v62;
	[tilespmem:s17+$0xEED0] =	vst v17  }
0x161: {  	v10 =	vmul.f32 v61, v10;
	v53 =	vmul.f32 v52, v21;
	v19 =	vimm.s32 $0x4;
	[tilespmem:s17+$0xEEE0] =	vst v15  }
0x162: {  	[tilespmem:s17+$0xEEF0] =	vst v13;
	v63 =	vperm.xlane v59, v19;
	v5 =	vmul.f32 $1.442695020e+00, v5  }
0x163: {  	v54 =	vmul.f32 v52, v28;
	[tilespmem:s17+$0xEF00] =	vst v10  }
0x164: {  	[tilespmem:s17+$0xEF60] =	vst v53;
	(erf) = vpow2.f32 v5;
	v5 =	vmul.f32 v63, v16  }
0x165: {  	v55 =	vperm.xlane v59, v7;
	v56 =	vmul.f32 v52, v12;
	[tilespmem:s17+$0xEF80] =	vst v54  }
0x166: {  	[tilespmem:s17+$0xEF30] =	vst v5;
	v5 =	vmul.f32 v63, v11  }
0x167: {  	v57 =	vmul.f32 v55, v35;
	[tilespmem:s17+$0xEFA0] =	vst v56  }
0x168: {  	[tilespmem:s17+$0xEF50] =	vst v5;
	v5 =	vmul.f32 v52, v39  }
0x169: {  	[tilespmem:s17+$0xEFC0] =	vst v57;
	v59 =	vmul.f32 v55, v29  }
0x16a: {  	[tilespmem:s17+$0xEF70] =	vst v5;
	v5 =	vmul.f32 v52, v31  }
0x16b: {  	v45 =	vmul.f32 v63, v20;
	[tilespmem:s17+$0xEFE0] =	vst v59  }
0x16c: {  	[tilespmem:s17+$0xEF90] =	vst v5;
	v5 =	vmul.f32 v55, v32  }
0x16d: {  	v48 =	vmul.f32 v63, v18;
	[tilespmem:s17+$0xEF10] =	vst v45  }
0x16e: {  	v58 =	vpop (erf);
	[tilespmem:s17+$0xEFB0] =	vst v5;
	v5 =	vmul.f32 v55, v26  }
0x16f: {  	v50 =	vmul.f32 v63, v14;
	[tilespmem:s17+$0xEF20] =	vst v48;
	v60 =	vperm.xlane v58, v49  }
0x170: {  	[tilespmem:s17+$0xEFD0] =	vst v5;
	v5 =	vmul.f32 v55, v9  }
0x171: {  	[tilespmem:s17+$0xEF40] =	vst v50;
	v61 =	vmul.f32 v60, v33  }
0x172: {  	[tilespmem:s17+$0xEFF0] =	vst v5;
	v5 =	vmul.f32 v60, v36  }
0x173: {  	v62 =	vmul.f32 v60, v40;
	[tilespmem:s17+$0xF000] =	vst v61  }
0x174: {  	v4 =	vmul.f32 v60, v4;
	[tilespmem:s17+$0xF010] =	vst v5;
	v5 =	vperm.xlane v58, v19  }
0x175: {  	v8 =	vmul.f32 v60, v8;
	[tilespmem:s17+$0xF020] =	vst v62  }
0x176: {  	[tilespmem:s17+$0xF030] =	vst v4;
	v4 =	vmul.f32 v5, v30  }
0x177: {  	[tilespmem:s17+$0xF040] =	vst v8;
	v8 =	vmul.f32 v5, v38  }
0x178: {  	[tilespmem:s17+$0xF050] =	vst v4;
	v4 =	vmul.f32 v5, v43  }
0x179: {  	v63 =	vperm.xlane v58, v51;
	[tilespmem:s17+$0xF060] =	vst v8;
	v8 =	vmul.f32 v5, v34  }
0x17a: {  	[tilespmem:s17+$0xF070] =	vst v4;
	v4 =	vmul.f32 v5, v24  }
0x17b: {  	[tilespmem:s17+$0xF080] =	vst v8;
	v5 =	vmul.f32 v63, v37  }
0x17c: {  	[tilespmem:s17+$0xF090] =	vst v4;
	v4 =	vmul.f32 v63, v25  }
0x17d: {  	[tilespmem:s17+$0xF0A0] =	vst v5;
	v5 =	vmul.f32 v63, v6  }
0x17e: {  	v6 =	vperm.xlane v58, v7;
	[tilespmem:s17+$0xF0B0] =	vst v4;
	v4 =	vmul.f32 v63, v27  }
0x17f: {  	[tilespmem:s17+$0xF0C0] =	vst v5;
	v5 =	vmul.f32 v63, v22  }
0x180: {  	[tilespmem:s17+$0xF0D0] =	vst v4;
	v4 =	vmul.f32 v6, v44  }
0x181: {  	p0 =	sne.s32 s11, $0x2800;
	[tilespmem:s17+$0xF0E0] =	vst v5;
	v5 =	vmul.f32 v6, v46  }
.Ltmp1:
0x182: {  	[tilespmem:s17+$0xF0F0] =	vst v4;
	v4 =	vmul.f32 v6, v42;
	(pc) =	sbr.rel @p0 .LBB2_5-.Ltmp1, $4  }
0x183: {  	[tilespmem:s17+$0xF100] =	vst v5;
	v5 =	vmul.f32 v6, v47  }
0x184: {  	[tilespmem:s17+$0xF110] =	vst v4;
	v4 =	vmul.f32 v6, v23  }
0x185: {  	[tilespmem:s17+$0xF120] =	vst v5  }
0x186: {  	s11 =	sadd.s32 $0xA00, s11;
	s12 =	sadd.s32 $0x80, s12;
	s13 =	sadd.s32 $0x400, s13;
	[tilespmem:s17+$0xF130] =	vst v4  }
0x187: {  	s8 =	sadd.s32 $0x1, s8  }
0x188: {  	s10 =	smul.u32 $0xA0, s10;
	p0 =	sne.s32 s8, $0xFA  }
.Ltmp2:
0x189: {  	_ = 	snop;
	(pc) =	sbr.rel @p0 .LBB2_2-.Ltmp2, $4  }
0x18a: {  	_ = 	snop  }
0x18b: {  	s10 =	sshra.s32 s10, $0x2  }
0x18c: {  	s10 =	sadd.s32 $0x4E20, s10  }
0x18d: {  	[spmem:s1] =	stream.indirect.scatter.add.f32 [tilespmem:s3], [sflag:$0x8], $0x50, s10, s19, $0xb8;
	[tilespmem:$0x1C340] =	vst v63  }
0x18e: {  	_ =	swait.ge [sflag:s18], $0xC80  }
0x18f: {  	[sflag:s18] =	ssyncset.done $0x0  }
0x190: {  	[sflag:s18] =	ssyncadd.s32 $0xFFFFF380  }
0x191: {  	_ =	swait.ge [sflag:s20], $0xC80  }
0x192: {  	[sflag:s20] =	ssyncset.done $0x0  }
0x193: {  	[sflag:s20] =	ssyncadd.s32 $0xFFFFF380  }
0x194: {  	[bflag:$0x0] =	sbarrier.arrive $0xFFFF  }
0x195: {  	s8 =	rddreg [dreg:$0x6]  }
0x196: {  	[hbm:s8], [sflag:s9] =	dma.local [spmem:s15], $0x1900  }
0x197: {  	_ =	swait.ge [sflag:s16], $0x1900  }
0x198: {  	s21 =	sadd.s32 $0x1, s21;
	s17 =	rddreg [dreg:$0x8]  }
0x199: {  	p0 =	sne.s32 s21, s17  }
.Ltmp3:
0x19a: {  	_ = 	snop;
	(pc) =	sbr.rel @p0 .LBB2_1-.Ltmp3, $3  }
0x19b: {  	_ =	sdelay $0x1  }
0x19c: {  	[sflag:s16] =	ssyncset.done $0x0  }
0x19d: {  	[sflag:s16] =	ssyncadd.s32 $0xFFFFE700  }
0x19e: {  	_ =	sfence.sel $0x180000  }
0x19f: {  	[bflag:$0x0] =	sbarrier.arrive $0xFFFF  }
0x1a0: {  	_ =	strace $0x90000047  }
0x1a1: {  	s0 =	stileid.u32;
	[bflag:$0x2] =	sbarrier.arrive $0xFFFF  }
0x1a2: {  	p0 =	sne.s32 s0, $0x0;
	s0 =	rddreg [dreg:$0x2]  }
0x1a3: {  	s0 =	sadd.s32 @!p0 $0x100000, s0  }
0x1a4: {  	[sflag:s0] =	ssyncadd.tile.s32 @!p0 $0x1;
	_ =	shalt  }
.Lfunc_end2:
_tile_overlayer_lowered:
.L_overlay_start_2:
0x1a5: {  	(tag) =	ssettag $0x2  }
0x1a6: {  	s0 =	rddreg [dreg:$0x0];
	s2 =	stileid.u32  }
0x1a7: {  	s1 =	rddreg [dreg:$0x1];
	p0 =	sne.s32 s2, $0x0  }
0x1a8: {  	s3 =	rddreg [dreg:$0x2];
	[bflag:$0x3] =	sbarrier.arrive $0xFFFF;
	s2 =	simm.s32 @!p0 $0x1C09  }
0x1a9: {  	[timem:s3], [sflag:s2] =	dma.local @!p0 [hbm:s0], s1  }
0x1aa: {  	s0 =	simm.s32 @!p0 $0x9  }
0x1ab: {  	_ =	swait.ge @!p0 [sflag:s0], s1  }
0x1ac: {  	s1 =	ssub.s32 @!p0 $0x0, s1;
	[sflag:s0] =	ssyncset.done @!p0 $0x0  }
0x1ad: {  	[sflag:s0] =	ssyncadd.s32 @!p0 s1  }
0x1ae: {  	[bflag:$0x3] =	sbarrier.arrive $0xFFFF  }
0x1af: {  	_ =	shalt  }

</sc_bundles>
